<compile_context>
chip_gen: v7x
topology: tpu7x:2x2x1
jax: 0.10.2.dev20260603
libtpu: 0.0.44.dev20260713+nightly
codegen_flags: <defaults>
</compile_context>

<pallas_src>
import functools

import jax
import jax.numpy as jnp
from jax import lax
from jax.experimental import pallas as pl
from jax.experimental.pallas import tpu as pltpu
from jax.experimental.pallas import tpu_sc as plsc

_SC_CORES = 2
_SC_SUBCORES = 16
_LANES = 16
_NW = _SC_CORES * _SC_SUBCORES


def _w2sum_body(w2_ref, v2_ref):
    ones = jnp.ones((1, w2_ref.shape[2]), jnp.float32)
    v2_ref[0] = lax.dot_general(
        ones, w2_ref[0], (((1,), (1,)), ((), ())),
        preferred_element_type=jnp.float32)


def _w2sum(w2, hb):
    E, H, D = w2.shape
    return pl.pallas_call(
        _w2sum_body,
        grid=(E, H // hb),
        in_specs=[pl.BlockSpec((1, hb, D), lambda e, h: (e, h, 0))],
        out_specs=pl.BlockSpec((1, 1, hb), lambda e, h: (e, 0, h)),
        out_shape=jax.ShapeDtypeStruct((E, 1, H), jnp.float32),
    )(w2)


def _w1mul_body(w1_ref, v2_ref, b1_ref, b2_ref, u_ref, c_ref):
    e = pl.program_id(0)
    d = pl.program_id(1)
    v2row = v2_ref[0]
    u_ref[0] = lax.dot_general(
        v2row, w1_ref[0], (((1,), (1,)), ((), ())),
        preferred_element_type=jnp.float32)

    @pl.when(d == 0)
    def _():
        cval = jnp.sum(b1_ref[e, :] * v2row[0]) + jnp.sum(b2_ref[e, :])
        c_ref[0, 0, :] = jnp.zeros((128,), jnp.float32) + cval


def _w1mul(w1, v2, b1, b2, db):
    E, D, H = w1.shape
    return pl.pallas_call(
        _w1mul_body,
        grid=(E, D // db),
        in_specs=[
            pl.BlockSpec((1, db, H), lambda e, d: (e, d, 0)),
            pl.BlockSpec((1, 1, H), lambda e, d: (e, 0, 0)),
            pl.BlockSpec((E, H), lambda e, d: (0, 0)),
            pl.BlockSpec((E, D), lambda e, d: (0, 0)),
        ],
        out_specs=[
            pl.BlockSpec((1, 1, db), lambda e, d: (e, 0, d)),
            pl.BlockSpec((1, 1, 128), lambda e, d: (e, 0, 0)),
        ],
        out_shape=[
            jax.ShapeDtypeStruct((E, 1, D), jnp.float32),
            jax.ShapeDtypeStruct((E, 1, 128), jnp.float32),
        ],
    )(w1, v2, b1, b2)


def _logits_body(x_ref, wg_ref, out_ref):
    sc_chunk = out_ref.shape[2]
    nc = out_ref.shape[0]
    lg = lax.dot_general(
        wg_ref[...], x_ref[...], (((0,), (1,)), ((), ())),
        preferred_element_type=jnp.float32)
    for i in range(nc):
        out_ref[i] = lg[:, i * sc_chunk:(i + 1) * sc_chunk]


def _logits(xf, wg, sc_chunk, chunks_per_step=4):
    S, D = xf.shape
    E = wg.shape[1]
    nw = S // sc_chunk
    cps = chunks_per_step
    return pl.pallas_call(
        _logits_body,
        grid=(nw // cps,),
        in_specs=[
            pl.BlockSpec((cps * sc_chunk, D), lambda w: (w, 0)),
            pl.BlockSpec((D, E), lambda w: (0, 0)),
        ],
        out_specs=pl.BlockSpec((cps, E, sc_chunk), lambda w: (w, 0, 0)),
        out_shape=jax.ShapeDtypeStruct((nw, E, sc_chunk), jnp.float32),
    )(xf, wg)


def _make_sc_route(S, E, sc_chunk):
    groups = sc_chunk // _LANES
    mesh = plsc.VectorSubcoreMesh(core_axis_name="c", subcore_axis_name="s")

    @functools.partial(
        pl.kernel,
        mesh=mesh,
        compiler_params=pltpu.CompilerParams(needs_layout_passes=False),
        out_type=[
            jax.ShapeDtypeStruct((S,), jnp.int32),
            jax.ShapeDtypeStruct((S,), jnp.float32),
            jax.ShapeDtypeStruct((S,), jnp.int32),
            jax.ShapeDtypeStruct((_NW, E), jnp.int32),
        ],
        scratch_types=[
            pltpu.VMEM((E, sc_chunk), jnp.float32),
            pltpu.VMEM((sc_chunk,), jnp.int32),
            pltpu.VMEM((sc_chunk,), jnp.float32),
            pltpu.VMEM((sc_chunk,), jnp.int32),
            pltpu.VMEM((E,), jnp.int32),
        ],
    )
    def route(lg_hbm, arg_hbm, gate_hbm, posl_hbm, cnt_hbm,
              lt, argv, gatev, poslv, cntv):
        wid = lax.axis_index("s") * _SC_CORES + lax.axis_index("c")
        base = wid * sc_chunk
        pltpu.sync_copy(lg_hbm.at[wid], lt)

        for g in range(groups):
            sl = pl.ds(g * _LANES, _LANES)

            def amax_body(e, carry):
                m, a = carry
                v = lt[e, sl]
                gt = v > m
                return jnp.maximum(m, v), jnp.where(gt, e, a)

            m, a = lax.fori_loop(
                0, E, amax_body,
                (jnp.full((_LANES,), -jnp.inf, jnp.float32),
                 jnp.zeros((_LANES,), jnp.int32)))

            def sum_body(e, s):
                return s + jnp.exp(lt[e, sl] - m)

            ssum = lax.fori_loop(0, E, sum_body,
                                 jnp.zeros((_LANES,), jnp.float32))
            argv[sl] = a
            gatev[sl] = 1.0 / ssum

        iota = lax.iota(jnp.int32, _LANES)

        def ebody(e, carry):
            c0, c1, c2, c3 = carry
            cnt = jnp.int32(0)
            for g in range(groups):
                sl = pl.ds(g * _LANES, _LANES)
                aa = argv[sl]
                msk = aa == e
                ones = jnp.where(msk, 1, 0)
                incl = plsc.cumsum(ones)
                poslv[sl] = jnp.where(msk, cnt + incl - 1, poslv[sl])
                cnt = cnt + incl[_LANES - 1]
            c0 = jnp.where(iota == e, cnt, c0)
            c1 = jnp.where(iota + 16 == e, cnt, c1)
            c2 = jnp.where(iota + 32 == e, cnt, c2)
            c3 = jnp.where(iota + 48 == e, cnt, c3)
            return c0, c1, c2, c3

        z16 = jnp.zeros((_LANES,), jnp.int32)
        c0, c1, c2, c3 = lax.fori_loop(0, E, ebody, (z16, z16, z16, z16))
        cntv[pl.ds(0, 16)] = c0
        cntv[pl.ds(16, 16)] = c1
        cntv[pl.ds(32, 16)] = c2
        cntv[pl.ds(48, 16)] = c3

        pltpu.sync_copy(argv, arg_hbm.at[pl.ds(base, sc_chunk)])
        pltpu.sync_copy(gatev, gate_hbm.at[pl.ds(base, sc_chunk)])
        pltpu.sync_copy(poslv, posl_hbm.at[pl.ds(base, sc_chunk)])
        pltpu.sync_copy(cntv, cnt_hbm.at[wid])

    return route


def _make_sc_scale(S, E, sc_chunk, cap):
    groups = sc_chunk // _LANES
    mesh = plsc.VectorSubcoreMesh(core_axis_name="c", subcore_axis_name="s")

    @functools.partial(
        pl.kernel,
        mesh=mesh,
        compiler_params=pltpu.CompilerParams(needs_layout_passes=False),
        out_type=[jax.ShapeDtypeStruct((S,), jnp.float32)],
        scratch_types=[
            pltpu.VMEM((_NW, E), jnp.int32),
            pltpu.VMEM((E,), jnp.int32),
            pltpu.VMEM((sc_chunk,), jnp.int32),
            pltpu.VMEM((sc_chunk,), jnp.int32),
            pltpu.VMEM((sc_chunk,), jnp.float32),
            pltpu.VMEM((sc_chunk,), jnp.float32),
        ],
    )
    def scale_k(cnt_hbm, arg_hbm, posl_hbm, gate_hbm, scale_hbm,
                allc, basec, argv, poslv, gatev, scalev):
        wid = lax.axis_index("s") * _SC_CORES + lax.axis_index("c")
        base = wid * sc_chunk
        pltpu.sync_copy(cnt_hbm, allc)
        pltpu.sync_copy(arg_hbm.at[pl.ds(base, sc_chunk)], argv)
        pltpu.sync_copy(posl_hbm.at[pl.ds(base, sc_chunk)], poslv)
        pltpu.sync_copy(gate_hbm.at[pl.ds(base, sc_chunk)], gatev)

        def wbody(w, carry):
            a0, a1, a2, a3 = carry
            f = jnp.where(w < wid, 1, 0)
            a0 = a0 + f * allc[w, pl.ds(0, 16)]
            a1 = a1 + f * allc[w, pl.ds(16, 16)]
            a2 = a2 + f * allc[w, pl.ds(32, 16)]
            a3 = a3 + f * allc[w, pl.ds(48, 16)]
            return a0, a1, a2, a3

        z16 = jnp.zeros((_LANES,), jnp.int32)
        a0, a1, a2, a3 = lax.fori_loop(0, _NW, wbody, (z16, z16, z16, z16))
        basec[pl.ds(0, 16)] = a0
        basec[pl.ds(16, 16)] = a1
        basec[pl.ds(32, 16)] = a2
        basec[pl.ds(48, 16)] = a3

        for g in range(groups):
            sl = pl.ds(g * _LANES, _LANES)
            aa = argv[sl]
            b = plsc.load_gather(basec, [aa])
            pos = b + poslv[sl]
            scalev[sl] = jnp.where(pos < cap, gatev[sl], 0.0)

        pltpu.sync_copy(scalev, scale_hbm.at[pl.ds(base, sc_chunk)])

    return scale_k


def _combine_body(x_ref, u_ref, c_ref, idx_ref, scale_ref, z_ref):
    sb = x_ref.shape[0]
    E = u_ref.shape[0]
    dots = lax.dot_general(
        x_ref[...], u_ref[...], (((1,), (1,)), ((), ())),
        preferred_element_type=jnp.float32)
    idxb = idx_ref[0, 0, :]
    oh = lax.broadcasted_iota(jnp.int32, (sb, E), 1) == idxb[:, None]
    val = jnp.sum(jnp.where(oh, dots, 0.0), axis=1)
    cv = jnp.sum(jnp.where(oh, c_ref[...], 0.0), axis=1)
    z_ref[0, 0, :] = scale_ref[0, 0, :] * (val + cv)


def _combine(xf, u, crow, idx3, scale3, sb):
    S, D = xf.shape
    E = u.shape[0]
    nb = S // sb
    return pl.pallas_call(
        _combine_body,
        grid=(nb,),
        in_specs=[
            pl.BlockSpec((sb, D), lambda i: (i, 0)),
            pl.BlockSpec((E, D), lambda i: (0, 0)),
            pl.BlockSpec((1, E), lambda i: (0, 0)),
            pl.BlockSpec((1, 1, sb), lambda i: (i, 0, 0)),
            pl.BlockSpec((1, 1, sb), lambda i: (i, 0, 0)),
        ],
        out_specs=pl.BlockSpec((1, 1, sb), lambda i: (i, 0, 0)),
        out_shape=jax.ShapeDtypeStruct((nb, 1, sb), jnp.float32),
    )(xf, u, crow, idx3, scale3)


def _lsm_body(z_ref, o_ref):
    z = z_ref[...]
    m = jnp.max(z, axis=1, keepdims=True)
    ex = jnp.exp(z - m)
    lse = jnp.log(jnp.sum(ex, axis=1, keepdims=True))
    o_ref[...] = z - m - lse


def _log_softmax(z):
    B, T = z.shape
    return pl.pallas_call(
        _lsm_body,
        out_shape=jax.ShapeDtypeStruct((B, T), jnp.float32),
    )(z)


def kernel(x, wg, w1, b1, w2, b2):
    B, T, D = x.shape
    E = wg.shape[1]
    H = w1.shape[2]
    S = B * T
    cap = S // E
    sc_chunk = S // _NW
    xf = x.reshape(S, D)

    lg = _logits(xf, wg, sc_chunk)
    arg, gate, posl, counts = _make_sc_route(S, E, sc_chunk)(lg)
    v2 = _w2sum(w2, hb=3072)
    scale = _make_sc_scale(S, E, sc_chunk, cap)(counts, arg, posl, gate)[0]
    u3, c3 = _w1mul(w1, v2, b1, b2, db=768)
    u = u3.reshape(E, D)
    crow = c3[:, 0, 0].reshape(1, E)

    sb = 2048
    nb = S // sb
    z3 = _combine(xf, u, crow,
                  arg.reshape(nb, 1, sb), scale.reshape(nb, 1, sb), sb)
    return _log_softmax(z3.reshape(B, T))

# --- scband reference (transcript-rebuilt; emitter-appended) ---
"""Pipeline reference for scband-example-model-8512625180725 (READ-ONLY COPY).

The authoritative reference and input builder live on the scoring server;
editing this copy changes nothing except your own understanding.
"""

import jax, jax.numpy as jnp
import numpy as np

B, T, D, H, E = 4, 2048, 768, 3072, 64


def setup_inputs(seed: int = 0) -> dict:
    key = jax.random.key(seed)
    ks = jax.random.split(key, 6)
    x = jax.random.normal(ks[0], (B, T, D), dtype=jnp.float32)
    wg = jax.random.normal(ks[1], (D, E), dtype=jnp.float32) * (1.0 / np.sqrt(D))
    w1 = jax.random.normal(ks[2], (E, D, H), dtype=jnp.float32) * (1.0 / np.sqrt(D))
    b1 = jnp.zeros((E, H), dtype=jnp.float32)
    w2 = jax.random.normal(ks[3], (E, H, D), dtype=jnp.float32) * (1.0 / np.sqrt(H))
    b2 = jnp.zeros((E, D), dtype=jnp.float32)
    return {"x": x, "wg": wg, "w1": w1, "b1": b1, "w2": w2, "b2": b2}


def _moe_forward(x, wg, w1, b1, w2, b2):
    Bb, Tt, Dd = x.shape
    Ee = wg.shape[1]
    S = Bb * Tt
    cap = S // Ee  # capacity factor 1.0, top-1 gate
    xf = x.reshape(S, Dd)
    # Top1Gate: linear gate projection, softmax, argmax routing
    logits = xf @ wg
    probs = jax.nn.softmax(logits, axis=-1)
    idx = jnp.argmax(logits, axis=-1)
    gate = jnp.take_along_axis(probs, idx[:, None], axis=1)[:, 0]
    # position of each token within its expert's buffer (capacity-based dispatch)
    mask = jax.nn.one_hot(idx, Ee, dtype=jnp.int32)
    pos_per_expert = jnp.cumsum(mask, axis=0) - mask
    pos = jnp.sum(pos_per_expert * mask, axis=1)
    keep = (pos < cap).astype(xf.dtype)
    gate = gate * keep
    pos_c = jnp.clip(pos, 0, cap - 1)
    # dispatch: scatter-add tokens into [E, cap, D] expert buffers
    disp = jnp.zeros((Ee, cap, Dd), dtype=xf.dtype).at[idx, pos_c].add(xf * keep[:, None])
    # expert FFN: fc1 -> identity activation -> fc2
    h = jnp.einsum('ecd,edh->ech', disp, w1) + b1[:, None, :]
    out = jnp.einsum('ech,ehd->ecd', h, w2) + b2[:, None, :]
    # combine: gather each token's expert output and scale by gate prob
    yf = out[idx, pos_c] * gate[:, None]
    y = yf.reshape(Bb, Tt, Dd)
    return jax.nn.log_softmax(jnp.sum(y, axis=2), axis=1)


def reference(x, wg, w1, b1, w2, b2):
    return _moe_forward(x, wg, w1, b1, w2, b2)

if __name__ == "__main__":
    import jax
    _d = setup_inputs()
    print(jax.jit(kernel)(*tuple(_d.values())))

</pallas_src>

<mosaic_0001>
#map = affine_map<(d0, d1) -> (0, 0)>
#map1 = affine_map<(d0, d1) -> (0)>
module attributes {stable_mosaic.version = 14 : i64} {
  func.func @scale_k(%arg0: i32, %arg1: i32, %arg2: memref<32x64xi32, #tpu.memory_space<hbm>>, %arg3: memref<8192xi32, #tpu.memory_space<hbm>>, %arg4: memref<8192xi32, #tpu.memory_space<hbm>>, %arg5: memref<8192xf32, #tpu.memory_space<hbm>>, %arg6: memref<8192xf32, #tpu.memory_space<hbm>>, %arg7: memref<32x64xi32, #tpu.memory_space<vmem>>, %arg8: memref<64xi32, #tpu.memory_space<vmem>>, %arg9: memref<256xi32, #tpu.memory_space<vmem>>, %arg10: memref<256xi32, #tpu.memory_space<vmem>>, %arg11: memref<256xf32, #tpu.memory_space<vmem>>, %arg12: memref<256xf32, #tpu.memory_space<vmem>>) attributes {dimension_semantics = [#tpu.dimension_semantics<core_parallel>, #tpu.dimension_semantics<subcore_parallel>], iteration_bounds = array<i64: 2, 16>, scalar_prefetch = 0 : i64, scratch_operands = 6 : i64, tpu.core_type = #tpu.core_type<sc_vector_subcore>, window_params = [{transform_indices = #map}, {transform_indices = #map1}, {transform_indices = #map1}, {transform_indices = #map1}, {transform_indices = #map1}]} {
    %mul3A = arith.constant 2 : i32
    %mul3A_0 = arith.muli %arg1, %mul3A : i32
    %add3A = arith.addi %mul3A_0, %arg0 : i32
    %mul3A_1 = arith.constant 256 : i32
    %mul3A_2 = arith.muli %add3A, %mul3A_1 : i32
    "tpu.region"() ({
      %run_scoped3A = tpu.sem_alloc : memref<!tpu.dma_semaphore, #tpu.memory_space<semaphore_mem>>
      tpu.enqueue_dma source(%arg2 : memref<32x64xi32, #tpu.memory_space<hbm>>) target(%arg7 : memref<32x64xi32, #tpu.memory_space<vmem>>) target_semaphore(%run_scoped3A : memref<!tpu.dma_semaphore, #tpu.memory_space<semaphore_mem>>)
      tpu.wait_dma2 semaphore(%run_scoped3A : memref<!tpu.dma_semaphore, #tpu.memory_space<semaphore_mem>>) src(%arg2 : memref<32x64xi32, #tpu.memory_space<hbm>>) dst(%arg7 : memref<32x64xi32, #tpu.memory_space<vmem>>)
      tpu.yield
    }) : () -> ()
    "tpu.region"() ({
      %run_scoped3A = tpu.sem_alloc : memref<!tpu.dma_semaphore, #tpu.memory_space<semaphore_mem>>
      %dma_start3A = tpu.memref_slice %arg3[%mul3A_2] : memref<8192xi32, #tpu.memory_space<hbm>> -> memref<256xi32, #tpu.memory_space<hbm>>
      %dma_start3A_267 = tpu.memref_slice %arg3[%mul3A_2] : memref<8192xi32, #tpu.memory_space<hbm>> -> memref<256xi32, #tpu.memory_space<hbm>>
      tpu.enqueue_dma source(%dma_start3A_267 : memref<256xi32, #tpu.memory_space<hbm>>) target(%arg9 : memref<256xi32, #tpu.memory_space<vmem>>) target_semaphore(%run_scoped3A : memref<!tpu.dma_semaphore, #tpu.memory_space<semaphore_mem>>)
      %dma_wait3A = tpu.memref_slice %arg3[%mul3A_2] : memref<8192xi32, #tpu.memory_space<hbm>> -> memref<256xi32, #tpu.memory_space<hbm>>
      %dma_wait3A_268 = tpu.memref_slice %arg3[%mul3A_2] : memref<8192xi32, #tpu.memory_space<hbm>> -> memref<256xi32, #tpu.memory_space<hbm>>
      tpu.wait_dma2 semaphore(%run_scoped3A : memref<!tpu.dma_semaphore, #tpu.memory_space<semaphore_mem>>) src(%dma_wait3A_268 : memref<256xi32, #tpu.memory_space<hbm>>) dst(%arg9 : memref<256xi32, #tpu.memory_space<vmem>>)
      tpu.yield
    }) : () -> ()
    "tpu.region"() ({
      %run_scoped3A = tpu.sem_alloc : memref<!tpu.dma_semaphore, #tpu.memory_space<semaphore_mem>>
      %dma_start3A = tpu.memref_slice %arg4[%mul3A_2] : memref<8192xi32, #tpu.memory_space<hbm>> -> memref<256xi32, #tpu.memory_space<hbm>>
      %dma_start3A_267 = tpu.memref_slice %arg4[%mul3A_2] : memref<8192xi32, #tpu.memory_space<hbm>> -> memref<256xi32, #tpu.memory_space<hbm>>
      tpu.enqueue_dma source(%dma_start3A_267 : memref<256xi32, #tpu.memory_space<hbm>>) target(%arg10 : memref<256xi32, #tpu.memory_space<vmem>>) target_semaphore(%run_scoped3A : memref<!tpu.dma_semaphore, #tpu.memory_space<semaphore_mem>>)
      %dma_wait3A = tpu.memref_slice %arg4[%mul3A_2] : memref<8192xi32, #tpu.memory_space<hbm>> -> memref<256xi32, #tpu.memory_space<hbm>>
      %dma_wait3A_268 = tpu.memref_slice %arg4[%mul3A_2] : memref<8192xi32, #tpu.memory_space<hbm>> -> memref<256xi32, #tpu.memory_space<hbm>>
      tpu.wait_dma2 semaphore(%run_scoped3A : memref<!tpu.dma_semaphore, #tpu.memory_space<semaphore_mem>>) src(%dma_wait3A_268 : memref<256xi32, #tpu.memory_space<hbm>>) dst(%arg10 : memref<256xi32, #tpu.memory_space<vmem>>)
      tpu.yield
    }) : () -> ()
    "tpu.region"() ({
      %run_scoped3A = tpu.sem_alloc : memref<!tpu.dma_semaphore, #tpu.memory_space<semaphore_mem>>
      %dma_start3A = tpu.memref_slice %arg5[%mul3A_2] : memref<8192xf32, #tpu.memory_space<hbm>> -> memref<256xf32, #tpu.memory_space<hbm>>
      %dma_start3A_267 = tpu.memref_slice %arg5[%mul3A_2] : memref<8192xf32, #tpu.memory_space<hbm>> -> memref<256xf32, #tpu.memory_space<hbm>>
      tpu.enqueue_dma source(%dma_start3A_267 : memref<256xf32, #tpu.memory_space<hbm>>) target(%arg11 : memref<256xf32, #tpu.memory_space<vmem>>) target_semaphore(%run_scoped3A : memref<!tpu.dma_semaphore, #tpu.memory_space<semaphore_mem>>)
      %dma_wait3A = tpu.memref_slice %arg5[%mul3A_2] : memref<8192xf32, #tpu.memory_space<hbm>> -> memref<256xf32, #tpu.memory_space<hbm>>
      %dma_wait3A_268 = tpu.memref_slice %arg5[%mul3A_2] : memref<8192xf32, #tpu.memory_space<hbm>> -> memref<256xf32, #tpu.memory_space<hbm>>
      tpu.wait_dma2 semaphore(%run_scoped3A : memref<!tpu.dma_semaphore, #tpu.memory_space<semaphore_mem>>) src(%dma_wait3A_268 : memref<256xf32, #tpu.memory_space<hbm>>) dst(%arg11 : memref<256xf32, #tpu.memory_space<vmem>>)
      tpu.yield
    }) : () -> ()
    %broadcast_in_dim3A = arith.constant 0 : i32
    %broadcast_in_dim3A_3 = vector.broadcast %broadcast_in_dim3A : i32 to vector<16xi32>
    %scan3A = arith.constant 0 : i32
    %scan3A_4 = arith.constant 32 : i32
    %scan3A_5 = arith.addi %scan3A, %scan3A_4 : i32
    %scan3A_6 = arith.constant 1 : i32
    %scan3A_7:4 = scf.for %scan3A_267 = %scan3A to %scan3A_5 step %scan3A_6 iter_args(%scan3A_268 = %broadcast_in_dim3A_3, %scan3A_269 = %broadcast_in_dim3A_3, %scan3A_270 = %broadcast_in_dim3A_3, %scan3A_271 = %broadcast_in_dim3A_3) -> (vector<16xi32>, vector<16xi32>, vector<16xi32>, vector<16xi32>)  : i32 {
      %lt3A_272 = arith.cmpi slt, %scan3A_267, %add3A : i32
      %jit3A_273 = arith.constant 1 : i32
      %jit3A_274 = arith.constant 0 : i32
      %select_n3A_275 = arith.select %lt3A_272, %jit3A_273, %jit3A_274 : i32
      %get3A_276 = arith.index_cast %scan3A_267 : i32 to index
      %get3A_277 = arith.constant 0 : index
      %get3A_278 = tpu.vector_load %arg7[%get3A_276, %get3A_277] {strides = array<i32>} : memref<32x64xi32, #tpu.memory_space<vmem>>, vector<16xi32>,
      %mul3A_279 = vector.broadcast %select_n3A_275 : i32 to vector<16xi32>
      %mul3A_280 = arith.muli %mul3A_279, %get3A_278 : vector<16xi32>
      %add3A_281 = arith.addi %scan3A_268, %mul3A_280 : vector<16xi32>
      %get3A_282 = arith.index_cast %scan3A_267 : i32 to index
      %get3A_283 = arith.constant 16 : index
      %get3A_284 = tpu.vector_load %arg7[%get3A_282, %get3A_283] {strides = array<i32>} : memref<32x64xi32, #tpu.memory_space<vmem>>, vector<16xi32>,
      %mul3A_285 = vector.broadcast %select_n3A_275 : i32 to vector<16xi32>
      %mul3A_286 = arith.muli %mul3A_285, %get3A_284 : vector<16xi32>
      %add3A_287 = arith.addi %scan3A_269, %mul3A_286 : vector<16xi32>
      %get3A_288 = arith.index_cast %scan3A_267 : i32 to index
      %get3A_289 = arith.constant 32 : index
      %get3A_290 = tpu.vector_load %arg7[%get3A_288, %get3A_289] {strides = array<i32>} : memref<32x64xi32, #tpu.memory_space<vmem>>, vector<16xi32>,
      %mul3A_291 = vector.broadcast %select_n3A_275 : i32 to vector<16xi32>
      %mul3A_292 = arith.muli %mul3A_291, %get3A_290 : vector<16xi32>
      %add3A_293 = arith.addi %scan3A_270, %mul3A_292 : vector<16xi32>
      %get3A_294 = arith.index_cast %scan3A_267 : i32 to index
      %get3A_295 = arith.constant 48 : index
      %get3A_296 = tpu.vector_load %arg7[%get3A_294, %get3A_295] {strides = array<i32>} : memref<32x64xi32, #tpu.memory_space<vmem>>, vector<16xi32>,
      %mul3A_297 = vector.broadcast %select_n3A_275 : i32 to vector<16xi32>
      %mul3A_298 = arith.muli %mul3A_297, %get3A_296 : vector<16xi32>
      %add3A_299 = arith.addi %scan3A_271, %mul3A_298 : vector<16xi32>
      scf.yield %add3A_281, %add3A_287, %add3A_293, %add3A_299 : vector<16xi32>, vector<16xi32>, vector<16xi32>, vector<16xi32>
    }
    %scan3A_8 = arith.constant 32 : i32
    %swap3A = arith.constant 0 : index
    %swap3A_9 = tpu.vector_load %arg8[%swap3A] {strides = array<i32>} : memref<64xi32, #tpu.memory_space<vmem>>, vector<16xi32>,
    tpu.vector_store %arg8[%swap3A], %scan3A_7#0 {strides = array<i32>} : memref<64xi32, #tpu.memory_space<vmem>>, vector<16xi32>,
    %swap3A_10 = arith.constant 16 : index
    %swap3A_11 = tpu.vector_load %arg8[%swap3A_10] {strides = array<i32>} : memref<64xi32, #tpu.memory_space<vmem>>, vector<16xi32>,
    tpu.vector_store %arg8[%swap3A_10], %scan3A_7#1 {strides = array<i32>} : memref<64xi32, #tpu.memory_space<vmem>>, vector<16xi32>,
    %swap3A_12 = arith.constant 32 : index
    %swap3A_13 = tpu.vector_load %arg8[%swap3A_12] {strides = array<i32>} : memref<64xi32, #tpu.memory_space<vmem>>, vector<16xi32>,
    tpu.vector_store %arg8[%swap3A_12], %scan3A_7#2 {strides = array<i32>} : memref<64xi32, #tpu.memory_space<vmem>>, vector<16xi32>,
    %swap3A_14 = arith.constant 48 : index
    %swap3A_15 = tpu.vector_load %arg8[%swap3A_14] {strides = array<i32>} : memref<64xi32, #tpu.memory_space<vmem>>, vector<16xi32>,
    tpu.vector_store %arg8[%swap3A_14], %scan3A_7#3 {strides = array<i32>} : memref<64xi32, #tpu.memory_space<vmem>>, vector<16xi32>,
    %get3A = arith.constant 0 : index
    %get3A_16 = tpu.vector_load %arg9[%get3A] {strides = array<i32>} : memref<256xi32, #tpu.memory_space<vmem>>, vector<16xi32>,
    %gather3A = tpu.vector_load_idx %arg8[%get3A_16] : memref<64xi32, #tpu.memory_space<vmem>>[vector<16xi32>], vector<16xi32>,
    %get3A_17 = arith.constant 0 : index
    %get3A_18 = tpu.vector_load %arg10[%get3A_17] {strides = array<i32>} : memref<256xi32, #tpu.memory_space<vmem>>, vector<16xi32>,
    %add3A_19 = arith.addi %gather3A, %get3A_18 : vector<16xi32>
    %lt3A = arith.constant 128 : i32
    %lt3A_20 = vector.broadcast %lt3A : i32 to vector<16xi32>
    %lt3A_21 = arith.cmpi slt, %add3A_19, %lt3A_20 : vector<16xi32>
    %get3A_22 = arith.constant 0 : index
    %get3A_23 = tpu.vector_load %arg11[%get3A_22] {strides = array<i32>} : memref<256xf32, #tpu.memory_space<vmem>>, vector<16xf32>,
    %jit3A = arith.constant 0.000000e+00 : f32
    %broadcast_in_dim3A_24 = vector.broadcast %jit3A : f32 to vector<16xf32>
    %select_n3A = arith.select %lt3A_21, %get3A_23, %broadcast_in_dim3A_24 : vector<16xi1>, vector<16xf32>
    %swap3A_25 = arith.constant 0 : index
    %swap3A_26 = tpu.vector_load %arg12[%swap3A_25] {strides = array<i32>} : memref<256xf32, #tpu.memory_space<vmem>>, vector<16xf32>,
    tpu.vector_store %arg12[%swap3A_25], %select_n3A {strides = array<i32>} : memref<256xf32, #tpu.memory_space<vmem>>, vector<16xf32>,
    %get3A_27 = arith.constant 16 : index
    %get3A_28 = tpu.vector_load %arg9[%get3A_27] {strides = array<i32>} : memref<256xi32, #tpu.memory_space<vmem>>, vector<16xi32>,
    %gather3A_29 = tpu.vector_load_idx %arg8[%get3A_28] : memref<64xi32, #tpu.memory_space<vmem>>[vector<16xi32>], vector<16xi32>,
    %get3A_30 = arith.constant 16 : index
    %get3A_31 = tpu.vector_load %arg10[%get3A_30] {strides = array<i32>} : memref<256xi32, #tpu.memory_space<vmem>>, vector<16xi32>,
    %add3A_32 = arith.addi %gather3A_29, %get3A_31 : vector<16xi32>
    %lt3A_33 = arith.constant 128 : i32
    %lt3A_34 = vector.broadcast %lt3A_33 : i32 to vector<16xi32>
    %lt3A_35 = arith.cmpi slt, %add3A_32, %lt3A_34 : vector<16xi32>
    %get3A_36 = arith.constant 16 : index
    %get3A_37 = tpu.vector_load %arg11[%get3A_36] {strides = array<i32>} : memref<256xf32, #tpu.memory_space<vmem>>, vector<16xf32>,
    %jit3A_38 = arith.constant 0.000000e+00 : f32
    %broadcast_in_dim3A_39 = vector.broadcast %jit3A_38 : f32 to vector<16xf32>
    %select_n3A_40 = arith.select %lt3A_35, %get3A_37, %broadcast_in_dim3A_39 : vector<16xi1>, vector<16xf32>
    %swap3A_41 = arith.constant 16 : index
    %swap3A_42 = tpu.vector_load %arg12[%swap3A_41] {strides = array<i32>} : memref<256xf32, #tpu.memory_space<vmem>>, vector<16xf32>,
    tpu.vector_store %arg12[%swap3A_41], %select_n3A_40 {strides = array<i32>} : memref<256xf32, #tpu.memory_space<vmem>>, vector<16xf32>,
    %get3A_43 = arith.constant 32 : index
    %get3A_44 = tpu.vector_load %arg9[%get3A_43] {strides = array<i32>} : memref<256xi32, #tpu.memory_space<vmem>>, vector<16xi32>,
    %gather3A_45 = tpu.vector_load_idx %arg8[%get3A_44] : memref<64xi32, #tpu.memory_space<vmem>>[vector<16xi32>], vector<16xi32>,
    %get3A_46 = arith.constant 32 : index
    %get3A_47 = tpu.vector_load %arg10[%get3A_46] {strides = array<i32>} : memref<256xi32, #tpu.memory_space<vmem>>, vector<16xi32>,
    %add3A_48 = arith.addi %gather3A_45, %get3A_47 : vector<16xi32>
    %lt3A_49 = arith.constant 128 : i32
    %lt3A_50 = vector.broadcast %lt3A_49 : i32 to vector<16xi32>
    %lt3A_51 = arith.cmpi slt, %add3A_48, %lt3A_50 : vector<16xi32>
    %get3A_52 = arith.constant 32 : index
    %get3A_53 = tpu.vector_load %arg11[%get3A_52] {strides = array<i32>} : memref<256xf32, #tpu.memory_space<vmem>>, vector<16xf32>,
    %jit3A_54 = arith.constant 0.000000e+00 : f32
    %broadcast_in_dim3A_55 = vector.broadcast %jit3A_54 : f32 to vector<16xf32>
    %select_n3A_56 = arith.select %lt3A_51, %get3A_53, %broadcast_in_dim3A_55 : vector<16xi1>, vector<16xf32>
    %swap3A_57 = arith.constant 32 : index
    %swap3A_58 = tpu.vector_load %arg12[%swap3A_57] {strides = array<i32>} : memref<256xf32, #tpu.memory_space<vmem>>, vector<16xf32>,
    tpu.vector_store %arg12[%swap3A_57], %select_n3A_56 {strides = array<i32>} : memref<256xf32, #tpu.memory_space<vmem>>, vector<16xf32>,
    %get3A_59 = arith.constant 48 : index
    %get3A_60 = tpu.vector_load %arg9[%get3A_59] {strides = array<i32>} : memref<256xi32, #tpu.memory_space<vmem>>, vector<16xi32>,
    %gather3A_61 = tpu.vector_load_idx %arg8[%get3A_60] : memref<64xi32, #tpu.memory_space<vmem>>[vector<16xi32>], vector<16xi32>,
    %get3A_62 = arith.constant 48 : index
    %get3A_63 = tpu.vector_load %arg10[%get3A_62] {strides = array<i32>} : memref<256xi32, #tpu.memory_space<vmem>>, vector<16xi32>,
    %add3A_64 = arith.addi %gather3A_61, %get3A_63 : vector<16xi32>
    %lt3A_65 = arith.constant 128 : i32
    %lt3A_66 = vector.broadcast %lt3A_65 : i32 to vector<16xi32>
    %lt3A_67 = arith.cmpi slt, %add3A_64, %lt3A_66 : vector<16xi32>
    %get3A_68 = arith.constant 48 : index
    %get3A_69 = tpu.vector_load %arg11[%get3A_68] {strides = array<i32>} : memref<256xf32, #tpu.memory_space<vmem>>, vector<16xf32>,
    %jit3A_70 = arith.constant 0.000000e+00 : f32
    %broadcast_in_dim3A_71 = vector.broadcast %jit3A_70 : f32 to vector<16xf32>
    %select_n3A_72 = arith.select %lt3A_67, %get3A_69, %broadcast_in_dim3A_71 : vector<16xi1>, vector<16xf32>
    %swap3A_73 = arith.constant 48 : index
    %swap3A_74 = tpu.vector_load %arg12[%swap3A_73] {strides = array<i32>} : memref<256xf32, #tpu.memory_space<vmem>>, vector<16xf32>,
    tpu.vector_store %arg12[%swap3A_73], %select_n3A_72 {strides = array<i32>} : memref<256xf32, #tpu.memory_space<vmem>>, vector<16xf32>,
    %get3A_75 = arith.constant 64 : index
    %get3A_76 = tpu.vector_load %arg9[%get3A_75] {strides = array<i32>} : memref<256xi32, #tpu.memory_space<vmem>>, vector<16xi32>,
    %gather3A_77 = tpu.vector_load_idx %arg8[%get3A_76] : memref<64xi32, #tpu.memory_space<vmem>>[vector<16xi32>], vector<16xi32>,
    %get3A_78 = arith.constant 64 : index
    %get3A_79 = tpu.vector_load %arg10[%get3A_78] {strides = array<i32>} : memref<256xi32, #tpu.memory_space<vmem>>, vector<16xi32>,
    %add3A_80 = arith.addi %gather3A_77, %get3A_79 : vector<16xi32>
    %lt3A_81 = arith.constant 128 : i32
    %lt3A_82 = vector.broadcast %lt3A_81 : i32 to vector<16xi32>
    %lt3A_83 = arith.cmpi slt, %add3A_80, %lt3A_82 : vector<16xi32>
    %get3A_84 = arith.constant 64 : index
    %get3A_85 = tpu.vector_load %arg11[%get3A_84] {strides = array<i32>} : memref<256xf32, #tpu.memory_space<vmem>>, vector<16xf32>,
    %jit3A_86 = arith.constant 0.000000e+00 : f32
    %broadcast_in_dim3A_87 = vector.broadcast %jit3A_86 : f32 to vector<16xf32>
    %select_n3A_88 = arith.select %lt3A_83, %get3A_85, %broadcast_in_dim3A_87 : vector<16xi1>, vector<16xf32>
    %swap3A_89 = arith.constant 64 : index
    %swap3A_90 = tpu.vector_load %arg12[%swap3A_89] {strides = array<i32>} : memref<256xf32, #tpu.memory_space<vmem>>, vector<16xf32>,
    tpu.vector_store %arg12[%swap3A_89], %select_n3A_88 {strides = array<i32>} : memref<256xf32, #tpu.memory_space<vmem>>, vector<16xf32>,
    %get3A_91 = arith.constant 80 : index
    %get3A_92 = tpu.vector_load %arg9[%get3A_91] {strides = array<i32>} : memref<256xi32, #tpu.memory_space<vmem>>, vector<16xi32>,
    %gather3A_93 = tpu.vector_load_idx %arg8[%get3A_92] : memref<64xi32, #tpu.memory_space<vmem>>[vector<16xi32>], vector<16xi32>,
    %get3A_94 = arith.constant 80 : index
    %get3A_95 = tpu.vector_load %arg10[%get3A_94] {strides = array<i32>} : memref<256xi32, #tpu.memory_space<vmem>>, vector<16xi32>,
    %add3A_96 = arith.addi %gather3A_93, %get3A_95 : vector<16xi32>
    %lt3A_97 = arith.constant 128 : i32
    %lt3A_98 = vector.broadcast %lt3A_97 : i32 to vector<16xi32>
    %lt3A_99 = arith.cmpi slt, %add3A_96, %lt3A_98 : vector<16xi32>
    %get3A_100 = arith.constant 80 : index
    %get3A_101 = tpu.vector_load %arg11[%get3A_100] {strides = array<i32>} : memref<256xf32, #tpu.memory_space<vmem>>, vector<16xf32>,
    %jit3A_102 = arith.constant 0.000000e+00 : f32
    %broadcast_in_dim3A_103 = vector.broadcast %jit3A_102 : f32 to vector<16xf32>
    %select_n3A_104 = arith.select %lt3A_99, %get3A_101, %broadcast_in_dim3A_103 : vector<16xi1>, vector<16xf32>
    %swap3A_105 = arith.constant 80 : index
    %swap3A_106 = tpu.vector_load %arg12[%swap3A_105] {strides = array<i32>} : memref<256xf32, #tpu.memory_space<vmem>>, vector<16xf32>,
    tpu.vector_store %arg12[%swap3A_105], %select_n3A_104 {strides = array<i32>} : memref<256xf32, #tpu.memory_space<vmem>>, vector<16xf32>,
    %get3A_107 = arith.constant 96 : index
    %get3A_108 = tpu.vector_load %arg9[%get3A_107] {strides = array<i32>} : memref<256xi32, #tpu.memory_space<vmem>>, vector<16xi32>,
    %gather3A_109 = tpu.vector_load_idx %arg8[%get3A_108] : memref<64xi32, #tpu.memory_space<vmem>>[vector<16xi32>], vector<16xi32>,
    %get3A_110 = arith.constant 96 : index
    %get3A_111 = tpu.vector_load %arg10[%get3A_110] {strides = array<i32>} : memref<256xi32, #tpu.memory_space<vmem>>, vector<16xi32>,
    %add3A_112 = arith.addi %gather3A_109, %get3A_111 : vector<16xi32>
    %lt3A_113 = arith.constant 128 : i32
    %lt3A_114 = vector.broadcast %lt3A_113 : i32 to vector<16xi32>
    %lt3A_115 = arith.cmpi slt, %add3A_112, %lt3A_114 : vector<16xi32>
    %get3A_116 = arith.constant 96 : index
    %get3A_117 = tpu.vector_load %arg11[%get3A_116] {strides = array<i32>} : memref<256xf32, #tpu.memory_space<vmem>>, vector<16xf32>,
    %jit3A_118 = arith.constant 0.000000e+00 : f32
    %broadcast_in_dim3A_119 = vector.broadcast %jit3A_118 : f32 to vector<16xf32>
    %select_n3A_120 = arith.select %lt3A_115, %get3A_117, %broadcast_in_dim3A_119 : vector<16xi1>, vector<16xf32>
    %swap3A_121 = arith.constant 96 : index
    %swap3A_122 = tpu.vector_load %arg12[%swap3A_121] {strides = array<i32>} : memref<256xf32, #tpu.memory_space<vmem>>, vector<16xf32>,
    tpu.vector_store %arg12[%swap3A_121], %select_n3A_120 {strides = array<i32>} : memref<256xf32, #tpu.memory_space<vmem>>, vector<16xf32>,
    %get3A_123 = arith.constant 112 : index
    %get3A_124 = tpu.vector_load %arg9[%get3A_123] {strides = array<i32>} : memref<256xi32, #tpu.memory_space<vmem>>, vector<16xi32>,
    %gather3A_125 = tpu.vector_load_idx %arg8[%get3A_124] : memref<64xi32, #tpu.memory_space<vmem>>[vector<16xi32>], vector<16xi32>,
    %get3A_126 = arith.constant 112 : index
    %get3A_127 = tpu.vector_load %arg10[%get3A_126] {strides = array<i32>} : memref<256xi32, #tpu.memory_space<vmem>>, vector<16xi32>,
    %add3A_128 = arith.addi %gather3A_125, %get3A_127 : vector<16xi32>
    %lt3A_129 = arith.constant 128 : i32
    %lt3A_130 = vector.broadcast %lt3A_129 : i32 to vector<16xi32>
    %lt3A_131 = arith.cmpi slt, %add3A_128, %lt3A_130 : vector<16xi32>
    %get3A_132 = arith.constant 112 : index
    %get3A_133 = tpu.vector_load %arg11[%get3A_132] {strides = array<i32>} : memref<256xf32, #tpu.memory_space<vmem>>, vector<16xf32>,
    %jit3A_134 = arith.constant 0.000000e+00 : f32
    %broadcast_in_dim3A_135 = vector.broadcast %jit3A_134 : f32 to vector<16xf32>
    %select_n3A_136 = arith.select %lt3A_131, %get3A_133, %broadcast_in_dim3A_135 : vector<16xi1>, vector<16xf32>
    %swap3A_137 = arith.constant 112 : index
    %swap3A_138 = tpu.vector_load %arg12[%swap3A_137] {strides = array<i32>} : memref<256xf32, #tpu.memory_space<vmem>>, vector<16xf32>,
    tpu.vector_store %arg12[%swap3A_137], %select_n3A_136 {strides = array<i32>} : memref<256xf32, #tpu.memory_space<vmem>>, vector<16xf32>,
    %get3A_139 = arith.constant 128 : index
    %get3A_140 = tpu.vector_load %arg9[%get3A_139] {strides = array<i32>} : memref<256xi32, #tpu.memory_space<vmem>>, vector<16xi32>,
    %gather3A_141 = tpu.vector_load_idx %arg8[%get3A_140] : memref<64xi32, #tpu.memory_space<vmem>>[vector<16xi32>], vector<16xi32>,
    %get3A_142 = arith.constant 128 : index
    %get3A_143 = tpu.vector_load %arg10[%get3A_142] {strides = array<i32>} : memref<256xi32, #tpu.memory_space<vmem>>, vector<16xi32>,
    %add3A_144 = arith.addi %gather3A_141, %get3A_143 : vector<16xi32>
    %lt3A_145 = arith.constant 128 : i32
    %lt3A_146 = vector.broadcast %lt3A_145 : i32 to vector<16xi32>
    %lt3A_147 = arith.cmpi slt, %add3A_144, %lt3A_146 : vector<16xi32>
    %get3A_148 = arith.constant 128 : index
    %get3A_149 = tpu.vector_load %arg11[%get3A_148] {strides = array<i32>} : memref<256xf32, #tpu.memory_space<vmem>>, vector<16xf32>,
    %jit3A_150 = arith.constant 0.000000e+00 : f32
    %broadcast_in_dim3A_151 = vector.broadcast %jit3A_150 : f32 to vector<16xf32>
    %select_n3A_152 = arith.select %lt3A_147, %get3A_149, %broadcast_in_dim3A_151 : vector<16xi1>, vector<16xf32>
    %swap3A_153 = arith.constant 128 : index
    %swap3A_154 = tpu.vector_load %arg12[%swap3A_153] {strides = array<i32>} : memref<256xf32, #tpu.memory_space<vmem>>, vector<16xf32>,
    tpu.vector_store %arg12[%swap3A_153], %select_n3A_152 {strides = array<i32>} : memref<256xf32, #tpu.memory_space<vmem>>, vector<16xf32>,
    %get3A_155 = arith.constant 144 : index
    %get3A_156 = tpu.vector_load %arg9[%get3A_155] {strides = array<i32>} : memref<256xi32, #tpu.memory_space<vmem>>, vector<16xi32>,
    %gather3A_157 = tpu.vector_load_idx %arg8[%get3A_156] : memref<64xi32, #tpu.memory_space<vmem>>[vector<16xi32>], vector<16xi32>,
    %get3A_158 = arith.constant 144 : index
    %get3A_159 = tpu.vector_load %arg10[%get3A_158] {strides = array<i32>} : memref<256xi32, #tpu.memory_space<vmem>>, vector<16xi32>,
    %add3A_160 = arith.addi %gather3A_157, %get3A_159 : vector<16xi32>
    %lt3A_161 = arith.constant 128 : i32
    %lt3A_162 = vector.broadcast %lt3A_161 : i32 to vector<16xi32>
    %lt3A_163 = arith.cmpi slt, %add3A_160, %lt3A_162 : vector<16xi32>
    %get3A_164 = arith.constant 144 : index
    %get3A_165 = tpu.vector_load %arg11[%get3A_164] {strides = array<i32>} : memref<256xf32, #tpu.memory_space<vmem>>, vector<16xf32>,
    %jit3A_166 = arith.constant 0.000000e+00 : f32
    %broadcast_in_dim3A_167 = vector.broadcast %jit3A_166 : f32 to vector<16xf32>
    %select_n3A_168 = arith.select %lt3A_163, %get3A_165, %broadcast_in_dim3A_167 : vector<16xi1>, vector<16xf32>
    %swap3A_169 = arith.constant 144 : index
    %swap3A_170 = tpu.vector_load %arg12[%swap3A_169] {strides = array<i32>} : memref<256xf32, #tpu.memory_space<vmem>>, vector<16xf32>,
    tpu.vector_store %arg12[%swap3A_169], %select_n3A_168 {strides = array<i32>} : memref<256xf32, #tpu.memory_space<vmem>>, vector<16xf32>,
    %get3A_171 = arith.constant 160 : index
    %get3A_172 = tpu.vector_load %arg9[%get3A_171] {strides = array<i32>} : memref<256xi32, #tpu.memory_space<vmem>>, vector<16xi32>,
    %gather3A_173 = tpu.vector_load_idx %arg8[%get3A_172] : memref<64xi32, #tpu.memory_space<vmem>>[vector<16xi32>], vector<16xi32>,
    %get3A_174 = arith.constant 160 : index
    %get3A_175 = tpu.vector_load %arg10[%get3A_174] {strides = array<i32>} : memref<256xi32, #tpu.memory_space<vmem>>, vector<16xi32>,
    %add3A_176 = arith.addi %gather3A_173, %get3A_175 : vector<16xi32>
    %lt3A_177 = arith.constant 128 : i32
    %lt3A_178 = vector.broadcast %lt3A_177 : i32 to vector<16xi32>
    %lt3A_179 = arith.cmpi slt, %add3A_176, %lt3A_178 : vector<16xi32>
    %get3A_180 = arith.constant 160 : index
    %get3A_181 = tpu.vector_load %arg11[%get3A_180] {strides = array<i32>} : memref<256xf32, #tpu.memory_space<vmem>>, vector<16xf32>,
    %jit3A_182 = arith.constant 0.000000e+00 : f32
    %broadcast_in_dim3A_183 = vector.broadcast %jit3A_182 : f32 to vector<16xf32>
    %select_n3A_184 = arith.select %lt3A_179, %get3A_181, %broadcast_in_dim3A_183 : vector<16xi1>, vector<16xf32>
    %swap3A_185 = arith.constant 160 : index
    %swap3A_186 = tpu.vector_load %arg12[%swap3A_185] {strides = array<i32>} : memref<256xf32, #tpu.memory_space<vmem>>, vector<16xf32>,
    tpu.vector_store %arg12[%swap3A_185], %select_n3A_184 {strides = array<i32>} : memref<256xf32, #tpu.memory_space<vmem>>, vector<16xf32>,
    %get3A_187 = arith.constant 176 : index
    %get3A_188 = tpu.vector_load %arg9[%get3A_187] {strides = array<i32>} : memref<256xi32, #tpu.memory_space<vmem>>, vector<16xi32>,
    %gather3A_189 = tpu.vector_load_idx %arg8[%get3A_188] : memref<64xi32, #tpu.memory_space<vmem>>[vector<16xi32>], vector<16xi32>,
    %get3A_190 = arith.constant 176 : index
    %get3A_191 = tpu.vector_load %arg10[%get3A_190] {strides = array<i32>} : memref<256xi32, #tpu.memory_space<vmem>>, vector<16xi32>,
    %add3A_192 = arith.addi %gather3A_189, %get3A_191 : vector<16xi32>
    %lt3A_193 = arith.constant 128 : i32
    %lt3A_194 = vector.broadcast %lt3A_193 : i32 to vector<16xi32>
    %lt3A_195 = arith.cmpi slt, %add3A_192, %lt3A_194 : vector<16xi32>
    %get3A_196 = arith.constant 176 : index
    %get3A_197 = tpu.vector_load %arg11[%get3A_196] {strides = array<i32>} : memref<256xf32, #tpu.memory_space<vmem>>, vector<16xf32>,
    %jit3A_198 = arith.constant 0.000000e+00 : f32
    %broadcast_in_dim3A_199 = vector.broadcast %jit3A_198 : f32 to vector<16xf32>
    %select_n3A_200 = arith.select %lt3A_195, %get3A_197, %broadcast_in_dim3A_199 : vector<16xi1>, vector<16xf32>
    %swap3A_201 = arith.constant 176 : index
    %swap3A_202 = tpu.vector_load %arg12[%swap3A_201] {strides = array<i32>} : memref<256xf32, #tpu.memory_space<vmem>>, vector<16xf32>,
    tpu.vector_store %arg12[%swap3A_201], %select_n3A_200 {strides = array<i32>} : memref<256xf32, #tpu.memory_space<vmem>>, vector<16xf32>,
    %get3A_203 = arith.constant 192 : index
    %get3A_204 = tpu.vector_load %arg9[%get3A_203] {strides = array<i32>} : memref<256xi32, #tpu.memory_space<vmem>>, vector<16xi32>,
    %gather3A_205 = tpu.vector_load_idx %arg8[%get3A_204] : memref<64xi32, #tpu.memory_space<vmem>>[vector<16xi32>], vector<16xi32>,
    %get3A_206 = arith.constant 192 : index
    %get3A_207 = tpu.vector_load %arg10[%get3A_206] {strides = array<i32>} : memref<256xi32, #tpu.memory_space<vmem>>, vector<16xi32>,
    %add3A_208 = arith.addi %gather3A_205, %get3A_207 : vector<16xi32>
    %lt3A_209 = arith.constant 128 : i32
    %lt3A_210 = vector.broadcast %lt3A_209 : i32 to vector<16xi32>
    %lt3A_211 = arith.cmpi slt, %add3A_208, %lt3A_210 : vector<16xi32>
    %get3A_212 = arith.constant 192 : index
    %get3A_213 = tpu.vector_load %arg11[%get3A_212] {strides = array<i32>} : memref<256xf32, #tpu.memory_space<vmem>>, vector<16xf32>,
    %jit3A_214 = arith.constant 0.000000e+00 : f32
    %broadcast_in_dim3A_215 = vector.broadcast %jit3A_214 : f32 to vector<16xf32>
    %select_n3A_216 = arith.select %lt3A_211, %get3A_213, %broadcast_in_dim3A_215 : vector<16xi1>, vector<16xf32>
    %swap3A_217 = arith.constant 192 : index
    %swap3A_218 = tpu.vector_load %arg12[%swap3A_217] {strides = array<i32>} : memref<256xf32, #tpu.memory_space<vmem>>, vector<16xf32>,
    tpu.vector_store %arg12[%swap3A_217], %select_n3A_216 {strides = array<i32>} : memref<256xf32, #tpu.memory_space<vmem>>, vector<16xf32>,
    %get3A_219 = arith.constant 208 : index
    %get3A_220 = tpu.vector_load %arg9[%get3A_219] {strides = array<i32>} : memref<256xi32, #tpu.memory_space<vmem>>, vector<16xi32>,
    %gather3A_221 = tpu.vector_load_idx %arg8[%get3A_220] : memref<64xi32, #tpu.memory_space<vmem>>[vector<16xi32>], vector<16xi32>,
    %get3A_222 = arith.constant 208 : index
    %get3A_223 = tpu.vector_load %arg10[%get3A_222] {strides = array<i32>} : memref<256xi32, #tpu.memory_space<vmem>>, vector<16xi32>,
    %add3A_224 = arith.addi %gather3A_221, %get3A_223 : vector<16xi32>
    %lt3A_225 = arith.constant 128 : i32
    %lt3A_226 = vector.broadcast %lt3A_225 : i32 to vector<16xi32>
    %lt3A_227 = arith.cmpi slt, %add3A_224, %lt3A_226 : vector<16xi32>
    %get3A_228 = arith.constant 208 : index
    %get3A_229 = tpu.vector_load %arg11[%get3A_228] {strides = array<i32>} : memref<256xf32, #tpu.memory_space<vmem>>, vector<16xf32>,
    %jit3A_230 = arith.constant 0.000000e+00 : f32
    %broadcast_in_dim3A_231 = vector.broadcast %jit3A_230 : f32 to vector<16xf32>
    %select_n3A_232 = arith.select %lt3A_227, %get3A_229, %broadcast_in_dim3A_231 : vector<16xi1>, vector<16xf32>
    %swap3A_233 = arith.constant 208 : index
    %swap3A_234 = tpu.vector_load %arg12[%swap3A_233] {strides = array<i32>} : memref<256xf32, #tpu.memory_space<vmem>>, vector<16xf32>,
    tpu.vector_store %arg12[%swap3A_233], %select_n3A_232 {strides = array<i32>} : memref<256xf32, #tpu.memory_space<vmem>>, vector<16xf32>,
    %get3A_235 = arith.constant 224 : index
    %get3A_236 = tpu.vector_load %arg9[%get3A_235] {strides = array<i32>} : memref<256xi32, #tpu.memory_space<vmem>>, vector<16xi32>,
    %gather3A_237 = tpu.vector_load_idx %arg8[%get3A_236] : memref<64xi32, #tpu.memory_space<vmem>>[vector<16xi32>], vector<16xi32>,
    %get3A_238 = arith.constant 224 : index
    %get3A_239 = tpu.vector_load %arg10[%get3A_238] {strides = array<i32>} : memref<256xi32, #tpu.memory_space<vmem>>, vector<16xi32>,
    %add3A_240 = arith.addi %gather3A_237, %get3A_239 : vector<16xi32>
    %lt3A_241 = arith.constant 128 : i32
    %lt3A_242 = vector.broadcast %lt3A_241 : i32 to vector<16xi32>
    %lt3A_243 = arith.cmpi slt, %add3A_240, %lt3A_242 : vector<16xi32>
    %get3A_244 = arith.constant 224 : index
    %get3A_245 = tpu.vector_load %arg11[%get3A_244] {strides = array<i32>} : memref<256xf32, #tpu.memory_space<vmem>>, vector<16xf32>,
    %jit3A_246 = arith.constant 0.000000e+00 : f32
    %broadcast_in_dim3A_247 = vector.broadcast %jit3A_246 : f32 to vector<16xf32>
    %select_n3A_248 = arith.select %lt3A_243, %get3A_245, %broadcast_in_dim3A_247 : vector<16xi1>, vector<16xf32>
    %swap3A_249 = arith.constant 224 : index
    %swap3A_250 = tpu.vector_load %arg12[%swap3A_249] {strides = array<i32>} : memref<256xf32, #tpu.memory_space<vmem>>, vector<16xf32>,
    tpu.vector_store %arg12[%swap3A_249], %select_n3A_248 {strides = array<i32>} : memref<256xf32, #tpu.memory_space<vmem>>, vector<16xf32>,
    %get3A_251 = arith.constant 240 : index
    %get3A_252 = tpu.vector_load %arg9[%get3A_251] {strides = array<i32>} : memref<256xi32, #tpu.memory_space<vmem>>, vector<16xi32>,
    %gather3A_253 = tpu.vector_load_idx %arg8[%get3A_252] : memref<64xi32, #tpu.memory_space<vmem>>[vector<16xi32>], vector<16xi32>,
    %get3A_254 = arith.constant 240 : index
    %get3A_255 = tpu.vector_load %arg10[%get3A_254] {strides = array<i32>} : memref<256xi32, #tpu.memory_space<vmem>>, vector<16xi32>,
    %add3A_256 = arith.addi %gather3A_253, %get3A_255 : vector<16xi32>
    %lt3A_257 = arith.constant 128 : i32
    %lt3A_258 = vector.broadcast %lt3A_257 : i32 to vector<16xi32>
    %lt3A_259 = arith.cmpi slt, %add3A_256, %lt3A_258 : vector<16xi32>
    %get3A_260 = arith.constant 240 : index
    %get3A_261 = tpu.vector_load %arg11[%get3A_260] {strides = array<i32>} : memref<256xf32, #tpu.memory_space<vmem>>, vector<16xf32>,
    %jit3A_262 = arith.constant 0.000000e+00 : f32
    %broadcast_in_dim3A_263 = vector.broadcast %jit3A_262 : f32 to vector<16xf32>
    %select_n3A_264 = arith.select %lt3A_259, %get3A_261, %broadcast_in_dim3A_263 : vector<16xi1>, vector<16xf32>
    %swap3A_265 = arith.constant 240 : index
    %swap3A_266 = tpu.vector_load %arg12[%swap3A_265] {strides = array<i32>} : memref<256xf32, #tpu.memory_space<vmem>>, vector<16xf32>,
    tpu.vector_store %arg12[%swap3A_265], %select_n3A_264 {strides = array<i32>} : memref<256xf32, #tpu.memory_space<vmem>>, vector<16xf32>,
    "tpu.region"() ({
      %run_scoped3A = tpu.sem_alloc : memref<!tpu.dma_semaphore, #tpu.memory_space<semaphore_mem>>
      %dma_start3A = tpu.memref_slice %arg6[%mul3A_2] : memref<8192xf32, #tpu.memory_space<hbm>> -> memref<256xf32, #tpu.memory_space<hbm>>
      %dma_start3A_267 = tpu.memref_slice %arg6[%mul3A_2] : memref<8192xf32, #tpu.memory_space<hbm>> -> memref<256xf32, #tpu.memory_space<hbm>>
      tpu.enqueue_dma source(%arg12 : memref<256xf32, #tpu.memory_space<vmem>>) target(%dma_start3A_267 : memref<256xf32, #tpu.memory_space<hbm>>) target_semaphore(%run_scoped3A : memref<!tpu.dma_semaphore, #tpu.memory_space<semaphore_mem>>)
      %dma_wait3A = tpu.memref_slice %arg6[%mul3A_2] : memref<8192xf32, #tpu.memory_space<hbm>> -> memref<256xf32, #tpu.memory_space<hbm>>
      %dma_wait3A_268 = tpu.memref_slice %arg6[%mul3A_2] : memref<8192xf32, #tpu.memory_space<hbm>> -> memref<256xf32, #tpu.memory_space<hbm>>
      tpu.wait_dma2 semaphore(%run_scoped3A : memref<!tpu.dma_semaphore, #tpu.memory_space<semaphore_mem>>) src(%arg12 : memref<256xf32, #tpu.memory_space<vmem>>) dst(%dma_wait3A_268 : memref<256xf32, #tpu.memory_space<hbm>>)
      tpu.yield
    }) : () -> ()
    return
  }
}

#map = affine_map<(d0, d1) -> (0, 0, 0)>
#map1 = affine_map<(d0, d1) -> (0)>
#map2 = affine_map<(d0, d1) -> (0, 0)>
module attributes {stable_mosaic.version = 14 : i64} {
  func.func @route(%arg0: i32, %arg1: i32, %arg2: memref<32x64x256xf32, #tpu.memory_space<hbm>>, %arg3: memref<8192xi32, #tpu.memory_space<hbm>>, %arg4: memref<8192xf32, #tpu.memory_space<hbm>>, %arg5: memref<8192xi32, #tpu.memory_space<hbm>>, %arg6: memref<32x64xi32, #tpu.memory_space<hbm>>, %arg7: memref<64x256xf32, #tpu.memory_space<vmem>>, %arg8: memref<256xi32, #tpu.memory_space<vmem>>, %arg9: memref<256xf32, #tpu.memory_space<vmem>>, %arg10: memref<256xi32, #tpu.memory_space<vmem>>, %arg11: memref<64xi32, #tpu.memory_space<vmem>>) attributes {dimension_semantics = [#tpu.dimension_semantics<core_parallel>, #tpu.dimension_semantics<subcore_parallel>], iteration_bounds = array<i64: 2, 16>, scalar_prefetch = 0 : i64, scratch_operands = 5 : i64, tpu.core_type = #tpu.core_type<sc_vector_subcore>, window_params = [{transform_indices = #map}, {transform_indices = #map1}, {transform_indices = #map1}, {transform_indices = #map1}, {transform_indices = #map2}]} {
    %mul3A = arith.constant 2 : i32
    %mul3A_0 = arith.muli %arg1, %mul3A : i32
    %add3A = arith.addi %mul3A_0, %arg0 : i32
    %mul3A_1 = arith.constant 256 : i32
    %mul3A_2 = arith.muli %add3A, %mul3A_1 : i32
    "tpu.region"() ({
      %run_scoped3A = tpu.sem_alloc : memref<!tpu.dma_semaphore, #tpu.memory_space<semaphore_mem>>
      %dma_start3A = arith.constant 0 : i32
      %dma_start3A_415 = arith.constant 0 : i32
      %dma_start3A_416 = tpu.memref_slice %arg2[%add3A, %dma_start3A, %dma_start3A_415] : memref<32x64x256xf32, #tpu.memory_space<hbm>> -> memref<1x64x256xf32, #tpu.memory_space<hbm>>
      %dma_start3A_417 = tpu.memref_squeeze %dma_start3A_416 : memref<1x64x256xf32, #tpu.memory_space<hbm>> -> memref<64x256xf32, #tpu.memory_space<hbm>>
      %dma_start3A_418 = arith.constant 0 : i32
      %dma_start3A_419 = arith.constant 0 : i32
      %dma_start3A_420 = tpu.memref_slice %arg2[%add3A, %dma_start3A_418, %dma_start3A_419] : memref<32x64x256xf32, #tpu.memory_space<hbm>> -> memref<1x64x256xf32, #tpu.memory_space<hbm>>
      %dma_start3A_421 = tpu.memref_squeeze %dma_start3A_420 : memref<1x64x256xf32, #tpu.memory_space<hbm>> -> memref<64x256xf32, #tpu.memory_space<hbm>>
      tpu.enqueue_dma source(%dma_start3A_421 : memref<64x256xf32, #tpu.memory_space<hbm>>) target(%arg7 : memref<64x256xf32, #tpu.memory_space<vmem>>) target_semaphore(%run_scoped3A : memref<!tpu.dma_semaphore, #tpu.memory_space<semaphore_mem>>)
      %dma_wait3A = arith.constant 0 : i32
      %dma_wait3A_422 = arith.constant 0 : i32
      %dma_wait3A_423 = tpu.memref_slice %arg2[%add3A, %dma_wait3A, %dma_wait3A_422] : memref<32x64x256xf32, #tpu.memory_space<hbm>> -> memref<1x64x256xf32, #tpu.memory_space<hbm>>
      %dma_wait3A_424 = tpu.memref_squeeze %dma_wait3A_423 : memref<1x64x256xf32, #tpu.memory_space<hbm>> -> memref<64x256xf32, #tpu.memory_space<hbm>>
      %dma_wait3A_425 = arith.constant 0 : i32
      %dma_wait3A_426 = arith.constant 0 : i32
      %dma_wait3A_427 = tpu.memref_slice %arg2[%add3A, %dma_wait3A_425, %dma_wait3A_426] : memref<32x64x256xf32, #tpu.memory_space<hbm>> -> memref<1x64x256xf32, #tpu.memory_space<hbm>>
      %dma_wait3A_428 = tpu.memref_squeeze %dma_wait3A_427 : memref<1x64x256xf32, #tpu.memory_space<hbm>> -> memref<64x256xf32, #tpu.memory_space<hbm>>
      tpu.wait_dma2 semaphore(%run_scoped3A : memref<!tpu.dma_semaphore, #tpu.memory_space<semaphore_mem>>) src(%dma_wait3A_428 : memref<64x256xf32, #tpu.memory_space<hbm>>) dst(%arg7 : memref<64x256xf32, #tpu.memory_space<vmem>>)
      tpu.yield
    }) : () -> ()
    %broadcast_in_dim3A = arith.constant 0xFF800000 : f32
    %broadcast_in_dim3A_3 = vector.broadcast %broadcast_in_dim3A : f32 to vector<16xf32>
    %broadcast_in_dim3A_4 = arith.constant 0 : i32
    %broadcast_in_dim3A_5 = vector.broadcast %broadcast_in_dim3A_4 : i32 to vector<16xi32>
    %scan3A = arith.constant 0 : i32
    %scan3A_6 = arith.constant 64 : i32
    %scan3A_7 = arith.addi %scan3A, %scan3A_6 : i32
    %scan3A_8 = arith.constant 1 : i32
    %scan3A_9:2 = scf.for %scan3A_415 = %scan3A to %scan3A_7 step %scan3A_8 iter_args(%scan3A_416 = %broadcast_in_dim3A_3, %scan3A_417 = %broadcast_in_dim3A_5) -> (vector<16xf32>, vector<16xi32>)  : i32 {
      %get3A = arith.index_cast %scan3A_415 : i32 to index
      %get3A_418 = arith.constant 0 : index
      %get3A_419 = tpu.vector_load %arg7[%get3A, %get3A_418] {strides = array<i32>} : memref<64x256xf32, #tpu.memory_space<vmem>>, vector<16xf32>,
      %gt3A = arith.cmpf ogt, %get3A_419, %scan3A_416 : vector<16xf32>
      %max3A = arith.maximumf %scan3A_416, %get3A_419 : vector<16xf32>
      %broadcast_in_dim3A_420 = vector.broadcast %scan3A_415 : i32 to vector<16xi32>
      %select_n3A = arith.select %gt3A, %broadcast_in_dim3A_420, %scan3A_417 : vector<16xi1>, vector<16xi32>
      scf.yield %max3A, %select_n3A : vector<16xf32>, vector<16xi32>
    }
    %scan3A_10 = arith.constant 64 : i32
    %broadcast_in_dim3A_11 = arith.constant 0.000000e+00 : f32
    %broadcast_in_dim3A_12 = vector.broadcast %broadcast_in_dim3A_11 : f32 to vector<16xf32>
    %scan3A_13 = arith.constant 0 : i32
    %scan3A_14 = arith.constant 64 : i32
    %scan3A_15 = arith.addi %scan3A_13, %scan3A_14 : i32
    %scan3A_16 = arith.constant 1 : i32
    %scan3A_17 = scf.for %scan3A_415 = %scan3A_13 to %scan3A_15 step %scan3A_16 iter_args(%scan3A_416 = %broadcast_in_dim3A_12) -> (vector<16xf32>)  : i32 {
      %get3A = arith.index_cast %scan3A_415 : i32 to index
      %get3A_417 = arith.constant 0 : index
      %get3A_418 = tpu.vector_load %arg7[%get3A, %get3A_417] {strides = array<i32>} : memref<64x256xf32, #tpu.memory_space<vmem>>, vector<16xf32>,
      %sub3A = arith.subf %get3A_418, %scan3A_9#0 : vector<16xf32>
      %exp3A = math.exp %sub3A : vector<16xf32>
      %add3A_419 = arith.addf %scan3A_416, %exp3A : vector<16xf32>
      scf.yield %add3A_419 : vector<16xf32>
    }
    %scan3A_18 = arith.constant 64 : i32
    %swap3A = arith.constant 0 : index
    %swap3A_19 = tpu.vector_load %arg8[%swap3A] {strides = array<i32>} : memref<256xi32, #tpu.memory_space<vmem>>, vector<16xi32>,
    tpu.vector_store %arg8[%swap3A], %scan3A_9#1 {strides = array<i32>} : memref<256xi32, #tpu.memory_space<vmem>>, vector<16xi32>,
    %div3A = arith.constant 1.000000e+00 : f32
    %div3A_20 = vector.broadcast %div3A : f32 to vector<16xf32>
    %div3A_21 = arith.divf %div3A_20, %scan3A_17 : vector<16xf32>
    %swap3A_22 = arith.constant 0 : index
    %swap3A_23 = tpu.vector_load %arg9[%swap3A_22] {strides = array<i32>} : memref<256xf32, #tpu.memory_space<vmem>>, vector<16xf32>,
    tpu.vector_store %arg9[%swap3A_22], %div3A_21 {strides = array<i32>} : memref<256xf32, #tpu.memory_space<vmem>>, vector<16xf32>,
    %broadcast_in_dim3A_24 = arith.constant 0xFF800000 : f32
    %broadcast_in_dim3A_25 = vector.broadcast %broadcast_in_dim3A_24 : f32 to vector<16xf32>
    %broadcast_in_dim3A_26 = arith.constant 0 : i32
    %broadcast_in_dim3A_27 = vector.broadcast %broadcast_in_dim3A_26 : i32 to vector<16xi32>
    %scan3A_28 = arith.constant 0 : i32
    %scan3A_29 = arith.constant 64 : i32
    %scan3A_30 = arith.addi %scan3A_28, %scan3A_29 : i32
    %scan3A_31 = arith.constant 1 : i32
    %scan3A_32:2 = scf.for %scan3A_415 = %scan3A_28 to %scan3A_30 step %scan3A_31 iter_args(%scan3A_416 = %broadcast_in_dim3A_25, %scan3A_417 = %broadcast_in_dim3A_27) -> (vector<16xf32>, vector<16xi32>)  : i32 {
      %get3A = arith.index_cast %scan3A_415 : i32 to index
      %get3A_418 = arith.constant 16 : index
      %get3A_419 = tpu.vector_load %arg7[%get3A, %get3A_418] {strides = array<i32>} : memref<64x256xf32, #tpu.memory_space<vmem>>, vector<16xf32>,
      %gt3A = arith.cmpf ogt, %get3A_419, %scan3A_416 : vector<16xf32>
      %max3A = arith.maximumf %scan3A_416, %get3A_419 : vector<16xf32>
      %broadcast_in_dim3A_420 = vector.broadcast %scan3A_415 : i32 to vector<16xi32>
      %select_n3A = arith.select %gt3A, %broadcast_in_dim3A_420, %scan3A_417 : vector<16xi1>, vector<16xi32>
      scf.yield %max3A, %select_n3A : vector<16xf32>, vector<16xi32>
    }
    %scan3A_33 = arith.constant 64 : i32
    %broadcast_in_dim3A_34 = arith.constant 0.000000e+00 : f32
    %broadcast_in_dim3A_35 = vector.broadcast %broadcast_in_dim3A_34 : f32 to vector<16xf32>
    %scan3A_36 = arith.constant 0 : i32
    %scan3A_37 = arith.constant 64 : i32
    %scan3A_38 = arith.addi %scan3A_36, %scan3A_37 : i32
    %scan3A_39 = arith.constant 1 : i32
    %scan3A_40 = scf.for %scan3A_415 = %scan3A_36 to %scan3A_38 step %scan3A_39 iter_args(%scan3A_416 = %broadcast_in_dim3A_35) -> (vector<16xf32>)  : i32 {
      %get3A = arith.index_cast %scan3A_415 : i32 to index
      %get3A_417 = arith.constant 16 : index
      %get3A_418 = tpu.vector_load %arg7[%get3A, %get3A_417] {strides = array<i32>} : memref<64x256xf32, #tpu.memory_space<vmem>>, vector<16xf32>,
      %sub3A = arith.subf %get3A_418, %scan3A_32#0 : vector<16xf32>
      %exp3A = math.exp %sub3A : vector<16xf32>
      %add3A_419 = arith.addf %scan3A_416, %exp3A : vector<16xf32>
      scf.yield %add3A_419 : vector<16xf32>
    }
    %scan3A_41 = arith.constant 64 : i32
    %swap3A_42 = arith.constant 16 : index
    %swap3A_43 = tpu.vector_load %arg8[%swap3A_42] {strides = array<i32>} : memref<256xi32, #tpu.memory_space<vmem>>, vector<16xi32>,
    tpu.vector_store %arg8[%swap3A_42], %scan3A_32#1 {strides = array<i32>} : memref<256xi32, #tpu.memory_space<vmem>>, vector<16xi32>,
    %div3A_44 = arith.constant 1.000000e+00 : f32
    %div3A_45 = vector.broadcast %div3A_44 : f32 to vector<16xf32>
    %div3A_46 = arith.divf %div3A_45, %scan3A_40 : vector<16xf32>
    %swap3A_47 = arith.constant 16 : index
    %swap3A_48 = tpu.vector_load %arg9[%swap3A_47] {strides = array<i32>} : memref<256xf32, #tpu.memory_space<vmem>>, vector<16xf32>,
    tpu.vector_store %arg9[%swap3A_47], %div3A_46 {strides = array<i32>} : memref<256xf32, #tpu.memory_space<vmem>>, vector<16xf32>,
    %broadcast_in_dim3A_49 = arith.constant 0xFF800000 : f32
    %broadcast_in_dim3A_50 = vector.broadcast %broadcast_in_dim3A_49 : f32 to vector<16xf32>
    %broadcast_in_dim3A_51 = arith.constant 0 : i32
    %broadcast_in_dim3A_52 = vector.broadcast %broadcast_in_dim3A_51 : i32 to vector<16xi32>
    %scan3A_53 = arith.constant 0 : i32
    %scan3A_54 = arith.constant 64 : i32
    %scan3A_55 = arith.addi %scan3A_53, %scan3A_54 : i32
    %scan3A_56 = arith.constant 1 : i32
    %scan3A_57:2 = scf.for %scan3A_415 = %scan3A_53 to %scan3A_55 step %scan3A_56 iter_args(%scan3A_416 = %broadcast_in_dim3A_50, %scan3A_417 = %broadcast_in_dim3A_52) -> (vector<16xf32>, vector<16xi32>)  : i32 {
      %get3A = arith.index_cast %scan3A_415 : i32 to index
      %get3A_418 = arith.constant 32 : index
      %get3A_419 = tpu.vector_load %arg7[%get3A, %get3A_418] {strides = array<i32>} : memref<64x256xf32, #tpu.memory_space<vmem>>, vector<16xf32>,
      %gt3A = arith.cmpf ogt, %get3A_419, %scan3A_416 : vector<16xf32>
      %max3A = arith.maximumf %scan3A_416, %get3A_419 : vector<16xf32>
      %broadcast_in_dim3A_420 = vector.broadcast %scan3A_415 : i32 to vector<16xi32>
      %select_n3A = arith.select %gt3A, %broadcast_in_dim3A_420, %scan3A_417 : vector<16xi1>, vector<16xi32>
      scf.yield %max3A, %select_n3A : vector<16xf32>, vector<16xi32>
    }
    %scan3A_58 = arith.constant 64 : i32
    %broadcast_in_dim3A_59 = arith.constant 0.000000e+00 : f32
    %broadcast_in_dim3A_60 = vector.broadcast %broadcast_in_dim3A_59 : f32 to vector<16xf32>
    %scan3A_61 = arith.constant 0 : i32
    %scan3A_62 = arith.constant 64 : i32
    %scan3A_63 = arith.addi %scan3A_61, %scan3A_62 : i32
    %scan3A_64 = arith.constant 1 : i32
    %scan3A_65 = scf.for %scan3A_415 = %scan3A_61 to %scan3A_63 step %scan3A_64 iter_args(%scan3A_416 = %broadcast_in_dim3A_60) -> (vector<16xf32>)  : i32 {
      %get3A = arith.index_cast %scan3A_415 : i32 to index
      %get3A_417 = arith.constant 32 : index
      %get3A_418 = tpu.vector_load %arg7[%get3A, %get3A_417] {strides = array<i32>} : memref<64x256xf32, #tpu.memory_space<vmem>>, vector<16xf32>,
      %sub3A = arith.subf %get3A_418, %scan3A_57#0 : vector<16xf32>
      %exp3A = math.exp %sub3A : vector<16xf32>
      %add3A_419 = arith.addf %scan3A_416, %exp3A : vector<16xf32>
      scf.yield %add3A_419 : vector<16xf32>
    }
    %scan3A_66 = arith.constant 64 : i32
    %swap3A_67 = arith.constant 32 : index
    %swap3A_68 = tpu.vector_load %arg8[%swap3A_67] {strides = array<i32>} : memref<256xi32, #tpu.memory_space<vmem>>, vector<16xi32>,
    tpu.vector_store %arg8[%swap3A_67], %scan3A_57#1 {strides = array<i32>} : memref<256xi32, #tpu.memory_space<vmem>>, vector<16xi32>,
    %div3A_69 = arith.constant 1.000000e+00 : f32
    %div3A_70 = vector.broadcast %div3A_69 : f32 to vector<16xf32>
    %div3A_71 = arith.divf %div3A_70, %scan3A_65 : vector<16xf32>
    %swap3A_72 = arith.constant 32 : index
    %swap3A_73 = tpu.vector_load %arg9[%swap3A_72] {strides = array<i32>} : memref<256xf32, #tpu.memory_space<vmem>>, vector<16xf32>,
    tpu.vector_store %arg9[%swap3A_72], %div3A_71 {strides = array<i32>} : memref<256xf32, #tpu.memory_space<vmem>>, vector<16xf32>,
    %broadcast_in_dim3A_74 = arith.constant 0xFF800000 : f32
    %broadcast_in_dim3A_75 = vector.broadcast %broadcast_in_dim3A_74 : f32 to vector<16xf32>
    %broadcast_in_dim3A_76 = arith.constant 0 : i32
    %broadcast_in_dim3A_77 = vector.broadcast %broadcast_in_dim3A_76 : i32 to vector<16xi32>
    %scan3A_78 = arith.constant 0 : i32
    %scan3A_79 = arith.constant 64 : i32
    %scan3A_80 = arith.addi %scan3A_78, %scan3A_79 : i32
    %scan3A_81 = arith.constant 1 : i32
    %scan3A_82:2 = scf.for %scan3A_415 = %scan3A_78 to %scan3A_80 step %scan3A_81 iter_args(%scan3A_416 = %broadcast_in_dim3A_75, %scan3A_417 = %broadcast_in_dim3A_77) -> (vector<16xf32>, vector<16xi32>)  : i32 {
      %get3A = arith.index_cast %scan3A_415 : i32 to index
      %get3A_418 = arith.constant 48 : index
      %get3A_419 = tpu.vector_load %arg7[%get3A, %get3A_418] {strides = array<i32>} : memref<64x256xf32, #tpu.memory_space<vmem>>, vector<16xf32>,
      %gt3A = arith.cmpf ogt, %get3A_419, %scan3A_416 : vector<16xf32>
      %max3A = arith.maximumf %scan3A_416, %get3A_419 : vector<16xf32>
      %broadcast_in_dim3A_420 = vector.broadcast %scan3A_415 : i32 to vector<16xi32>
      %select_n3A = arith.select %gt3A, %broadcast_in_dim3A_420, %scan3A_417 : vector<16xi1>, vector<16xi32>
      scf.yield %max3A, %select_n3A : vector<16xf32>, vector<16xi32>
    }
    %scan3A_83 = arith.constant 64 : i32
    %broadcast_in_dim3A_84 = arith.constant 0.000000e+00 : f32
    %broadcast_in_dim3A_85 = vector.broadcast %broadcast_in_dim3A_84 : f32 to vector<16xf32>
    %scan3A_86 = arith.constant 0 : i32
    %scan3A_87 = arith.constant 64 : i32
    %scan3A_88 = arith.addi %scan3A_86, %scan3A_87 : i32
    %scan3A_89 = arith.constant 1 : i32
    %scan3A_90 = scf.for %scan3A_415 = %scan3A_86 to %scan3A_88 step %scan3A_89 iter_args(%scan3A_416 = %broadcast_in_dim3A_85) -> (vector<16xf32>)  : i32 {
      %get3A = arith.index_cast %scan3A_415 : i32 to index
      %get3A_417 = arith.constant 48 : index
      %get3A_418 = tpu.vector_load %arg7[%get3A, %get3A_417] {strides = array<i32>} : memref<64x256xf32, #tpu.memory_space<vmem>>, vector<16xf32>,
      %sub3A = arith.subf %get3A_418, %scan3A_82#0 : vector<16xf32>
      %exp3A = math.exp %sub3A : vector<16xf32>
      %add3A_419 = arith.addf %scan3A_416, %exp3A : vector<16xf32>
      scf.yield %add3A_419 : vector<16xf32>
    }
    %scan3A_91 = arith.constant 64 : i32
    %swap3A_92 = arith.constant 48 : index
    %swap3A_93 = tpu.vector_load %arg8[%swap3A_92] {strides = array<i32>} : memref<256xi32, #tpu.memory_space<vmem>>, vector<16xi32>,
    tpu.vector_store %arg8[%swap3A_92], %scan3A_82#1 {strides = array<i32>} : memref<256xi32, #tpu.memory_space<vmem>>, vector<16xi32>,
    %div3A_94 = arith.constant 1.000000e+00 : f32
    %div3A_95 = vector.broadcast %div3A_94 : f32 to vector<16xf32>
    %div3A_96 = arith.divf %div3A_95, %scan3A_90 : vector<16xf32>
    %swap3A_97 = arith.constant 48 : index
    %swap3A_98 = tpu.vector_load %arg9[%swap3A_97] {strides = array<i32>} : memref<256xf32, #tpu.memory_space<vmem>>, vector<16xf32>,
    tpu.vector_store %arg9[%swap3A_97], %div3A_96 {strides = array<i32>} : memref<256xf32, #tpu.memory_space<vmem>>, vector<16xf32>,
    %broadcast_in_dim3A_99 = arith.constant 0xFF800000 : f32
    %broadcast_in_dim3A_100 = vector.broadcast %broadcast_in_dim3A_99 : f32 to vector<16xf32>
    %broadcast_in_dim3A_101 = arith.constant 0 : i32
    %broadcast_in_dim3A_102 = vector.broadcast %broadcast_in_dim3A_101 : i32 to vector<16xi32>
    %scan3A_103 = arith.constant 0 : i32
    %scan3A_104 = arith.constant 64 : i32
    %scan3A_105 = arith.addi %scan3A_103, %scan3A_104 : i32
    %scan3A_106 = arith.constant 1 : i32
    %scan3A_107:2 = scf.for %scan3A_415 = %scan3A_103 to %scan3A_105 step %scan3A_106 iter_args(%scan3A_416 = %broadcast_in_dim3A_100, %scan3A_417 = %broadcast_in_dim3A_102) -> (vector<16xf32>, vector<16xi32>)  : i32 {
      %get3A = arith.index_cast %scan3A_415 : i32 to index
      %get3A_418 = arith.constant 64 : index
      %get3A_419 = tpu.vector_load %arg7[%get3A, %get3A_418] {strides = array<i32>} : memref<64x256xf32, #tpu.memory_space<vmem>>, vector<16xf32>,
      %gt3A = arith.cmpf ogt, %get3A_419, %scan3A_416 : vector<16xf32>
      %max3A = arith.maximumf %scan3A_416, %get3A_419 : vector<16xf32>
      %broadcast_in_dim3A_420 = vector.broadcast %scan3A_415 : i32 to vector<16xi32>
      %select_n3A = arith.select %gt3A, %broadcast_in_dim3A_420, %scan3A_417 : vector<16xi1>, vector<16xi32>
      scf.yield %max3A, %select_n3A : vector<16xf32>, vector<16xi32>
    }
    %scan3A_108 = arith.constant 64 : i32
    %broadcast_in_dim3A_109 = arith.constant 0.000000e+00 : f32
    %broadcast_in_dim3A_110 = vector.broadcast %broadcast_in_dim3A_109 : f32 to vector<16xf32>
    %scan3A_111 = arith.constant 0 : i32
    %scan3A_112 = arith.constant 64 : i32
    %scan3A_113 = arith.addi %scan3A_111, %scan3A_112 : i32
    %scan3A_114 = arith.constant 1 : i32
    %scan3A_115 = scf.for %scan3A_415 = %scan3A_111 to %scan3A_113 step %scan3A_114 iter_args(%scan3A_416 = %broadcast_in_dim3A_110) -> (vector<16xf32>)  : i32 {
      %get3A = arith.index_cast %scan3A_415 : i32 to index
      %get3A_417 = arith.constant 64 : index
      %get3A_418 = tpu.vector_load %arg7[%get3A, %get3A_417] {strides = array<i32>} : memref<64x256xf32, #tpu.memory_space<vmem>>, vector<16xf32>,
      %sub3A = arith.subf %get3A_418, %scan3A_107#0 : vector<16xf32>
      %exp3A = math.exp %sub3A : vector<16xf32>
      %add3A_419 = arith.addf %scan3A_416, %exp3A : vector<16xf32>
      scf.yield %add3A_419 : vector<16xf32>
    }
    %scan3A_116 = arith.constant 64 : i32
    %swap3A_117 = arith.constant 64 : index
    %swap3A_118 = tpu.vector_load %arg8[%swap3A_117] {strides = array<i32>} : memref<256xi32, #tpu.memory_space<vmem>>, vector<16xi32>,
    tpu.vector_store %arg8[%swap3A_117], %scan3A_107#1 {strides = array<i32>} : memref<256xi32, #tpu.memory_space<vmem>>, vector<16xi32>,
    %div3A_119 = arith.constant 1.000000e+00 : f32
    %div3A_120 = vector.broadcast %div3A_119 : f32 to vector<16xf32>
    %div3A_121 = arith.divf %div3A_120, %scan3A_115 : vector<16xf32>
    %swap3A_122 = arith.constant 64 : index
    %swap3A_123 = tpu.vector_load %arg9[%swap3A_122] {strides = array<i32>} : memref<256xf32, #tpu.memory_space<vmem>>, vector<16xf32>,
    tpu.vector_store %arg9[%swap3A_122], %div3A_121 {strides = array<i32>} : memref<256xf32, #tpu.memory_space<vmem>>, vector<16xf32>,
    %broadcast_in_dim3A_124 = arith.constant 0xFF800000 : f32
    %broadcast_in_dim3A_125 = vector.broadcast %broadcast_in_dim3A_124 : f32 to vector<16xf32>
    %broadcast_in_dim3A_126 = arith.constant 0 : i32
    %broadcast_in_dim3A_127 = vector.broadcast %broadcast_in_dim3A_126 : i32 to vector<16xi32>
    %scan3A_128 = arith.constant 0 : i32
    %scan3A_129 = arith.constant 64 : i32
    %scan3A_130 = arith.addi %scan3A_128, %scan3A_129 : i32
    %scan3A_131 = arith.constant 1 : i32
    %scan3A_132:2 = scf.for %scan3A_415 = %scan3A_128 to %scan3A_130 step %scan3A_131 iter_args(%scan3A_416 = %broadcast_in_dim3A_125, %scan3A_417 = %broadcast_in_dim3A_127) -> (vector<16xf32>, vector<16xi32>)  : i32 {
      %get3A = arith.index_cast %scan3A_415 : i32 to index
      %get3A_418 = arith.constant 80 : index
      %get3A_419 = tpu.vector_load %arg7[%get3A, %get3A_418] {strides = array<i32>} : memref<64x256xf32, #tpu.memory_space<vmem>>, vector<16xf32>,
      %gt3A = arith.cmpf ogt, %get3A_419, %scan3A_416 : vector<16xf32>
      %max3A = arith.maximumf %scan3A_416, %get3A_419 : vector<16xf32>
      %broadcast_in_dim3A_420 = vector.broadcast %scan3A_415 : i32 to vector<16xi32>
      %select_n3A = arith.select %gt3A, %broadcast_in_dim3A_420, %scan3A_417 : vector<16xi1>, vector<16xi32>
      scf.yield %max3A, %select_n3A : vector<16xf32>, vector<16xi32>
    }
    %scan3A_133 = arith.constant 64 : i32
    %broadcast_in_dim3A_134 = arith.constant 0.000000e+00 : f32
    %broadcast_in_dim3A_135 = vector.broadcast %broadcast_in_dim3A_134 : f32 to vector<16xf32>
    %scan3A_136 = arith.constant 0 : i32
    %scan3A_137 = arith.constant 64 : i32
    %scan3A_138 = arith.addi %scan3A_136, %scan3A_137 : i32
    %scan3A_139 = arith.constant 1 : i32
    %scan3A_140 = scf.for %scan3A_415 = %scan3A_136 to %scan3A_138 step %scan3A_139 iter_args(%scan3A_416 = %broadcast_in_dim3A_135) -> (vector<16xf32>)  : i32 {
      %get3A = arith.index_cast %scan3A_415 : i32 to index
      %get3A_417 = arith.constant 80 : index
      %get3A_418 = tpu.vector_load %arg7[%get3A, %get3A_417] {strides = array<i32>} : memref<64x256xf32, #tpu.memory_space<vmem>>, vector<16xf32>,
      %sub3A = arith.subf %get3A_418, %scan3A_132#0 : vector<16xf32>
      %exp3A = math.exp %sub3A : vector<16xf32>
      %add3A_419 = arith.addf %scan3A_416, %exp3A : vector<16xf32>
      scf.yield %add3A_419 : vector<16xf32>
    }
    %scan3A_141 = arith.constant 64 : i32
    %swap3A_142 = arith.constant 80 : index
    %swap3A_143 = tpu.vector_load %arg8[%swap3A_142] {strides = array<i32>} : memref<256xi32, #tpu.memory_space<vmem>>, vector<16xi32>,
    tpu.vector_store %arg8[%swap3A_142], %scan3A_132#1 {strides = array<i32>} : memref<256xi32, #tpu.memory_space<vmem>>, vector<16xi32>,
    %div3A_144 = arith.constant 1.000000e+00 : f32
    %div3A_145 = vector.broadcast %div3A_144 : f32 to vector<16xf32>
    %div3A_146 = arith.divf %div3A_145, %scan3A_140 : vector<16xf32>
    %swap3A_147 = arith.constant 80 : index
    %swap3A_148 = tpu.vector_load %arg9[%swap3A_147] {strides = array<i32>} : memref<256xf32, #tpu.memory_space<vmem>>, vector<16xf32>,
    tpu.vector_store %arg9[%swap3A_147], %div3A_146 {strides = array<i32>} : memref<256xf32, #tpu.memory_space<vmem>>, vector<16xf32>,
    %broadcast_in_dim3A_149 = arith.constant 0xFF800000 : f32
    %broadcast_in_dim3A_150 = vector.broadcast %broadcast_in_dim3A_149 : f32 to vector<16xf32>
    %broadcast_in_dim3A_151 = arith.constant 0 : i32
    %broadcast_in_dim3A_152 = vector.broadcast %broadcast_in_dim3A_151 : i32 to vector<16xi32>
    %scan3A_153 = arith.constant 0 : i32
    %scan3A_154 = arith.constant 64 : i32
    %scan3A_155 = arith.addi %scan3A_153, %scan3A_154 : i32
    %scan3A_156 = arith.constant 1 : i32
    %scan3A_157:2 = scf.for %scan3A_415 = %scan3A_153 to %scan3A_155 step %scan3A_156 iter_args(%scan3A_416 = %broadcast_in_dim3A_150, %scan3A_417 = %broadcast_in_dim3A_152) -> (vector<16xf32>, vector<16xi32>)  : i32 {
      %get3A = arith.index_cast %scan3A_415 : i32 to index
      %get3A_418 = arith.constant 96 : index
      %get3A_419 = tpu.vector_load %arg7[%get3A, %get3A_418] {strides = array<i32>} : memref<64x256xf32, #tpu.memory_space<vmem>>, vector<16xf32>,
      %gt3A = arith.cmpf ogt, %get3A_419, %scan3A_416 : vector<16xf32>
      %max3A = arith.maximumf %scan3A_416, %get3A_419 : vector<16xf32>
      %broadcast_in_dim3A_420 = vector.broadcast %scan3A_415 : i32 to vector<16xi32>
      %select_n3A = arith.select %gt3A, %broadcast_in_dim3A_420, %scan3A_417 : vector<16xi1>, vector<16xi32>
      scf.yield %max3A, %select_n3A : vector<16xf32>, vector<16xi32>
    }
    %scan3A_158 = arith.constant 64 : i32
    %broadcast_in_dim3A_159 = arith.constant 0.000000e+00 : f32
    %broadcast_in_dim3A_160 = vector.broadcast %broadcast_in_dim3A_159 : f32 to vector<16xf32>
    %scan3A_161 = arith.constant 0 : i32
    %scan3A_162 = arith.constant 64 : i32
    %scan3A_163 = arith.addi %scan3A_161, %scan3A_162 : i32
    %scan3A_164 = arith.constant 1 : i32
    %scan3A_165 = scf.for %scan3A_415 = %scan3A_161 to %scan3A_163 step %scan3A_164 iter_args(%scan3A_416 = %broadcast_in_dim3A_160) -> (vector<16xf32>)  : i32 {
      %get3A = arith.index_cast %scan3A_415 : i32 to index
      %get3A_417 = arith.constant 96 : index
      %get3A_418 = tpu.vector_load %arg7[%get3A, %get3A_417] {strides = array<i32>} : memref<64x256xf32, #tpu.memory_space<vmem>>, vector<16xf32>,
      %sub3A = arith.subf %get3A_418, %scan3A_157#0 : vector<16xf32>
      %exp3A = math.exp %sub3A : vector<16xf32>
      %add3A_419 = arith.addf %scan3A_416, %exp3A : vector<16xf32>
      scf.yield %add3A_419 : vector<16xf32>
    }
    %scan3A_166 = arith.constant 64 : i32
    %swap3A_167 = arith.constant 96 : index
    %swap3A_168 = tpu.vector_load %arg8[%swap3A_167] {strides = array<i32>} : memref<256xi32, #tpu.memory_space<vmem>>, vector<16xi32>,
    tpu.vector_store %arg8[%swap3A_167], %scan3A_157#1 {strides = array<i32>} : memref<256xi32, #tpu.memory_space<vmem>>, vector<16xi32>,
    %div3A_169 = arith.constant 1.000000e+00 : f32
    %div3A_170 = vector.broadcast %div3A_169 : f32 to vector<16xf32>
    %div3A_171 = arith.divf %div3A_170, %scan3A_165 : vector<16xf32>
    %swap3A_172 = arith.constant 96 : index
    %swap3A_173 = tpu.vector_load %arg9[%swap3A_172] {strides = array<i32>} : memref<256xf32, #tpu.memory_space<vmem>>, vector<16xf32>,
    tpu.vector_store %arg9[%swap3A_172], %div3A_171 {strides = array<i32>} : memref<256xf32, #tpu.memory_space<vmem>>, vector<16xf32>,
    %broadcast_in_dim3A_174 = arith.constant 0xFF800000 : f32
    %broadcast_in_dim3A_175 = vector.broadcast %broadcast_in_dim3A_174 : f32 to vector<16xf32>
    %broadcast_in_dim3A_176 = arith.constant 0 : i32
    %broadcast_in_dim3A_177 = vector.broadcast %broadcast_in_dim3A_176 : i32 to vector<16xi32>
    %scan3A_178 = arith.constant 0 : i32
    %scan3A_179 = arith.constant 64 : i32
    %scan3A_180 = arith.addi %scan3A_178, %scan3A_179 : i32
    %scan3A_181 = arith.constant 1 : i32
    %scan3A_182:2 = scf.for %scan3A_415 = %scan3A_178 to %scan3A_180 step %scan3A_181 iter_args(%scan3A_416 = %broadcast_in_dim3A_175, %scan3A_417 = %broadcast_in_dim3A_177) -> (vector<16xf32>, vector<16xi32>)  : i32 {
      %get3A = arith.index_cast %scan3A_415 : i32 to index
      %get3A_418 = arith.constant 112 : index
      %get3A_419 = tpu.vector_load %arg7[%get3A, %get3A_418] {strides = array<i32>} : memref<64x256xf32, #tpu.memory_space<vmem>>, vector<16xf32>,
      %gt3A = arith.cmpf ogt, %get3A_419, %scan3A_416 : vector<16xf32>
      %max3A = arith.maximumf %scan3A_416, %get3A_419 : vector<16xf32>
      %broadcast_in_dim3A_420 = vector.broadcast %scan3A_415 : i32 to vector<16xi32>
      %select_n3A = arith.select %gt3A, %broadcast_in_dim3A_420, %scan3A_417 : vector<16xi1>, vector<16xi32>
      scf.yield %max3A, %select_n3A : vector<16xf32>, vector<16xi32>
    }
    %scan3A_183 = arith.constant 64 : i32
    %broadcast_in_dim3A_184 = arith.constant 0.000000e+00 : f32
    %broadcast_in_dim3A_185 = vector.broadcast %broadcast_in_dim3A_184 : f32 to vector<16xf32>
    %scan3A_186 = arith.constant 0 : i32
    %scan3A_187 = arith.constant 64 : i32
    %scan3A_188 = arith.addi %scan3A_186, %scan3A_187 : i32
    %scan3A_189 = arith.constant 1 : i32
    %scan3A_190 = scf.for %scan3A_415 = %scan3A_186 to %scan3A_188 step %scan3A_189 iter_args(%scan3A_416 = %broadcast_in_dim3A_185) -> (vector<16xf32>)  : i32 {
      %get3A = arith.index_cast %scan3A_415 : i32 to index
      %get3A_417 = arith.constant 112 : index
      %get3A_418 = tpu.vector_load %arg7[%get3A, %get3A_417] {strides = array<i32>} : memref<64x256xf32, #tpu.memory_space<vmem>>, vector<16xf32>,
      %sub3A = arith.subf %get3A_418, %scan3A_182#0 : vector<16xf32>
      %exp3A = math.exp %sub3A : vector<16xf32>
      %add3A_419 = arith.addf %scan3A_416, %exp3A : vector<16xf32>
      scf.yield %add3A_419 : vector<16xf32>
    }
    %scan3A_191 = arith.constant 64 : i32
    %swap3A_192 = arith.constant 112 : index
    %swap3A_193 = tpu.vector_load %arg8[%swap3A_192] {strides = array<i32>} : memref<256xi32, #tpu.memory_space<vmem>>, vector<16xi32>,
    tpu.vector_store %arg8[%swap3A_192], %scan3A_182#1 {strides = array<i32>} : memref<256xi32, #tpu.memory_space<vmem>>, vector<16xi32>,
    %div3A_194 = arith.constant 1.000000e+00 : f32
    %div3A_195 = vector.broadcast %div3A_194 : f32 to vector<16xf32>
    %div3A_196 = arith.divf %div3A_195, %scan3A_190 : vector<16xf32>
    %swap3A_197 = arith.constant 112 : index
    %swap3A_198 = tpu.vector_load %arg9[%swap3A_197] {strides = array<i32>} : memref<256xf32, #tpu.memory_space<vmem>>, vector<16xf32>,
    tpu.vector_store %arg9[%swap3A_197], %div3A_196 {strides = array<i32>} : memref<256xf32, #tpu.memory_space<vmem>>, vector<16xf32>,
    %broadcast_in_dim3A_199 = arith.constant 0xFF800000 : f32
    %broadcast_in_dim3A_200 = vector.broadcast %broadcast_in_dim3A_199 : f32 to vector<16xf32>
    %broadcast_in_dim3A_201 = arith.constant 0 : i32
    %broadcast_in_dim3A_202 = vector.broadcast %broadcast_in_dim3A_201 : i32 to vector<16xi32>
    %scan3A_203 = arith.constant 0 : i32
    %scan3A_204 = arith.constant 64 : i32
    %scan3A_205 = arith.addi %scan3A_203, %scan3A_204 : i32
    %scan3A_206 = arith.constant 1 : i32
    %scan3A_207:2 = scf.for %scan3A_415 = %scan3A_203 to %scan3A_205 step %scan3A_206 iter_args(%scan3A_416 = %broadcast_in_dim3A_200, %scan3A_417 = %broadcast_in_dim3A_202) -> (vector<16xf32>, vector<16xi32>)  : i32 {
      %get3A = arith.index_cast %scan3A_415 : i32 to index
      %get3A_418 = arith.constant 128 : index
      %get3A_419 = tpu.vector_load %arg7[%get3A, %get3A_418] {strides = array<i32>} : memref<64x256xf32, #tpu.memory_space<vmem>>, vector<16xf32>,
      %gt3A = arith.cmpf ogt, %get3A_419, %scan3A_416 : vector<16xf32>
      %max3A = arith.maximumf %scan3A_416, %get3A_419 : vector<16xf32>
      %broadcast_in_dim3A_420 = vector.broadcast %scan3A_415 : i32 to vector<16xi32>
      %select_n3A = arith.select %gt3A, %broadcast_in_dim3A_420, %scan3A_417 : vector<16xi1>, vector<16xi32>
      scf.yield %max3A, %select_n3A : vector<16xf32>, vector<16xi32>
    }
    %scan3A_208 = arith.constant 64 : i32
    %broadcast_in_dim3A_209 = arith.constant 0.000000e+00 : f32
    %broadcast_in_dim3A_210 = vector.broadcast %broadcast_in_dim3A_209 : f32 to vector<16xf32>
    %scan3A_211 = arith.constant 0 : i32
    %scan3A_212 = arith.constant 64 : i32
    %scan3A_213 = arith.addi %scan3A_211, %scan3A_212 : i32
    %scan3A_214 = arith.constant 1 : i32
    %scan3A_215 = scf.for %scan3A_415 = %scan3A_211 to %scan3A_213 step %scan3A_214 iter_args(%scan3A_416 = %broadcast_in_dim3A_210) -> (vector<16xf32>)  : i32 {
      %get3A = arith.index_cast %scan3A_415 : i32 to index
      %get3A_417 = arith.constant 128 : index
      %get3A_418 = tpu.vector_load %arg7[%get3A, %get3A_417] {strides = array<i32>} : memref<64x256xf32, #tpu.memory_space<vmem>>, vector<16xf32>,
      %sub3A = arith.subf %get3A_418, %scan3A_207#0 : vector<16xf32>
      %exp3A = math.exp %sub3A : vector<16xf32>
      %add3A_419 = arith.addf %scan3A_416, %exp3A : vector<16xf32>
      scf.yield %add3A_419 : vector<16xf32>
    }
    %scan3A_216 = arith.constant 64 : i32
    %swap3A_217 = arith.constant 128 : index
    %swap3A_218 = tpu.vector_load %arg8[%swap3A_217] {strides = array<i32>} : memref<256xi32, #tpu.memory_space<vmem>>, vector<16xi32>,
    tpu.vector_store %arg8[%swap3A_217], %scan3A_207#1 {strides = array<i32>} : memref<256xi32, #tpu.memory_space<vmem>>, vector<16xi32>,
    %div3A_219 = arith.constant 1.000000e+00 : f32
    %div3A_220 = vector.broadcast %div3A_219 : f32 to vector<16xf32>
    %div3A_221 = arith.divf %div3A_220, %scan3A_215 : vector<16xf32>
    %swap3A_222 = arith.constant 128 : index
    %swap3A_223 = tpu.vector_load %arg9[%swap3A_222] {strides = array<i32>} : memref<256xf32, #tpu.memory_space<vmem>>, vector<16xf32>,
    tpu.vector_store %arg9[%swap3A_222], %div3A_221 {strides = array<i32>} : memref<256xf32, #tpu.memory_space<vmem>>, vector<16xf32>,
    %broadcast_in_dim3A_224 = arith.constant 0xFF800000 : f32
    %broadcast_in_dim3A_225 = vector.broadcast %broadcast_in_dim3A_224 : f32 to vector<16xf32>
    %broadcast_in_dim3A_226 = arith.constant 0 : i32
    %broadcast_in_dim3A_227 = vector.broadcast %broadcast_in_dim3A_226 : i32 to vector<16xi32>
    %scan3A_228 = arith.constant 0 : i32
    %scan3A_229 = arith.constant 64 : i32
    %scan3A_230 = arith.addi %scan3A_228, %scan3A_229 : i32
    %scan3A_231 = arith.constant 1 : i32
    %scan3A_232:2 = scf.for %scan3A_415 = %scan3A_228 to %scan3A_230 step %scan3A_231 iter_args(%scan3A_416 = %broadcast_in_dim3A_225, %scan3A_417 = %broadcast_in_dim3A_227) -> (vector<16xf32>, vector<16xi32>)  : i32 {
      %get3A = arith.index_cast %scan3A_415 : i32 to index
      %get3A_418 = arith.constant 144 : index
      %get3A_419 = tpu.vector_load %arg7[%get3A, %get3A_418] {strides = array<i32>} : memref<64x256xf32, #tpu.memory_space<vmem>>, vector<16xf32>,
      %gt3A = arith.cmpf ogt, %get3A_419, %scan3A_416 : vector<16xf32>
      %max3A = arith.maximumf %scan3A_416, %get3A_419 : vector<16xf32>
      %broadcast_in_dim3A_420 = vector.broadcast %scan3A_415 : i32 to vector<16xi32>
      %select_n3A = arith.select %gt3A, %broadcast_in_dim3A_420, %scan3A_417 : vector<16xi1>, vector<16xi32>
      scf.yield %max3A, %select_n3A : vector<16xf32>, vector<16xi32>
    }
    %scan3A_233 = arith.constant 64 : i32
    %broadcast_in_dim3A_234 = arith.constant 0.000000e+00 : f32
    %broadcast_in_dim3A_235 = vector.broadcast %broadcast_in_dim3A_234 : f32 to vector<16xf32>
    %scan3A_236 = arith.constant 0 : i32
    %scan3A_237 = arith.constant 64 : i32
    %scan3A_238 = arith.addi %scan3A_236, %scan3A_237 : i32
    %scan3A_239 = arith.constant 1 : i32
    %scan3A_240 = scf.for %scan3A_415 = %scan3A_236 to %scan3A_238 step %scan3A_239 iter_args(%scan3A_416 = %broadcast_in_dim3A_235) -> (vector<16xf32>)  : i32 {
      %get3A = arith.index_cast %scan3A_415 : i32 to index
      %get3A_417 = arith.constant 144 : index
      %get3A_418 = tpu.vector_load %arg7[%get3A, %get3A_417] {strides = array<i32>} : memref<64x256xf32, #tpu.memory_space<vmem>>, vector<16xf32>,
      %sub3A = arith.subf %get3A_418, %scan3A_232#0 : vector<16xf32>
      %exp3A = math.exp %sub3A : vector<16xf32>
      %add3A_419 = arith.addf %scan3A_416, %exp3A : vector<16xf32>
      scf.yield %add3A_419 : vector<16xf32>
    }
    %scan3A_241 = arith.constant 64 : i32
    %swap3A_242 = arith.constant 144 : index
    %swap3A_243 = tpu.vector_load %arg8[%swap3A_242] {strides = array<i32>} : memref<256xi32, #tpu.memory_space<vmem>>, vector<16xi32>,
    tpu.vector_store %arg8[%swap3A_242], %scan3A_232#1 {strides = array<i32>} : memref<256xi32, #tpu.memory_space<vmem>>, vector<16xi32>,
    %div3A_244 = arith.constant 1.000000e+00 : f32
    %div3A_245 = vector.broadcast %div3A_244 : f32 to vector<16xf32>
    %div3A_246 = arith.divf %div3A_245, %scan3A_240 : vector<16xf32>
    %swap3A_247 = arith.constant 144 : index
    %swap3A_248 = tpu.vector_load %arg9[%swap3A_247] {strides = array<i32>} : memref<256xf32, #tpu.memory_space<vmem>>, vector<16xf32>,
    tpu.vector_store %arg9[%swap3A_247], %div3A_246 {strides = array<i32>} : memref<256xf32, #tpu.memory_space<vmem>>, vector<16xf32>,
    %broadcast_in_dim3A_249 = arith.constant 0xFF800000 : f32
    %broadcast_in_dim3A_250 = vector.broadcast %broadcast_in_dim3A_249 : f32 to vector<16xf32>
    %broadcast_in_dim3A_251 = arith.constant 0 : i32
    %broadcast_in_dim3A_252 = vector.broadcast %broadcast_in_dim3A_251 : i32 to vector<16xi32>
    %scan3A_253 = arith.constant 0 : i32
    %scan3A_254 = arith.constant 64 : i32
    %scan3A_255 = arith.addi %scan3A_253, %scan3A_254 : i32
    %scan3A_256 = arith.constant 1 : i32
    %scan3A_257:2 = scf.for %scan3A_415 = %scan3A_253 to %scan3A_255 step %scan3A_256 iter_args(%scan3A_416 = %broadcast_in_dim3A_250, %scan3A_417 = %broadcast_in_dim3A_252) -> (vector<16xf32>, vector<16xi32>)  : i32 {
      %get3A = arith.index_cast %scan3A_415 : i32 to index
      %get3A_418 = arith.constant 160 : index
      %get3A_419 = tpu.vector_load %arg7[%get3A, %get3A_418] {strides = array<i32>} : memref<64x256xf32, #tpu.memory_space<vmem>>, vector<16xf32>,
      %gt3A = arith.cmpf ogt, %get3A_419, %scan3A_416 : vector<16xf32>
      %max3A = arith.maximumf %scan3A_416, %get3A_419 : vector<16xf32>
      %broadcast_in_dim3A_420 = vector.broadcast %scan3A_415 : i32 to vector<16xi32>
      %select_n3A = arith.select %gt3A, %broadcast_in_dim3A_420, %scan3A_417 : vector<16xi1>, vector<16xi32>
      scf.yield %max3A, %select_n3A : vector<16xf32>, vector<16xi32>
    }
    %scan3A_258 = arith.constant 64 : i32
    %broadcast_in_dim3A_259 = arith.constant 0.000000e+00 : f32
    %broadcast_in_dim3A_260 = vector.broadcast %broadcast_in_dim3A_259 : f32 to vector<16xf32>
    %scan3A_261 = arith.constant 0 : i32
    %scan3A_262 = arith.constant 64 : i32
    %scan3A_263 = arith.addi %scan3A_261, %scan3A_262 : i32
    %scan3A_264 = arith.constant 1 : i32
    %scan3A_265 = scf.for %scan3A_415 = %scan3A_261 to %scan3A_263 step %scan3A_264 iter_args(%scan3A_416 = %broadcast_in_dim3A_260) -> (vector<16xf32>)  : i32 {
      %get3A = arith.index_cast %scan3A_415 : i32 to index
      %get3A_417 = arith.constant 160 : index
      %get3A_418 = tpu.vector_load %arg7[%get3A, %get3A_417] {strides = array<i32>} : memref<64x256xf32, #tpu.memory_space<vmem>>, vector<16xf32>,
      %sub3A = arith.subf %get3A_418, %scan3A_257#0 : vector<16xf32>
      %exp3A = math.exp %sub3A : vector<16xf32>
      %add3A_419 = arith.addf %scan3A_416, %exp3A : vector<16xf32>
      scf.yield %add3A_419 : vector<16xf32>
    }
    %scan3A_266 = arith.constant 64 : i32
    %swap3A_267 = arith.constant 160 : index
    %swap3A_268 = tpu.vector_load %arg8[%swap3A_267] {strides = array<i32>} : memref<256xi32, #tpu.memory_space<vmem>>, vector<16xi32>,
    tpu.vector_store %arg8[%swap3A_267], %scan3A_257#1 {strides = array<i32>} : memref<256xi32, #tpu.memory_space<vmem>>, vector<16xi32>,
    %div3A_269 = arith.constant 1.000000e+00 : f32
    %div3A_270 = vector.broadcast %div3A_269 : f32 to vector<16xf32>
    %div3A_271 = arith.divf %div3A_270, %scan3A_265 : vector<16xf32>
    %swap3A_272 = arith.constant 160 : index
    %swap3A_273 = tpu.vector_load %arg9[%swap3A_272] {strides = array<i32>} : memref<256xf32, #tpu.memory_space<vmem>>, vector<16xf32>,
    tpu.vector_store %arg9[%swap3A_272], %div3A_271 {strides = array<i32>} : memref<256xf32, #tpu.memory_space<vmem>>, vector<16xf32>,
    %broadcast_in_dim3A_274 = arith.constant 0xFF800000 : f32
    %broadcast_in_dim3A_275 = vector.broadcast %broadcast_in_dim3A_274 : f32 to vector<16xf32>
    %broadcast_in_dim3A_276 = arith.constant 0 : i32
    %broadcast_in_dim3A_277 = vector.broadcast %broadcast_in_dim3A_276 : i32 to vector<16xi32>
    %scan3A_278 = arith.constant 0 : i32
    %scan3A_279 = arith.constant 64 : i32
    %scan3A_280 = arith.addi %scan3A_278, %scan3A_279 : i32
    %scan3A_281 = arith.constant 1 : i32
    %scan3A_282:2 = scf.for %scan3A_415 = %scan3A_278 to %scan3A_280 step %scan3A_281 iter_args(%scan3A_416 = %broadcast_in_dim3A_275, %scan3A_417 = %broadcast_in_dim3A_277) -> (vector<16xf32>, vector<16xi32>)  : i32 {
      %get3A = arith.index_cast %scan3A_415 : i32 to index
      %get3A_418 = arith.constant 176 : index
      %get3A_419 = tpu.vector_load %arg7[%get3A, %get3A_418] {strides = array<i32>} : memref<64x256xf32, #tpu.memory_space<vmem>>, vector<16xf32>,
      %gt3A = arith.cmpf ogt, %get3A_419, %scan3A_416 : vector<16xf32>
      %max3A = arith.maximumf %scan3A_416, %get3A_419 : vector<16xf32>
      %broadcast_in_dim3A_420 = vector.broadcast %scan3A_415 : i32 to vector<16xi32>
      %select_n3A = arith.select %gt3A, %broadcast_in_dim3A_420, %scan3A_417 : vector<16xi1>, vector<16xi32>
      scf.yield %max3A, %select_n3A : vector<16xf32>, vector<16xi32>
    }
    %scan3A_283 = arith.constant 64 : i32
    %broadcast_in_dim3A_284 = arith.constant 0.000000e+00 : f32
    %broadcast_in_dim3A_285 = vector.broadcast %broadcast_in_dim3A_284 : f32 to vector<16xf32>
    %scan3A_286 = arith.constant 0 : i32
    %scan3A_287 = arith.constant 64 : i32
    %scan3A_288 = arith.addi %scan3A_286, %scan3A_287 : i32
    %scan3A_289 = arith.constant 1 : i32
    %scan3A_290 = scf.for %scan3A_415 = %scan3A_286 to %scan3A_288 step %scan3A_289 iter_args(%scan3A_416 = %broadcast_in_dim3A_285) -> (vector<16xf32>)  : i32 {
      %get3A = arith.index_cast %scan3A_415 : i32 to index
      %get3A_417 = arith.constant 176 : index
      %get3A_418 = tpu.vector_load %arg7[%get3A, %get3A_417] {strides = array<i32>} : memref<64x256xf32, #tpu.memory_space<vmem>>, vector<16xf32>,
      %sub3A = arith.subf %get3A_418, %scan3A_282#0 : vector<16xf32>
      %exp3A = math.exp %sub3A : vector<16xf32>
      %add3A_419 = arith.addf %scan3A_416, %exp3A : vector<16xf32>
      scf.yield %add3A_419 : vector<16xf32>
    }
    %scan3A_291 = arith.constant 64 : i32
    %swap3A_292 = arith.constant 176 : index
    %swap3A_293 = tpu.vector_load %arg8[%swap3A_292] {strides = array<i32>} : memref<256xi32, #tpu.memory_space<vmem>>, vector<16xi32>,
    tpu.vector_store %arg8[%swap3A_292], %scan3A_282#1 {strides = array<i32>} : memref<256xi32, #tpu.memory_space<vmem>>, vector<16xi32>,
    %div3A_294 = arith.constant 1.000000e+00 : f32
    %div3A_295 = vector.broadcast %div3A_294 : f32 to vector<16xf32>
    %div3A_296 = arith.divf %div3A_295, %scan3A_290 : vector<16xf32>
    %swap3A_297 = arith.constant 176 : index
    %swap3A_298 = tpu.vector_load %arg9[%swap3A_297] {strides = array<i32>} : memref<256xf32, #tpu.memory_space<vmem>>, vector<16xf32>,
    tpu.vector_store %arg9[%swap3A_297], %div3A_296 {strides = array<i32>} : memref<256xf32, #tpu.memory_space<vmem>>, vector<16xf32>,
    %broadcast_in_dim3A_299 = arith.constant 0xFF800000 : f32
    %broadcast_in_dim3A_300 = vector.broadcast %broadcast_in_dim3A_299 : f32 to vector<16xf32>
    %broadcast_in_dim3A_301 = arith.constant 0 : i32
    %broadcast_in_dim3A_302 = vector.broadcast %broadcast_in_dim3A_301 : i32 to vector<16xi32>
    %scan3A_303 = arith.constant 0 : i32
    %scan3A_304 = arith.constant 64 : i32
    %scan3A_305 = arith.addi %scan3A_303, %scan3A_304 : i32
    %scan3A_306 = arith.constant 1 : i32
    %scan3A_307:2 = scf.for %scan3A_415 = %scan3A_303 to %scan3A_305 step %scan3A_306 iter_args(%scan3A_416 = %broadcast_in_dim3A_300, %scan3A_417 = %broadcast_in_dim3A_302) -> (vector<16xf32>, vector<16xi32>)  : i32 {
      %get3A = arith.index_cast %scan3A_415 : i32 to index
      %get3A_418 = arith.constant 192 : index
      %get3A_419 = tpu.vector_load %arg7[%get3A, %get3A_418] {strides = array<i32>} : memref<64x256xf32, #tpu.memory_space<vmem>>, vector<16xf32>,
      %gt3A = arith.cmpf ogt, %get3A_419, %scan3A_416 : vector<16xf32>
      %max3A = arith.maximumf %scan3A_416, %get3A_419 : vector<16xf32>
      %broadcast_in_dim3A_420 = vector.broadcast %scan3A_415 : i32 to vector<16xi32>
      %select_n3A = arith.select %gt3A, %broadcast_in_dim3A_420, %scan3A_417 : vector<16xi1>, vector<16xi32>
      scf.yield %max3A, %select_n3A : vector<16xf32>, vector<16xi32>
    }
    %scan3A_308 = arith.constant 64 : i32
    %broadcast_in_dim3A_309 = arith.constant 0.000000e+00 : f32
    %broadcast_in_dim3A_310 = vector.broadcast %broadcast_in_dim3A_309 : f32 to vector<16xf32>
    %scan3A_311 = arith.constant 0 : i32
    %scan3A_312 = arith.constant 64 : i32
    %scan3A_313 = arith.addi %scan3A_311, %scan3A_312 : i32
    %scan3A_314 = arith.constant 1 : i32
    %scan3A_315 = scf.for %scan3A_415 = %scan3A_311 to %scan3A_313 step %scan3A_314 iter_args(%scan3A_416 = %broadcast_in_dim3A_310) -> (vector<16xf32>)  : i32 {
      %get3A = arith.index_cast %scan3A_415 : i32 to index
      %get3A_417 = arith.constant 192 : index
      %get3A_418 = tpu.vector_load %arg7[%get3A, %get3A_417] {strides = array<i32>} : memref<64x256xf32, #tpu.memory_space<vmem>>, vector<16xf32>,
      %sub3A = arith.subf %get3A_418, %scan3A_307#0 : vector<16xf32>
      %exp3A = math.exp %sub3A : vector<16xf32>
      %add3A_419 = arith.addf %scan3A_416, %exp3A : vector<16xf32>
      scf.yield %add3A_419 : vector<16xf32>
    }
    %scan3A_316 = arith.constant 64 : i32
    %swap3A_317 = arith.constant 192 : index
    %swap3A_318 = tpu.vector_load %arg8[%swap3A_317] {strides = array<i32>} : memref<256xi32, #tpu.memory_space<vmem>>, vector<16xi32>,
    tpu.vector_store %arg8[%swap3A_317], %scan3A_307#1 {strides = array<i32>} : memref<256xi32, #tpu.memory_space<vmem>>, vector<16xi32>,
    %div3A_319 = arith.constant 1.000000e+00 : f32
    %div3A_320 = vector.broadcast %div3A_319 : f32 to vector<16xf32>
    %div3A_321 = arith.divf %div3A_320, %scan3A_315 : vector<16xf32>
    %swap3A_322 = arith.constant 192 : index
    %swap3A_323 = tpu.vector_load %arg9[%swap3A_322] {strides = array<i32>} : memref<256xf32, #tpu.memory_space<vmem>>, vector<16xf32>,
    tpu.vector_store %arg9[%swap3A_322], %div3A_321 {strides = array<i32>} : memref<256xf32, #tpu.memory_space<vmem>>, vector<16xf32>,
    %broadcast_in_dim3A_324 = arith.constant 0xFF800000 : f32
    %broadcast_in_dim3A_325 = vector.broadcast %broadcast_in_dim3A_324 : f32 to vector<16xf32>
    %broadcast_in_dim3A_326 = arith.constant 0 : i32
    %broadcast_in_dim3A_327 = vector.broadcast %broadcast_in_dim3A_326 : i32 to vector<16xi32>
    %scan3A_328 = arith.constant 0 : i32
    %scan3A_329 = arith.constant 64 : i32
    %scan3A_330 = arith.addi %scan3A_328, %scan3A_329 : i32
    %scan3A_331 = arith.constant 1 : i32
    %scan3A_332:2 = scf.for %scan3A_415 = %scan3A_328 to %scan3A_330 step %scan3A_331 iter_args(%scan3A_416 = %broadcast_in_dim3A_325, %scan3A_417 = %broadcast_in_dim3A_327) -> (vector<16xf32>, vector<16xi32>)  : i32 {
      %get3A = arith.index_cast %scan3A_415 : i32 to index
      %get3A_418 = arith.constant 208 : index
      %get3A_419 = tpu.vector_load %arg7[%get3A, %get3A_418] {strides = array<i32>} : memref<64x256xf32, #tpu.memory_space<vmem>>, vector<16xf32>,
      %gt3A = arith.cmpf ogt, %get3A_419, %scan3A_416 : vector<16xf32>
      %max3A = arith.maximumf %scan3A_416, %get3A_419 : vector<16xf32>
      %broadcast_in_dim3A_420 = vector.broadcast %scan3A_415 : i32 to vector<16xi32>
      %select_n3A = arith.select %gt3A, %broadcast_in_dim3A_420, %scan3A_417 : vector<16xi1>, vector<16xi32>
      scf.yield %max3A, %select_n3A : vector<16xf32>, vector<16xi32>
    }
    %scan3A_333 = arith.constant 64 : i32
    %broadcast_in_dim3A_334 = arith.constant 0.000000e+00 : f32
    %broadcast_in_dim3A_335 = vector.broadcast %broadcast_in_dim3A_334 : f32 to vector<16xf32>
    %scan3A_336 = arith.constant 0 : i32
    %scan3A_337 = arith.constant 64 : i32
    %scan3A_338 = arith.addi %scan3A_336, %scan3A_337 : i32
    %scan3A_339 = arith.constant 1 : i32
    %scan3A_340 = scf.for %scan3A_415 = %scan3A_336 to %scan3A_338 step %scan3A_339 iter_args(%scan3A_416 = %broadcast_in_dim3A_335) -> (vector<16xf32>)  : i32 {
      %get3A = arith.index_cast %scan3A_415 : i32 to index
      %get3A_417 = arith.constant 208 : index
      %get3A_418 = tpu.vector_load %arg7[%get3A, %get3A_417] {strides = array<i32>} : memref<64x256xf32, #tpu.memory_space<vmem>>, vector<16xf32>,
      %sub3A = arith.subf %get3A_418, %scan3A_332#0 : vector<16xf32>
      %exp3A = math.exp %sub3A : vector<16xf32>
      %add3A_419 = arith.addf %scan3A_416, %exp3A : vector<16xf32>
      scf.yield %add3A_419 : vector<16xf32>
    }
    %scan3A_341 = arith.constant 64 : i32
    %swap3A_342 = arith.constant 208 : index
    %swap3A_343 = tpu.vector_load %arg8[%swap3A_342] {strides = array<i32>} : memref<256xi32, #tpu.memory_space<vmem>>, vector<16xi32>,
    tpu.vector_store %arg8[%swap3A_342], %scan3A_332#1 {strides = array<i32>} : memref<256xi32, #tpu.memory_space<vmem>>, vector<16xi32>,
    %div3A_344 = arith.constant 1.000000e+00 : f32
    %div3A_345 = vector.broadcast %div3A_344 : f32 to vector<16xf32>
    %div3A_346 = arith.divf %div3A_345, %scan3A_340 : vector<16xf32>
    %swap3A_347 = arith.constant 208 : index
    %swap3A_348 = tpu.vector_load %arg9[%swap3A_347] {strides = array<i32>} : memref<256xf32, #tpu.memory_space<vmem>>, vector<16xf32>,
    tpu.vector_store %arg9[%swap3A_347], %div3A_346 {strides = array<i32>} : memref<256xf32, #tpu.memory_space<vmem>>, vector<16xf32>,
    %broadcast_in_dim3A_349 = arith.constant 0xFF800000 : f32
    %broadcast_in_dim3A_350 = vector.broadcast %broadcast_in_dim3A_349 : f32 to vector<16xf32>
    %broadcast_in_dim3A_351 = arith.constant 0 : i32
    %broadcast_in_dim3A_352 = vector.broadcast %broadcast_in_dim3A_351 : i32 to vector<16xi32>
    %scan3A_353 = arith.constant 0 : i32
    %scan3A_354 = arith.constant 64 : i32
    %scan3A_355 = arith.addi %scan3A_353, %scan3A_354 : i32
    %scan3A_356 = arith.constant 1 : i32
    %scan3A_357:2 = scf.for %scan3A_415 = %scan3A_353 to %scan3A_355 step %scan3A_356 iter_args(%scan3A_416 = %broadcast_in_dim3A_350, %scan3A_417 = %broadcast_in_dim3A_352) -> (vector<16xf32>, vector<16xi32>)  : i32 {
      %get3A = arith.index_cast %scan3A_415 : i32 to index
      %get3A_418 = arith.constant 224 : index
      %get3A_419 = tpu.vector_load %arg7[%get3A, %get3A_418] {strides = array<i32>} : memref<64x256xf32, #tpu.memory_space<vmem>>, vector<16xf32>,
      %gt3A = arith.cmpf ogt, %get3A_419, %scan3A_416 : vector<16xf32>
      %max3A = arith.maximumf %scan3A_416, %get3A_419 : vector<16xf32>
      %broadcast_in_dim3A_420 = vector.broadcast %scan3A_415 : i32 to vector<16xi32>
      %select_n3A = arith.select %gt3A, %broadcast_in_dim3A_420, %scan3A_417 : vector<16xi1>, vector<16xi32>
      scf.yield %max3A, %select_n3A : vector<16xf32>, vector<16xi32>
    }
    %scan3A_358 = arith.constant 64 : i32
    %broadcast_in_dim3A_359 = arith.constant 0.000000e+00 : f32
    %broadcast_in_dim3A_360 = vector.broadcast %broadcast_in_dim3A_359 : f32 to vector<16xf32>
    %scan3A_361 = arith.constant 0 : i32
    %scan3A_362 = arith.constant 64 : i32
    %scan3A_363 = arith.addi %scan3A_361, %scan3A_362 : i32
    %scan3A_364 = arith.constant 1 : i32
    %scan3A_365 = scf.for %scan3A_415 = %scan3A_361 to %scan3A_363 step %scan3A_364 iter_args(%scan3A_416 = %broadcast_in_dim3A_360) -> (vector<16xf32>)  : i32 {
      %get3A = arith.index_cast %scan3A_415 : i32 to index
      %get3A_417 = arith.constant 224 : index
      %get3A_418 = tpu.vector_load %arg7[%get3A, %get3A_417] {strides = array<i32>} : memref<64x256xf32, #tpu.memory_space<vmem>>, vector<16xf32>,
      %sub3A = arith.subf %get3A_418, %scan3A_357#0 : vector<16xf32>
      %exp3A = math.exp %sub3A : vector<16xf32>
      %add3A_419 = arith.addf %scan3A_416, %exp3A : vector<16xf32>
      scf.yield %add3A_419 : vector<16xf32>
    }
    %scan3A_366 = arith.constant 64 : i32
    %swap3A_367 = arith.constant 224 : index
    %swap3A_368 = tpu.vector_load %arg8[%swap3A_367] {strides = array<i32>} : memref<256xi32, #tpu.memory_space<vmem>>, vector<16xi32>,
    tpu.vector_store %arg8[%swap3A_367], %scan3A_357#1 {strides = array<i32>} : memref<256xi32, #tpu.memory_space<vmem>>, vector<16xi32>,
    %div3A_369 = arith.constant 1.000000e+00 : f32
    %div3A_370 = vector.broadcast %div3A_369 : f32 to vector<16xf32>
    %div3A_371 = arith.divf %div3A_370, %scan3A_365 : vector<16xf32>
    %swap3A_372 = arith.constant 224 : index
    %swap3A_373 = tpu.vector_load %arg9[%swap3A_372] {strides = array<i32>} : memref<256xf32, #tpu.memory_space<vmem>>, vector<16xf32>,
    tpu.vector_store %arg9[%swap3A_372], %div3A_371 {strides = array<i32>} : memref<256xf32, #tpu.memory_space<vmem>>, vector<16xf32>,
    %broadcast_in_dim3A_374 = arith.constant 0xFF800000 : f32
    %broadcast_in_dim3A_375 = vector.broadcast %broadcast_in_dim3A_374 : f32 to vector<16xf32>
    %broadcast_in_dim3A_376 = arith.constant 0 : i32
    %broadcast_in_dim3A_377 = vector.broadcast %broadcast_in_dim3A_376 : i32 to vector<16xi32>
    %scan3A_378 = arith.constant 0 : i32
    %scan3A_379 = arith.constant 64 : i32
    %scan3A_380 = arith.addi %scan3A_378, %scan3A_379 : i32
    %scan3A_381 = arith.constant 1 : i32
    %scan3A_382:2 = scf.for %scan3A_415 = %scan3A_378 to %scan3A_380 step %scan3A_381 iter_args(%scan3A_416 = %broadcast_in_dim3A_375, %scan3A_417 = %broadcast_in_dim3A_377) -> (vector<16xf32>, vector<16xi32>)  : i32 {
      %get3A = arith.index_cast %scan3A_415 : i32 to index
      %get3A_418 = arith.constant 240 : index
      %get3A_419 = tpu.vector_load %arg7[%get3A, %get3A_418] {strides = array<i32>} : memref<64x256xf32, #tpu.memory_space<vmem>>, vector<16xf32>,
      %gt3A = arith.cmpf ogt, %get3A_419, %scan3A_416 : vector<16xf32>
      %max3A = arith.maximumf %scan3A_416, %get3A_419 : vector<16xf32>
      %broadcast_in_dim3A_420 = vector.broadcast %scan3A_415 : i32 to vector<16xi32>
      %select_n3A = arith.select %gt3A, %broadcast_in_dim3A_420, %scan3A_417 : vector<16xi1>, vector<16xi32>
      scf.yield %max3A, %select_n3A : vector<16xf32>, vector<16xi32>
    }
    %scan3A_383 = arith.constant 64 : i32
    %broadcast_in_dim3A_384 = arith.constant 0.000000e+00 : f32
    %broadcast_in_dim3A_385 = vector.broadcast %broadcast_in_dim3A_384 : f32 to vector<16xf32>
    %scan3A_386 = arith.constant 0 : i32
    %scan3A_387 = arith.constant 64 : i32
    %scan3A_388 = arith.addi %scan3A_386, %scan3A_387 : i32
    %scan3A_389 = arith.constant 1 : i32
    %scan3A_390 = scf.for %scan3A_415 = %scan3A_386 to %scan3A_388 step %scan3A_389 iter_args(%scan3A_416 = %broadcast_in_dim3A_385) -> (vector<16xf32>)  : i32 {
      %get3A = arith.index_cast %scan3A_415 : i32 to index
      %get3A_417 = arith.constant 240 : index
      %get3A_418 = tpu.vector_load %arg7[%get3A, %get3A_417] {strides = array<i32>} : memref<64x256xf32, #tpu.memory_space<vmem>>, vector<16xf32>,
      %sub3A = arith.subf %get3A_418, %scan3A_382#0 : vector<16xf32>
      %exp3A = math.exp %sub3A : vector<16xf32>
      %add3A_419 = arith.addf %scan3A_416, %exp3A : vector<16xf32>
      scf.yield %add3A_419 : vector<16xf32>
    }
    %scan3A_391 = arith.constant 64 : i32
    %swap3A_392 = arith.constant 240 : index
    %swap3A_393 = tpu.vector_load %arg8[%swap3A_392] {strides = array<i32>} : memref<256xi32, #tpu.memory_space<vmem>>, vector<16xi32>,
    tpu.vector_store %arg8[%swap3A_392], %scan3A_382#1 {strides = array<i32>} : memref<256xi32, #tpu.memory_space<vmem>>, vector<16xi32>,
    %div3A_394 = arith.constant 1.000000e+00 : f32
    %div3A_395 = vector.broadcast %div3A_394 : f32 to vector<16xf32>
    %div3A_396 = arith.divf %div3A_395, %scan3A_390 : vector<16xf32>
    %swap3A_397 = arith.constant 240 : index
    %swap3A_398 = tpu.vector_load %arg9[%swap3A_397] {strides = array<i32>} : memref<256xf32, #tpu.memory_space<vmem>>, vector<16xf32>,
    tpu.vector_store %arg9[%swap3A_397], %div3A_396 {strides = array<i32>} : memref<256xf32, #tpu.memory_space<vmem>>, vector<16xf32>,
    %iota3A = tpu.iota {dimensions = array<i32: 0>} : vector<16xi32>
    %broadcast_in_dim3A_399 = arith.constant 0 : i32
    %broadcast_in_dim3A_400 = vector.broadcast %broadcast_in_dim3A_399 : i32 to vector<16xi32>
    %scan3A_401 = arith.constant 0 : i32
    %scan3A_402 = arith.constant 64 : i32
    %scan3A_403 = arith.addi %scan3A_401, %scan3A_402 : i32
    %scan3A_404 = arith.constant 1 : i32
    %scan3A_405:4 = scf.for %scan3A_415 = %scan3A_401 to %scan3A_403 step %scan3A_404 iter_args(%scan3A_416 = %broadcast_in_dim3A_400, %scan3A_417 = %broadcast_in_dim3A_400, %scan3A_418 = %broadcast_in_dim3A_400, %scan3A_419 = %broadcast_in_dim3A_400) -> (vector<16xi32>, vector<16xi32>, vector<16xi32>, vector<16xi32>)  : i32 {
      %get3A = arith.constant 0 : index
      %get3A_420 = tpu.vector_load %arg8[%get3A] {strides = array<i32>} : memref<256xi32, #tpu.memory_space<vmem>>, vector<16xi32>,
      %eq3A = vector.broadcast %scan3A_415 : i32 to vector<16xi32>
      %eq3A_421 = arith.cmpi eq, %get3A_420, %eq3A : vector<16xi32>
      %jit3A = arith.constant 1 : i32
      %jit3A_422 = arith.constant 0 : i32
      %broadcast_in_dim3A_423 = vector.broadcast %jit3A : i32 to vector<16xi32>
      %broadcast_in_dim3A_424 = vector.broadcast %jit3A_422 : i32 to vector<16xi32>
      %select_n3A = arith.select %eq3A_421, %broadcast_in_dim3A_423, %broadcast_in_dim3A_424 : vector<16xi1>, vector<16xi32>
      %broadcast_in_dim3A_425 = arith.constant true
      %broadcast_in_dim3A_426 = vector.broadcast %broadcast_in_dim3A_425 : i1 to vector<16xi1>
      %masked_cumsum3A = tpu.scan <sum>, %select_n3A masked %broadcast_in_dim3A_426 : vector<16xi32>, vector<16xi1> -> vector<16xi32>
      %add3A_427 = arith.constant 0 : i32
      %add3A_428 = vector.broadcast %add3A_427 : i32 to vector<16xi32>
      %add3A_429 = arith.addi %add3A_428, %masked_cumsum3A : vector<16xi32>
      %sub3A = arith.constant 1 : i32
      %sub3A_430 = vector.broadcast %sub3A : i32 to vector<16xi32>
      %sub3A_431 = arith.subi %add3A_429, %sub3A_430 : vector<16xi32>
      %get3A_432 = arith.constant 0 : index
      %get3A_433 = tpu.vector_load %arg10[%get3A_432] {strides = array<i32>} : memref<256xi32, #tpu.memory_space<vmem>>, vector<16xi32>,
      %select_n3A_434 = arith.select %eq3A_421, %sub3A_431, %get3A_433 : vector<16xi1>, vector<16xi32>
      %swap3A_435 = arith.constant 0 : index
      %swap3A_436 = tpu.vector_load %arg10[%swap3A_435] {strides = array<i32>} : memref<256xi32, #tpu.memory_space<vmem>>, vector<16xi32>,
      tpu.vector_store %arg10[%swap3A_435], %select_n3A_434 {strides = array<i32>} : memref<256xi32, #tpu.memory_space<vmem>>, vector<16xi32>,
      %slice3A = vector.extract_strided_slice %masked_cumsum3A {offsets = [15], sizes = [1], strides = [1]} : vector<16xi32> to vector<1xi32>
      %squeeze3A = vector.extract %slice3A[0] : i32 from vector<1xi32>
      %add3A_437 = arith.constant 0 : i32
      %add3A_438 = arith.addi %add3A_437, %squeeze3A : i32
      %get3A_439 = arith.constant 16 : index
      %get3A_440 = tpu.vector_load %arg8[%get3A_439] {strides = array<i32>} : memref<256xi32, #tpu.memory_space<vmem>>, vector<16xi32>,
      %eq3A_441 = vector.broadcast %scan3A_415 : i32 to vector<16xi32>
      %eq3A_442 = arith.cmpi eq, %get3A_440, %eq3A_441 : vector<16xi32>
      %jit3A_443 = arith.constant 1 : i32
      %jit3A_444 = arith.constant 0 : i32
      %broadcast_in_dim3A_445 = vector.broadcast %jit3A_443 : i32 to vector<16xi32>
      %broadcast_in_dim3A_446 = vector.broadcast %jit3A_444 : i32 to vector<16xi32>
      %select_n3A_447 = arith.select %eq3A_442, %broadcast_in_dim3A_445, %broadcast_in_dim3A_446 : vector<16xi1>, vector<16xi32>
      %broadcast_in_dim3A_448 = arith.constant true
      %broadcast_in_dim3A_449 = vector.broadcast %broadcast_in_dim3A_448 : i1 to vector<16xi1>
      %masked_cumsum3A_450 = tpu.scan <sum>, %select_n3A_447 masked %broadcast_in_dim3A_449 : vector<16xi32>, vector<16xi1> -> vector<16xi32>
      %add3A_451 = vector.broadcast %add3A_438 : i32 to vector<16xi32>
      %add3A_452 = arith.addi %add3A_451, %masked_cumsum3A_450 : vector<16xi32>
      %sub3A_453 = arith.constant 1 : i32
      %sub3A_454 = vector.broadcast %sub3A_453 : i32 to vector<16xi32>
      %sub3A_455 = arith.subi %add3A_452, %sub3A_454 : vector<16xi32>
      %get3A_456 = arith.constant 16 : index
      %get3A_457 = tpu.vector_load %arg10[%get3A_456] {strides = array<i32>} : memref<256xi32, #tpu.memory_space<vmem>>, vector<16xi32>,
      %select_n3A_458 = arith.select %eq3A_442, %sub3A_455, %get3A_457 : vector<16xi1>, vector<16xi32>
      %swap3A_459 = arith.constant 16 : index
      %swap3A_460 = tpu.vector_load %arg10[%swap3A_459] {strides = array<i32>} : memref<256xi32, #tpu.memory_space<vmem>>, vector<16xi32>,
      tpu.vector_store %arg10[%swap3A_459], %select_n3A_458 {strides = array<i32>} : memref<256xi32, #tpu.memory_space<vmem>>, vector<16xi32>,
      %slice3A_461 = vector.extract_strided_slice %masked_cumsum3A_450 {offsets = [15], sizes = [1], strides = [1]} : vector<16xi32> to vector<1xi32>
      %squeeze3A_462 = vector.extract %slice3A_461[0] : i32 from vector<1xi32>
      %add3A_463 = arith.addi %add3A_438, %squeeze3A_462 : i32
      %get3A_464 = arith.constant 32 : index
      %get3A_465 = tpu.vector_load %arg8[%get3A_464] {strides = array<i32>} : memref<256xi32, #tpu.memory_space<vmem>>, vector<16xi32>,
      %eq3A_466 = vector.broadcast %scan3A_415 : i32 to vector<16xi32>
      %eq3A_467 = arith.cmpi eq, %get3A_465, %eq3A_466 : vector<16xi32>
      %jit3A_468 = arith.constant 1 : i32
      %jit3A_469 = arith.constant 0 : i32
      %broadcast_in_dim3A_470 = vector.broadcast %jit3A_468 : i32 to vector<16xi32>
      %broadcast_in_dim3A_471 = vector.broadcast %jit3A_469 : i32 to vector<16xi32>
      %select_n3A_472 = arith.select %eq3A_467, %broadcast_in_dim3A_470, %broadcast_in_dim3A_471 : vector<16xi1>, vector<16xi32>
      %broadcast_in_dim3A_473 = arith.constant true
      %broadcast_in_dim3A_474 = vector.broadcast %broadcast_in_dim3A_473 : i1 to vector<16xi1>
      %masked_cumsum3A_475 = tpu.scan <sum>, %select_n3A_472 masked %broadcast_in_dim3A_474 : vector<16xi32>, vector<16xi1> -> vector<16xi32>
      %add3A_476 = vector.broadcast %add3A_463 : i32 to vector<16xi32>
      %add3A_477 = arith.addi %add3A_476, %masked_cumsum3A_475 : vector<16xi32>
      %sub3A_478 = arith.constant 1 : i32
      %sub3A_479 = vector.broadcast %sub3A_478 : i32 to vector<16xi32>
      %sub3A_480 = arith.subi %add3A_477, %sub3A_479 : vector<16xi32>
      %get3A_481 = arith.constant 32 : index
      %get3A_482 = tpu.vector_load %arg10[%get3A_481] {strides = array<i32>} : memref<256xi32, #tpu.memory_space<vmem>>, vector<16xi32>,
      %select_n3A_483 = arith.select %eq3A_467, %sub3A_480, %get3A_482 : vector<16xi1>, vector<16xi32>
      %swap3A_484 = arith.constant 32 : index
      %swap3A_485 = tpu.vector_load %arg10[%swap3A_484] {strides = array<i32>} : memref<256xi32, #tpu.memory_space<vmem>>, vector<16xi32>,
      tpu.vector_store %arg10[%swap3A_484], %select_n3A_483 {strides = array<i32>} : memref<256xi32, #tpu.memory_space<vmem>>, vector<16xi32>,
      %slice3A_486 = vector.extract_strided_slice %masked_cumsum3A_475 {offsets = [15], sizes = [1], strides = [1]} : vector<16xi32> to vector<1xi32>
      %squeeze3A_487 = vector.extract %slice3A_486[0] : i32 from vector<1xi32>
      %add3A_488 = arith.addi %add3A_463, %squeeze3A_487 : i32
      %get3A_489 = arith.constant 48 : index
      %get3A_490 = tpu.vector_load %arg8[%get3A_489] {strides = array<i32>} : memref<256xi32, #tpu.memory_space<vmem>>, vector<16xi32>,
      %eq3A_491 = vector.broadcast %scan3A_415 : i32 to vector<16xi32>
      %eq3A_492 = arith.cmpi eq, %get3A_490, %eq3A_491 : vector<16xi32>
      %jit3A_493 = arith.constant 1 : i32
      %jit3A_494 = arith.constant 0 : i32
      %broadcast_in_dim3A_495 = vector.broadcast %jit3A_493 : i32 to vector<16xi32>
      %broadcast_in_dim3A_496 = vector.broadcast %jit3A_494 : i32 to vector<16xi32>
      %select_n3A_497 = arith.select %eq3A_492, %broadcast_in_dim3A_495, %broadcast_in_dim3A_496 : vector<16xi1>, vector<16xi32>
      %broadcast_in_dim3A_498 = arith.constant true
      %broadcast_in_dim3A_499 = vector.broadcast %broadcast_in_dim3A_498 : i1 to vector<16xi1>
      %masked_cumsum3A_500 = tpu.scan <sum>, %select_n3A_497 masked %broadcast_in_dim3A_499 : vector<16xi32>, vector<16xi1> -> vector<16xi32>
      %add3A_501 = vector.broadcast %add3A_488 : i32 to vector<16xi32>
      %add3A_502 = arith.addi %add3A_501, %masked_cumsum3A_500 : vector<16xi32>
      %sub3A_503 = arith.constant 1 : i32
      %sub3A_504 = vector.broadcast %sub3A_503 : i32 to vector<16xi32>
      %sub3A_505 = arith.subi %add3A_502, %sub3A_504 : vector<16xi32>
      %get3A_506 = arith.constant 48 : index
      %get3A_507 = tpu.vector_load %arg10[%get3A_506] {strides = array<i32>} : memref<256xi32, #tpu.memory_space<vmem>>, vector<16xi32>,
      %select_n3A_508 = arith.select %eq3A_492, %sub3A_505, %get3A_507 : vector<16xi1>, vector<16xi32>
      %swap3A_509 = arith.constant 48 : index
      %swap3A_510 = tpu.vector_load %arg10[%swap3A_509] {strides = array<i32>} : memref<256xi32, #tpu.memory_space<vmem>>, vector<16xi32>,
      tpu.vector_store %arg10[%swap3A_509], %select_n3A_508 {strides = array<i32>} : memref<256xi32, #tpu.memory_space<vmem>>, vector<16xi32>,
      %slice3A_511 = vector.extract_strided_slice %masked_cumsum3A_500 {offsets = [15], sizes = [1], strides = [1]} : vector<16xi32> to vector<1xi32>
      %squeeze3A_512 = vector.extract %slice3A_511[0] : i32 from vector<1xi32>
      %add3A_513 = arith.addi %add3A_488, %squeeze3A_512 : i32
      %get3A_514 = arith.constant 64 : index
      %get3A_515 = tpu.vector_load %arg8[%get3A_514] {strides = array<i32>} : memref<256xi32, #tpu.memory_space<vmem>>, vector<16xi32>,
      %eq3A_516 = vector.broadcast %scan3A_415 : i32 to vector<16xi32>
      %eq3A_517 = arith.cmpi eq, %get3A_515, %eq3A_516 : vector<16xi32>
      %jit3A_518 = arith.constant 1 : i32
      %jit3A_519 = arith.constant 0 : i32
      %broadcast_in_dim3A_520 = vector.broadcast %jit3A_518 : i32 to vector<16xi32>
      %broadcast_in_dim3A_521 = vector.broadcast %jit3A_519 : i32 to vector<16xi32>
      %select_n3A_522 = arith.select %eq3A_517, %broadcast_in_dim3A_520, %broadcast_in_dim3A_521 : vector<16xi1>, vector<16xi32>
      %broadcast_in_dim3A_523 = arith.constant true
      %broadcast_in_dim3A_524 = vector.broadcast %broadcast_in_dim3A_523 : i1 to vector<16xi1>
      %masked_cumsum3A_525 = tpu.scan <sum>, %select_n3A_522 masked %broadcast_in_dim3A_524 : vector<16xi32>, vector<16xi1> -> vector<16xi32>
      %add3A_526 = vector.broadcast %add3A_513 : i32 to vector<16xi32>
      %add3A_527 = arith.addi %add3A_526, %masked_cumsum3A_525 : vector<16xi32>
      %sub3A_528 = arith.constant 1 : i32
      %sub3A_529 = vector.broadcast %sub3A_528 : i32 to vector<16xi32>
      %sub3A_530 = arith.subi %add3A_527, %sub3A_529 : vector<16xi32>
      %get3A_531 = arith.constant 64 : index
      %get3A_532 = tpu.vector_load %arg10[%get3A_531] {strides = array<i32>} : memref<256xi32, #tpu.memory_space<vmem>>, vector<16xi32>,
      %select_n3A_533 = arith.select %eq3A_517, %sub3A_530, %get3A_532 : vector<16xi1>, vector<16xi32>
      %swap3A_534 = arith.constant 64 : index
      %swap3A_535 = tpu.vector_load %arg10[%swap3A_534] {strides = array<i32>} : memref<256xi32, #tpu.memory_space<vmem>>, vector<16xi32>,
      tpu.vector_store %arg10[%swap3A_534], %select_n3A_533 {strides = array<i32>} : memref<256xi32, #tpu.memory_space<vmem>>, vector<16xi32>,
      %slice3A_536 = vector.extract_strided_slice %masked_cumsum3A_525 {offsets = [15], sizes = [1], strides = [1]} : vector<16xi32> to vector<1xi32>
      %squeeze3A_537 = vector.extract %slice3A_536[0] : i32 from vector<1xi32>
      %add3A_538 = arith.addi %add3A_513, %squeeze3A_537 : i32
      %get3A_539 = arith.constant 80 : index
      %get3A_540 = tpu.vector_load %arg8[%get3A_539] {strides = array<i32>} : memref<256xi32, #tpu.memory_space<vmem>>, vector<16xi32>,
      %eq3A_541 = vector.broadcast %scan3A_415 : i32 to vector<16xi32>
      %eq3A_542 = arith.cmpi eq, %get3A_540, %eq3A_541 : vector<16xi32>
      %jit3A_543 = arith.constant 1 : i32
      %jit3A_544 = arith.constant 0 : i32
      %broadcast_in_dim3A_545 = vector.broadcast %jit3A_543 : i32 to vector<16xi32>
      %broadcast_in_dim3A_546 = vector.broadcast %jit3A_544 : i32 to vector<16xi32>
      %select_n3A_547 = arith.select %eq3A_542, %broadcast_in_dim3A_545, %broadcast_in_dim3A_546 : vector<16xi1>, vector<16xi32>
      %broadcast_in_dim3A_548 = arith.constant true
      %broadcast_in_dim3A_549 = vector.broadcast %broadcast_in_dim3A_548 : i1 to vector<16xi1>
      %masked_cumsum3A_550 = tpu.scan <sum>, %select_n3A_547 masked %broadcast_in_dim3A_549 : vector<16xi32>, vector<16xi1> -> vector<16xi32>
      %add3A_551 = vector.broadcast %add3A_538 : i32 to vector<16xi32>
      %add3A_552 = arith.addi %add3A_551, %masked_cumsum3A_550 : vector<16xi32>
      %sub3A_553 = arith.constant 1 : i32
      %sub3A_554 = vector.broadcast %sub3A_553 : i32 to vector<16xi32>
      %sub3A_555 = arith.subi %add3A_552, %sub3A_554 : vector<16xi32>
      %get3A_556 = arith.constant 80 : index
      %get3A_557 = tpu.vector_load %arg10[%get3A_556] {strides = array<i32>} : memref<256xi32, #tpu.memory_space<vmem>>, vector<16xi32>,
      %select_n3A_558 = arith.select %eq3A_542, %sub3A_555, %get3A_557 : vector<16xi1>, vector<16xi32>
      %swap3A_559 = arith.constant 80 : index
      %swap3A_560 = tpu.vector_load %arg10[%swap3A_559] {strides = array<i32>} : memref<256xi32, #tpu.memory_space<vmem>>, vector<16xi32>,
      tpu.vector_store %arg10[%swap3A_559], %select_n3A_558 {strides = array<i32>} : memref<256xi32, #tpu.memory_space<vmem>>, vector<16xi32>,
      %slice3A_561 = vector.extract_strided_slice %masked_cumsum3A_550 {offsets = [15], sizes = [1], strides = [1]} : vector<16xi32> to vector<1xi32>
      %squeeze3A_562 = vector.extract %slice3A_561[0] : i32 from vector<1xi32>
      %add3A_563 = arith.addi %add3A_538, %squeeze3A_562 : i32
      %get3A_564 = arith.constant 96 : index
      %get3A_565 = tpu.vector_load %arg8[%get3A_564] {strides = array<i32>} : memref<256xi32, #tpu.memory_space<vmem>>, vector<16xi32>,
      %eq3A_566 = vector.broadcast %scan3A_415 : i32 to vector<16xi32>
      %eq3A_567 = arith.cmpi eq, %get3A_565, %eq3A_566 : vector<16xi32>
      %jit3A_568 = arith.constant 1 : i32
      %jit3A_569 = arith.constant 0 : i32
      %broadcast_in_dim3A_570 = vector.broadcast %jit3A_568 : i32 to vector<16xi32>
      %broadcast_in_dim3A_571 = vector.broadcast %jit3A_569 : i32 to vector<16xi32>
      %select_n3A_572 = arith.select %eq3A_567, %broadcast_in_dim3A_570, %broadcast_in_dim3A_571 : vector<16xi1>, vector<16xi32>
      %broadcast_in_dim3A_573 = arith.constant true
      %broadcast_in_dim3A_574 = vector.broadcast %broadcast_in_dim3A_573 : i1 to vector<16xi1>
      %masked_cumsum3A_575 = tpu.scan <sum>, %select_n3A_572 masked %broadcast_in_dim3A_574 : vector<16xi32>, vector<16xi1> -> vector<16xi32>
      %add3A_576 = vector.broadcast %add3A_563 : i32 to vector<16xi32>
      %add3A_577 = arith.addi %add3A_576, %masked_cumsum3A_575 : vector<16xi32>
      %sub3A_578 = arith.constant 1 : i32
      %sub3A_579 = vector.broadcast %sub3A_578 : i32 to vector<16xi32>
      %sub3A_580 = arith.subi %add3A_577, %sub3A_579 : vector<16xi32>
      %get3A_581 = arith.constant 96 : index
      %get3A_582 = tpu.vector_load %arg10[%get3A_581] {strides = array<i32>} : memref<256xi32, #tpu.memory_space<vmem>>, vector<16xi32>,
      %select_n3A_583 = arith.select %eq3A_567, %sub3A_580, %get3A_582 : vector<16xi1>, vector<16xi32>
      %swap3A_584 = arith.constant 96 : index
      %swap3A_585 = tpu.vector_load %arg10[%swap3A_584] {strides = array<i32>} : memref<256xi32, #tpu.memory_space<vmem>>, vector<16xi32>,
      tpu.vector_store %arg10[%swap3A_584], %select_n3A_583 {strides = array<i32>} : memref<256xi32, #tpu.memory_space<vmem>>, vector<16xi32>,
      %slice3A_586 = vector.extract_strided_slice %masked_cumsum3A_575 {offsets = [15], sizes = [1], strides = [1]} : vector<16xi32> to vector<1xi32>
      %squeeze3A_587 = vector.extract %slice3A_586[0] : i32 from vector<1xi32>
      %add3A_588 = arith.addi %add3A_563, %squeeze3A_587 : i32
      %get3A_589 = arith.constant 112 : index
      %get3A_590 = tpu.vector_load %arg8[%get3A_589] {strides = array<i32>} : memref<256xi32, #tpu.memory_space<vmem>>, vector<16xi32>,
      %eq3A_591 = vector.broadcast %scan3A_415 : i32 to vector<16xi32>
      %eq3A_592 = arith.cmpi eq, %get3A_590, %eq3A_591 : vector<16xi32>
      %jit3A_593 = arith.constant 1 : i32
      %jit3A_594 = arith.constant 0 : i32
      %broadcast_in_dim3A_595 = vector.broadcast %jit3A_593 : i32 to vector<16xi32>
      %broadcast_in_dim3A_596 = vector.broadcast %jit3A_594 : i32 to vector<16xi32>
      %select_n3A_597 = arith.select %eq3A_592, %broadcast_in_dim3A_595, %broadcast_in_dim3A_596 : vector<16xi1>, vector<16xi32>
      %broadcast_in_dim3A_598 = arith.constant true
      %broadcast_in_dim3A_599 = vector.broadcast %broadcast_in_dim3A_598 : i1 to vector<16xi1>
      %masked_cumsum3A_600 = tpu.scan <sum>, %select_n3A_597 masked %broadcast_in_dim3A_599 : vector<16xi32>, vector<16xi1> -> vector<16xi32>
      %add3A_601 = vector.broadcast %add3A_588 : i32 to vector<16xi32>
      %add3A_602 = arith.addi %add3A_601, %masked_cumsum3A_600 : vector<16xi32>
      %sub3A_603 = arith.constant 1 : i32
      %sub3A_604 = vector.broadcast %sub3A_603 : i32 to vector<16xi32>
      %sub3A_605 = arith.subi %add3A_602, %sub3A_604 : vector<16xi32>
      %get3A_606 = arith.constant 112 : index
      %get3A_607 = tpu.vector_load %arg10[%get3A_606] {strides = array<i32>} : memref<256xi32, #tpu.memory_space<vmem>>, vector<16xi32>,
      %select_n3A_608 = arith.select %eq3A_592, %sub3A_605, %get3A_607 : vector<16xi1>, vector<16xi32>
      %swap3A_609 = arith.constant 112 : index
      %swap3A_610 = tpu.vector_load %arg10[%swap3A_609] {strides = array<i32>} : memref<256xi32, #tpu.memory_space<vmem>>, vector<16xi32>,
      tpu.vector_store %arg10[%swap3A_609], %select_n3A_608 {strides = array<i32>} : memref<256xi32, #tpu.memory_space<vmem>>, vector<16xi32>,
      %slice3A_611 = vector.extract_strided_slice %masked_cumsum3A_600 {offsets = [15], sizes = [1], strides = [1]} : vector<16xi32> to vector<1xi32>
      %squeeze3A_612 = vector.extract %slice3A_611[0] : i32 from vector<1xi32>
      %add3A_613 = arith.addi %add3A_588, %squeeze3A_612 : i32
      %get3A_614 = arith.constant 128 : index
      %get3A_615 = tpu.vector_load %arg8[%get3A_614] {strides = array<i32>} : memref<256xi32, #tpu.memory_space<vmem>>, vector<16xi32>,
      %eq3A_616 = vector.broadcast %scan3A_415 : i32 to vector<16xi32>
      %eq3A_617 = arith.cmpi eq, %get3A_615, %eq3A_616 : vector<16xi32>
      %jit3A_618 = arith.constant 1 : i32
      %jit3A_619 = arith.constant 0 : i32
      %broadcast_in_dim3A_620 = vector.broadcast %jit3A_618 : i32 to vector<16xi32>
      %broadcast_in_dim3A_621 = vector.broadcast %jit3A_619 : i32 to vector<16xi32>
      %select_n3A_622 = arith.select %eq3A_617, %broadcast_in_dim3A_620, %broadcast_in_dim3A_621 : vector<16xi1>, vector<16xi32>
      %broadcast_in_dim3A_623 = arith.constant true
      %broadcast_in_dim3A_624 = vector.broadcast %broadcast_in_dim3A_623 : i1 to vector<16xi1>
      %masked_cumsum3A_625 = tpu.scan <sum>, %select_n3A_622 masked %broadcast_in_dim3A_624 : vector<16xi32>, vector<16xi1> -> vector<16xi32>
      %add3A_626 = vector.broadcast %add3A_613 : i32 to vector<16xi32>
      %add3A_627 = arith.addi %add3A_626, %masked_cumsum3A_625 : vector<16xi32>
      %sub3A_628 = arith.constant 1 : i32
      %sub3A_629 = vector.broadcast %sub3A_628 : i32 to vector<16xi32>
      %sub3A_630 = arith.subi %add3A_627, %sub3A_629 : vector<16xi32>
      %get3A_631 = arith.constant 128 : index
      %get3A_632 = tpu.vector_load %arg10[%get3A_631] {strides = array<i32>} : memref<256xi32, #tpu.memory_space<vmem>>, vector<16xi32>,
      %select_n3A_633 = arith.select %eq3A_617, %sub3A_630, %get3A_632 : vector<16xi1>, vector<16xi32>
      %swap3A_634 = arith.constant 128 : index
      %swap3A_635 = tpu.vector_load %arg10[%swap3A_634] {strides = array<i32>} : memref<256xi32, #tpu.memory_space<vmem>>, vector<16xi32>,
      tpu.vector_store %arg10[%swap3A_634], %select_n3A_633 {strides = array<i32>} : memref<256xi32, #tpu.memory_space<vmem>>, vector<16xi32>,
      %slice3A_636 = vector.extract_strided_slice %masked_cumsum3A_625 {offsets = [15], sizes = [1], strides = [1]} : vector<16xi32> to vector<1xi32>
      %squeeze3A_637 = vector.extract %slice3A_636[0] : i32 from vector<1xi32>
      %add3A_638 = arith.addi %add3A_613, %squeeze3A_637 : i32
      %get3A_639 = arith.constant 144 : index
      %get3A_640 = tpu.vector_load %arg8[%get3A_639] {strides = array<i32>} : memref<256xi32, #tpu.memory_space<vmem>>, vector<16xi32>,
      %eq3A_641 = vector.broadcast %scan3A_415 : i32 to vector<16xi32>
      %eq3A_642 = arith.cmpi eq, %get3A_640, %eq3A_641 : vector<16xi32>
      %jit3A_643 = arith.constant 1 : i32
      %jit3A_644 = arith.constant 0 : i32
      %broadcast_in_dim3A_645 = vector.broadcast %jit3A_643 : i32 to vector<16xi32>
      %broadcast_in_dim3A_646 = vector.broadcast %jit3A_644 : i32 to vector<16xi32>
      %select_n3A_647 = arith.select %eq3A_642, %broadcast_in_dim3A_645, %broadcast_in_dim3A_646 : vector<16xi1>, vector<16xi32>
      %broadcast_in_dim3A_648 = arith.constant true
      %broadcast_in_dim3A_649 = vector.broadcast %broadcast_in_dim3A_648 : i1 to vector<16xi1>
      %masked_cumsum3A_650 = tpu.scan <sum>, %select_n3A_647 masked %broadcast_in_dim3A_649 : vector<16xi32>, vector<16xi1> -> vector<16xi32>
      %add3A_651 = vector.broadcast %add3A_638 : i32 to vector<16xi32>
      %add3A_652 = arith.addi %add3A_651, %masked_cumsum3A_650 : vector<16xi32>
      %sub3A_653 = arith.constant 1 : i32
      %sub3A_654 = vector.broadcast %sub3A_653 : i32 to vector<16xi32>
      %sub3A_655 = arith.subi %add3A_652, %sub3A_654 : vector<16xi32>
      %get3A_656 = arith.constant 144 : index
      %get3A_657 = tpu.vector_load %arg10[%get3A_656] {strides = array<i32>} : memref<256xi32, #tpu.memory_space<vmem>>, vector<16xi32>,
      %select_n3A_658 = arith.select %eq3A_642, %sub3A_655, %get3A_657 : vector<16xi1>, vector<16xi32>
      %swap3A_659 = arith.constant 144 : index
      %swap3A_660 = tpu.vector_load %arg10[%swap3A_659] {strides = array<i32>} : memref<256xi32, #tpu.memory_space<vmem>>, vector<16xi32>,
      tpu.vector_store %arg10[%swap3A_659], %select_n3A_658 {strides = array<i32>} : memref<256xi32, #tpu.memory_space<vmem>>, vector<16xi32>,
      %slice3A_661 = vector.extract_strided_slice %masked_cumsum3A_650 {offsets = [15], sizes = [1], strides = [1]} : vector<16xi32> to vector<1xi32>
      %squeeze3A_662 = vector.extract %slice3A_661[0] : i32 from vector<1xi32>
      %add3A_663 = arith.addi %add3A_638, %squeeze3A_662 : i32
      %get3A_664 = arith.constant 160 : index
      %get3A_665 = tpu.vector_load %arg8[%get3A_664] {strides = array<i32>} : memref<256xi32, #tpu.memory_space<vmem>>, vector<16xi32>,
      %eq3A_666 = vector.broadcast %scan3A_415 : i32 to vector<16xi32>
      %eq3A_667 = arith.cmpi eq, %get3A_665, %eq3A_666 : vector<16xi32>
      %jit3A_668 = arith.constant 1 : i32
      %jit3A_669 = arith.constant 0 : i32
      %broadcast_in_dim3A_670 = vector.broadcast %jit3A_668 : i32 to vector<16xi32>
      %broadcast_in_dim3A_671 = vector.broadcast %jit3A_669 : i32 to vector<16xi32>
      %select_n3A_672 = arith.select %eq3A_667, %broadcast_in_dim3A_670, %broadcast_in_dim3A_671 : vector<16xi1>, vector<16xi32>
      %broadcast_in_dim3A_673 = arith.constant true
      %broadcast_in_dim3A_674 = vector.broadcast %broadcast_in_dim3A_673 : i1 to vector<16xi1>
      %masked_cumsum3A_675 = tpu.scan <sum>, %select_n3A_672 masked %broadcast_in_dim3A_674 : vector<16xi32>, vector<16xi1> -> vector<16xi32>
      %add3A_676 = vector.broadcast %add3A_663 : i32 to vector<16xi32>
      %add3A_677 = arith.addi %add3A_676, %masked_cumsum3A_675 : vector<16xi32>
      %sub3A_678 = arith.constant 1 : i32
      %sub3A_679 = vector.broadcast %sub3A_678 : i32 to vector<16xi32>
      %sub3A_680 = arith.subi %add3A_677, %sub3A_679 : vector<16xi32>
      %get3A_681 = arith.constant 160 : index
      %get3A_682 = tpu.vector_load %arg10[%get3A_681] {strides = array<i32>} : memref<256xi32, #tpu.memory_space<vmem>>, vector<16xi32>,
      %select_n3A_683 = arith.select %eq3A_667, %sub3A_680, %get3A_682 : vector<16xi1>, vector<16xi32>
      %swap3A_684 = arith.constant 160 : index
      %swap3A_685 = tpu.vector_load %arg10[%swap3A_684] {strides = array<i32>} : memref<256xi32, #tpu.memory_space<vmem>>, vector<16xi32>,
      tpu.vector_store %arg10[%swap3A_684], %select_n3A_683 {strides = array<i32>} : memref<256xi32, #tpu.memory_space<vmem>>, vector<16xi32>,
      %slice3A_686 = vector.extract_strided_slice %masked_cumsum3A_675 {offsets = [15], sizes = [1], strides = [1]} : vector<16xi32> to vector<1xi32>
      %squeeze3A_687 = vector.extract %slice3A_686[0] : i32 from vector<1xi32>
      %add3A_688 = arith.addi %add3A_663, %squeeze3A_687 : i32
      %get3A_689 = arith.constant 176 : index
      %get3A_690 = tpu.vector_load %arg8[%get3A_689] {strides = array<i32>} : memref<256xi32, #tpu.memory_space<vmem>>, vector<16xi32>,
      %eq3A_691 = vector.broadcast %scan3A_415 : i32 to vector<16xi32>
      %eq3A_692 = arith.cmpi eq, %get3A_690, %eq3A_691 : vector<16xi32>
      %jit3A_693 = arith.constant 1 : i32
      %jit3A_694 = arith.constant 0 : i32
      %broadcast_in_dim3A_695 = vector.broadcast %jit3A_693 : i32 to vector<16xi32>
      %broadcast_in_dim3A_696 = vector.broadcast %jit3A_694 : i32 to vector<16xi32>
      %select_n3A_697 = arith.select %eq3A_692, %broadcast_in_dim3A_695, %broadcast_in_dim3A_696 : vector<16xi1>, vector<16xi32>
      %broadcast_in_dim3A_698 = arith.constant true
      %broadcast_in_dim3A_699 = vector.broadcast %broadcast_in_dim3A_698 : i1 to vector<16xi1>
      %masked_cumsum3A_700 = tpu.scan <sum>, %select_n3A_697 masked %broadcast_in_dim3A_699 : vector<16xi32>, vector<16xi1> -> vector<16xi32>
      %add3A_701 = vector.broadcast %add3A_688 : i32 to vector<16xi32>
      %add3A_702 = arith.addi %add3A_701, %masked_cumsum3A_700 : vector<16xi32>
      %sub3A_703 = arith.constant 1 : i32
      %sub3A_704 = vector.broadcast %sub3A_703 : i32 to vector<16xi32>
      %sub3A_705 = arith.subi %add3A_702, %sub3A_704 : vector<16xi32>
      %get3A_706 = arith.constant 176 : index
      %get3A_707 = tpu.vector_load %arg10[%get3A_706] {strides = array<i32>} : memref<256xi32, #tpu.memory_space<vmem>>, vector<16xi32>,
      %select_n3A_708 = arith.select %eq3A_692, %sub3A_705, %get3A_707 : vector<16xi1>, vector<16xi32>
      %swap3A_709 = arith.constant 176 : index
      %swap3A_710 = tpu.vector_load %arg10[%swap3A_709] {strides = array<i32>} : memref<256xi32, #tpu.memory_space<vmem>>, vector<16xi32>,
      tpu.vector_store %arg10[%swap3A_709], %select_n3A_708 {strides = array<i32>} : memref<256xi32, #tpu.memory_space<vmem>>, vector<16xi32>,
      %slice3A_711 = vector.extract_strided_slice %masked_cumsum3A_700 {offsets = [15], sizes = [1], strides = [1]} : vector<16xi32> to vector<1xi32>
      %squeeze3A_712 = vector.extract %slice3A_711[0] : i32 from vector<1xi32>
      %add3A_713 = arith.addi %add3A_688, %squeeze3A_712 : i32
      %get3A_714 = arith.constant 192 : index
      %get3A_715 = tpu.vector_load %arg8[%get3A_714] {strides = array<i32>} : memref<256xi32, #tpu.memory_space<vmem>>, vector<16xi32>,
      %eq3A_716 = vector.broadcast %scan3A_415 : i32 to vector<16xi32>
      %eq3A_717 = arith.cmpi eq, %get3A_715, %eq3A_716 : vector<16xi32>
      %jit3A_718 = arith.constant 1 : i32
      %jit3A_719 = arith.constant 0 : i32
      %broadcast_in_dim3A_720 = vector.broadcast %jit3A_718 : i32 to vector<16xi32>
      %broadcast_in_dim3A_721 = vector.broadcast %jit3A_719 : i32 to vector<16xi32>
      %select_n3A_722 = arith.select %eq3A_717, %broadcast_in_dim3A_720, %broadcast_in_dim3A_721 : vector<16xi1>, vector<16xi32>
      %broadcast_in_dim3A_723 = arith.constant true
      %broadcast_in_dim3A_724 = vector.broadcast %broadcast_in_dim3A_723 : i1 to vector<16xi1>
      %masked_cumsum3A_725 = tpu.scan <sum>, %select_n3A_722 masked %broadcast_in_dim3A_724 : vector<16xi32>, vector<16xi1> -> vector<16xi32>
      %add3A_726 = vector.broadcast %add3A_713 : i32 to vector<16xi32>
      %add3A_727 = arith.addi %add3A_726, %masked_cumsum3A_725 : vector<16xi32>
      %sub3A_728 = arith.constant 1 : i32
      %sub3A_729 = vector.broadcast %sub3A_728 : i32 to vector<16xi32>
      %sub3A_730 = arith.subi %add3A_727, %sub3A_729 : vector<16xi32>
      %get3A_731 = arith.constant 192 : index
      %get3A_732 = tpu.vector_load %arg10[%get3A_731] {strides = array<i32>} : memref<256xi32, #tpu.memory_space<vmem>>, vector<16xi32>,
      %select_n3A_733 = arith.select %eq3A_717, %sub3A_730, %get3A_732 : vector<16xi1>, vector<16xi32>
      %swap3A_734 = arith.constant 192 : index
      %swap3A_735 = tpu.vector_load %arg10[%swap3A_734] {strides = array<i32>} : memref<256xi32, #tpu.memory_space<vmem>>, vector<16xi32>,
      tpu.vector_store %arg10[%swap3A_734], %select_n3A_733 {strides = array<i32>} : memref<256xi32, #tpu.memory_space<vmem>>, vector<16xi32>,
      %slice3A_736 = vector.extract_strided_slice %masked_cumsum3A_725 {offsets = [15], sizes = [1], strides = [1]} : vector<16xi32> to vector<1xi32>
      %squeeze3A_737 = vector.extract %slice3A_736[0] : i32 from vector<1xi32>
      %add3A_738 = arith.addi %add3A_713, %squeeze3A_737 : i32
      %get3A_739 = arith.constant 208 : index
      %get3A_740 = tpu.vector_load %arg8[%get3A_739] {strides = array<i32>} : memref<256xi32, #tpu.memory_space<vmem>>, vector<16xi32>,
      %eq3A_741 = vector.broadcast %scan3A_415 : i32 to vector<16xi32>
      %eq3A_742 = arith.cmpi eq, %get3A_740, %eq3A_741 : vector<16xi32>
      %jit3A_743 = arith.constant 1 : i32
      %jit3A_744 = arith.constant 0 : i32
      %broadcast_in_dim3A_745 = vector.broadcast %jit3A_743 : i32 to vector<16xi32>
      %broadcast_in_dim3A_746 = vector.broadcast %jit3A_744 : i32 to vector<16xi32>
      %select_n3A_747 = arith.select %eq3A_742, %broadcast_in_dim3A_745, %broadcast_in_dim3A_746 : vector<16xi1>, vector<16xi32>
      %broadcast_in_dim3A_748 = arith.constant true
      %broadcast_in_dim3A_749 = vector.broadcast %broadcast_in_dim3A_748 : i1 to vector<16xi1>
      %masked_cumsum3A_750 = tpu.scan <sum>, %select_n3A_747 masked %broadcast_in_dim3A_749 : vector<16xi32>, vector<16xi1> -> vector<16xi32>
      %add3A_751 = vector.broadcast %add3A_738 : i32 to vector<16xi32>
      %add3A_752 = arith.addi %add3A_751, %masked_cumsum3A_750 : vector<16xi32>
      %sub3A_753 = arith.constant 1 : i32
      %sub3A_754 = vector.broadcast %sub3A_753 : i32 to vector<16xi32>
      %sub3A_755 = arith.subi %add3A_752, %sub3A_754 : vector<16xi32>
      %get3A_756 = arith.constant 208 : index
      %get3A_757 = tpu.vector_load %arg10[%get3A_756] {strides = array<i32>} : memref<256xi32, #tpu.memory_space<vmem>>, vector<16xi32>,
      %select_n3A_758 = arith.select %eq3A_742, %sub3A_755, %get3A_757 : vector<16xi1>, vector<16xi32>
      %swap3A_759 = arith.constant 208 : index
      %swap3A_760 = tpu.vector_load %arg10[%swap3A_759] {strides = array<i32>} : memref<256xi32, #tpu.memory_space<vmem>>, vector<16xi32>,
      tpu.vector_store %arg10[%swap3A_759], %select_n3A_758 {strides = array<i32>} : memref<256xi32, #tpu.memory_space<vmem>>, vector<16xi32>,
      %slice3A_761 = vector.extract_strided_slice %masked_cumsum3A_750 {offsets = [15], sizes = [1], strides = [1]} : vector<16xi32> to vector<1xi32>
      %squeeze3A_762 = vector.extract %slice3A_761[0] : i32 from vector<1xi32>
      %add3A_763 = arith.addi %add3A_738, %squeeze3A_762 : i32
      %get3A_764 = arith.constant 224 : index
      %get3A_765 = tpu.vector_load %arg8[%get3A_764] {strides = array<i32>} : memref<256xi32, #tpu.memory_space<vmem>>, vector<16xi32>,
      %eq3A_766 = vector.broadcast %scan3A_415 : i32 to vector<16xi32>
      %eq3A_767 = arith.cmpi eq, %get3A_765, %eq3A_766 : vector<16xi32>
      %jit3A_768 = arith.constant 1 : i32
      %jit3A_769 = arith.constant 0 : i32
      %broadcast_in_dim3A_770 = vector.broadcast %jit3A_768 : i32 to vector<16xi32>
      %broadcast_in_dim3A_771 = vector.broadcast %jit3A_769 : i32 to vector<16xi32>
      %select_n3A_772 = arith.select %eq3A_767, %broadcast_in_dim3A_770, %broadcast_in_dim3A_771 : vector<16xi1>, vector<16xi32>
      %broadcast_in_dim3A_773 = arith.constant true
      %broadcast_in_dim3A_774 = vector.broadcast %broadcast_in_dim3A_773 : i1 to vector<16xi1>
      %masked_cumsum3A_775 = tpu.scan <sum>, %select_n3A_772 masked %broadcast_in_dim3A_774 : vector<16xi32>, vector<16xi1> -> vector<16xi32>
      %add3A_776 = vector.broadcast %add3A_763 : i32 to vector<16xi32>
      %add3A_777 = arith.addi %add3A_776, %masked_cumsum3A_775 : vector<16xi32>
      %sub3A_778 = arith.constant 1 : i32
      %sub3A_779 = vector.broadcast %sub3A_778 : i32 to vector<16xi32>
      %sub3A_780 = arith.subi %add3A_777, %sub3A_779 : vector<16xi32>
      %get3A_781 = arith.constant 224 : index
      %get3A_782 = tpu.vector_load %arg10[%get3A_781] {strides = array<i32>} : memref<256xi32, #tpu.memory_space<vmem>>, vector<16xi32>,
      %select_n3A_783 = arith.select %eq3A_767, %sub3A_780, %get3A_782 : vector<16xi1>, vector<16xi32>
      %swap3A_784 = arith.constant 224 : index
      %swap3A_785 = tpu.vector_load %arg10[%swap3A_784] {strides = array<i32>} : memref<256xi32, #tpu.memory_space<vmem>>, vector<16xi32>,
      tpu.vector_store %arg10[%swap3A_784], %select_n3A_783 {strides = array<i32>} : memref<256xi32, #tpu.memory_space<vmem>>, vector<16xi32>,
      %slice3A_786 = vector.extract_strided_slice %masked_cumsum3A_775 {offsets = [15], sizes = [1], strides = [1]} : vector<16xi32> to vector<1xi32>
      %squeeze3A_787 = vector.extract %slice3A_786[0] : i32 from vector<1xi32>
      %add3A_788 = arith.addi %add3A_763, %squeeze3A_787 : i32
      %get3A_789 = arith.constant 240 : index
      %get3A_790 = tpu.vector_load %arg8[%get3A_789] {strides = array<i32>} : memref<256xi32, #tpu.memory_space<vmem>>, vector<16xi32>,
      %eq3A_791 = vector.broadcast %scan3A_415 : i32 to vector<16xi32>
      %eq3A_792 = arith.cmpi eq, %get3A_790, %eq3A_791 : vector<16xi32>
      %jit3A_793 = arith.constant 1 : i32
      %jit3A_794 = arith.constant 0 : i32
      %broadcast_in_dim3A_795 = vector.broadcast %jit3A_793 : i32 to vector<16xi32>
      %broadcast_in_dim3A_796 = vector.broadcast %jit3A_794 : i32 to vector<16xi32>
      %select_n3A_797 = arith.select %eq3A_792, %broadcast_in_dim3A_795, %broadcast_in_dim3A_796 : vector<16xi1>, vector<16xi32>
      %broadcast_in_dim3A_798 = arith.constant true
      %broadcast_in_dim3A_799 = vector.broadcast %broadcast_in_dim3A_798 : i1 to vector<16xi1>
      %masked_cumsum3A_800 = tpu.scan <sum>, %select_n3A_797 masked %broadcast_in_dim3A_799 : vector<16xi32>, vector<16xi1> -> vector<16xi32>
      %add3A_801 = vector.broadcast %add3A_788 : i32 to vector<16xi32>
      %add3A_802 = arith.addi %add3A_801, %masked_cumsum3A_800 : vector<16xi32>
      %sub3A_803 = arith.constant 1 : i32
      %sub3A_804 = vector.broadcast %sub3A_803 : i32 to vector<16xi32>
      %sub3A_805 = arith.subi %add3A_802, %sub3A_804 : vector<16xi32>
      %get3A_806 = arith.constant 240 : index
      %get3A_807 = tpu.vector_load %arg10[%get3A_806] {strides = array<i32>} : memref<256xi32, #tpu.memory_space<vmem>>, vector<16xi32>,
      %select_n3A_808 = arith.select %eq3A_792, %sub3A_805, %get3A_807 : vector<16xi1>, vector<16xi32>
      %swap3A_809 = arith.constant 240 : index
      %swap3A_810 = tpu.vector_load %arg10[%swap3A_809] {strides = array<i32>} : memref<256xi32, #tpu.memory_space<vmem>>, vector<16xi32>,
      tpu.vector_store %arg10[%swap3A_809], %select_n3A_808 {strides = array<i32>} : memref<256xi32, #tpu.memory_space<vmem>>, vector<16xi32>,
      %slice3A_811 = vector.extract_strided_slice %masked_cumsum3A_800 {offsets = [15], sizes = [1], strides = [1]} : vector<16xi32> to vector<1xi32>
      %squeeze3A_812 = vector.extract %slice3A_811[0] : i32 from vector<1xi32>
      %add3A_813 = arith.addi %add3A_788, %squeeze3A_812 : i32
      %eq3A_814 = vector.broadcast %scan3A_415 : i32 to vector<16xi32>
      %eq3A_815 = arith.cmpi eq, %iota3A, %eq3A_814 : vector<16xi32>
      %broadcast_in_dim3A_816 = vector.broadcast %add3A_813 : i32 to vector<16xi32>
      %select_n3A_817 = arith.select %eq3A_815, %broadcast_in_dim3A_816, %scan3A_416 : vector<16xi1>, vector<16xi32>
      %add3A_818 = arith.constant 16 : i32
      %add3A_819 = vector.broadcast %add3A_818 : i32 to vector<16xi32>
      %add3A_820 = arith.addi %iota3A, %add3A_819 : vector<16xi32>
      %eq3A_821 = vector.broadcast %scan3A_415 : i32 to vector<16xi32>
      %eq3A_822 = arith.cmpi eq, %add3A_820, %eq3A_821 : vector<16xi32>
      %broadcast_in_dim3A_823 = vector.broadcast %add3A_813 : i32 to vector<16xi32>
      %select_n3A_824 = arith.select %eq3A_822, %broadcast_in_dim3A_823, %scan3A_417 : vector<16xi1>, vector<16xi32>
      %add3A_825 = arith.constant 32 : i32
      %add3A_826 = vector.broadcast %add3A_825 : i32 to vector<16xi32>
      %add3A_827 = arith.addi %iota3A, %add3A_826 : vector<16xi32>
      %eq3A_828 = vector.broadcast %scan3A_415 : i32 to vector<16xi32>
      %eq3A_829 = arith.cmpi eq, %add3A_827, %eq3A_828 : vector<16xi32>
      %broadcast_in_dim3A_830 = vector.broadcast %add3A_813 : i32 to vector<16xi32>
      %select_n3A_831 = arith.select %eq3A_829, %broadcast_in_dim3A_830, %scan3A_418 : vector<16xi1>, vector<16xi32>
      %add3A_832 = arith.constant 48 : i32
      %add3A_833 = vector.broadcast %add3A_832 : i32 to vector<16xi32>
      %add3A_834 = arith.addi %iota3A, %add3A_833 : vector<16xi32>
      %eq3A_835 = vector.broadcast %scan3A_415 : i32 to vector<16xi32>
      %eq3A_836 = arith.cmpi eq, %add3A_834, %eq3A_835 : vector<16xi32>
      %broadcast_in_dim3A_837 = vector.broadcast %add3A_813 : i32 to vector<16xi32>
      %select_n3A_838 = arith.select %eq3A_836, %broadcast_in_dim3A_837, %scan3A_419 : vector<16xi1>, vector<16xi32>
      scf.yield %select_n3A_817, %select_n3A_824, %select_n3A_831, %select_n3A_838 : vector<16xi32>, vector<16xi32>, vector<16xi32>, vector<16xi32>
    }
    %scan3A_406 = arith.constant 64 : i32
    %swap3A_407 = arith.constant 0 : index
    %swap3A_408 = tpu.vector_load %arg11[%swap3A_407] {strides = array<i32>} : memref<64xi32, #tpu.memory_space<vmem>>, vector<16xi32>,
    tpu.vector_store %arg11[%swap3A_407], %scan3A_405#0 {strides = array<i32>} : memref<64xi32, #tpu.memory_space<vmem>>, vector<16xi32>,
    %swap3A_409 = arith.constant 16 : index
    %swap3A_410 = tpu.vector_load %arg11[%swap3A_409] {strides = array<i32>} : memref<64xi32, #tpu.memory_space<vmem>>, vector<16xi32>,
    tpu.vector_store %arg11[%swap3A_409], %scan3A_405#1 {strides = array<i32>} : memref<64xi32, #tpu.memory_space<vmem>>, vector<16xi32>,
    %swap3A_411 = arith.constant 32 : index
    %swap3A_412 = tpu.vector_load %arg11[%swap3A_411] {strides = array<i32>} : memref<64xi32, #tpu.memory_space<vmem>>, vector<16xi32>,
    tpu.vector_store %arg11[%swap3A_411], %scan3A_405#2 {strides = array<i32>} : memref<64xi32, #tpu.memory_space<vmem>>, vector<16xi32>,
    %swap3A_413 = arith.constant 48 : index
    %swap3A_414 = tpu.vector_load %arg11[%swap3A_413] {strides = array<i32>} : memref<64xi32, #tpu.memory_space<vmem>>, vector<16xi32>,
    tpu.vector_store %arg11[%swap3A_413], %scan3A_405#3 {strides = array<i32>} : memref<64xi32, #tpu.memory_space<vmem>>, vector<16xi32>,
    "tpu.region"() ({
      %run_scoped3A = tpu.sem_alloc : memref<!tpu.dma_semaphore, #tpu.memory_space<semaphore_mem>>
      %dma_start3A = tpu.memref_slice %arg3[%mul3A_2] : memref<8192xi32, #tpu.memory_space<hbm>> -> memref<256xi32, #tpu.memory_space<hbm>>
      %dma_start3A_415 = tpu.memref_slice %arg3[%mul3A_2] : memref<8192xi32, #tpu.memory_space<hbm>> -> memref<256xi32, #tpu.memory_space<hbm>>
      tpu.enqueue_dma source(%arg8 : memref<256xi32, #tpu.memory_space<vmem>>) target(%dma_start3A_415 : memref<256xi32, #tpu.memory_space<hbm>>) target_semaphore(%run_scoped3A : memref<!tpu.dma_semaphore, #tpu.memory_space<semaphore_mem>>)
      %dma_wait3A = tpu.memref_slice %arg3[%mul3A_2] : memref<8192xi32, #tpu.memory_space<hbm>> -> memref<256xi32, #tpu.memory_space<hbm>>
      %dma_wait3A_416 = tpu.memref_slice %arg3[%mul3A_2] : memref<8192xi32, #tpu.memory_space<hbm>> -> memref<256xi32, #tpu.memory_space<hbm>>
      tpu.wait_dma2 semaphore(%run_scoped3A : memref<!tpu.dma_semaphore, #tpu.memory_space<semaphore_mem>>) src(%arg8 : memref<256xi32, #tpu.memory_space<vmem>>) dst(%dma_wait3A_416 : memref<256xi32, #tpu.memory_space<hbm>>)
      tpu.yield
    }) : () -> ()
    "tpu.region"() ({
      %run_scoped3A = tpu.sem_alloc : memref<!tpu.dma_semaphore, #tpu.memory_space<semaphore_mem>>
      %dma_start3A = tpu.memref_slice %arg4[%mul3A_2] : memref<8192xf32, #tpu.memory_space<hbm>> -> memref<256xf32, #tpu.memory_space<hbm>>
      %dma_start3A_415 = tpu.memref_slice %arg4[%mul3A_2] : memref<8192xf32, #tpu.memory_space<hbm>> -> memref<256xf32, #tpu.memory_space<hbm>>
      tpu.enqueue_dma source(%arg9 : memref<256xf32, #tpu.memory_space<vmem>>) target(%dma_start3A_415 : memref<256xf32, #tpu.memory_space<hbm>>) target_semaphore(%run_scoped3A : memref<!tpu.dma_semaphore, #tpu.memory_space<semaphore_mem>>)
      %dma_wait3A = tpu.memref_slice %arg4[%mul3A_2] : memref<8192xf32, #tpu.memory_space<hbm>> -> memref<256xf32, #tpu.memory_space<hbm>>
      %dma_wait3A_416 = tpu.memref_slice %arg4[%mul3A_2] : memref<8192xf32, #tpu.memory_space<hbm>> -> memref<256xf32, #tpu.memory_space<hbm>>
      tpu.wait_dma2 semaphore(%run_scoped3A : memref<!tpu.dma_semaphore, #tpu.memory_space<semaphore_mem>>) src(%arg9 : memref<256xf32, #tpu.memory_space<vmem>>) dst(%dma_wait3A_416 : memref<256xf32, #tpu.memory_space<hbm>>)
      tpu.yield
    }) : () -> ()
    "tpu.region"() ({
      %run_scoped3A = tpu.sem_alloc : memref<!tpu.dma_semaphore, #tpu.memory_space<semaphore_mem>>
      %dma_start3A = tpu.memref_slice %arg5[%mul3A_2] : memref<8192xi32, #tpu.memory_space<hbm>> -> memref<256xi32, #tpu.memory_space<hbm>>
      %dma_start3A_415 = tpu.memref_slice %arg5[%mul3A_2] : memref<8192xi32, #tpu.memory_space<hbm>> -> memref<256xi32, #tpu.memory_space<hbm>>
      tpu.enqueue_dma source(%arg10 : memref<256xi32, #tpu.memory_space<vmem>>) target(%dma_start3A_415 : memref<256xi32, #tpu.memory_space<hbm>>) target_semaphore(%run_scoped3A : memref<!tpu.dma_semaphore, #tpu.memory_space<semaphore_mem>>)
      %dma_wait3A = tpu.memref_slice %arg5[%mul3A_2] : memref<8192xi32, #tpu.memory_space<hbm>> -> memref<256xi32, #tpu.memory_space<hbm>>
      %dma_wait3A_416 = tpu.memref_slice %arg5[%mul3A_2] : memref<8192xi32, #tpu.memory_space<hbm>> -> memref<256xi32, #tpu.memory_space<hbm>>
      tpu.wait_dma2 semaphore(%run_scoped3A : memref<!tpu.dma_semaphore, #tpu.memory_space<semaphore_mem>>) src(%arg10 : memref<256xi32, #tpu.memory_space<vmem>>) dst(%dma_wait3A_416 : memref<256xi32, #tpu.memory_space<hbm>>)
      tpu.yield
    }) : () -> ()
    "tpu.region"() ({
      %run_scoped3A = tpu.sem_alloc : memref<!tpu.dma_semaphore, #tpu.memory_space<semaphore_mem>>
      %dma_start3A = arith.constant 0 : i32
      %dma_start3A_415 = tpu.memref_slice %arg6[%add3A, %dma_start3A] : memref<32x64xi32, #tpu.memory_space<hbm>> -> memref<1x64xi32, #tpu.memory_space<hbm>>
      %dma_start3A_416 = tpu.memref_squeeze %dma_start3A_415 : memref<1x64xi32, #tpu.memory_space<hbm>> -> memref<64xi32, #tpu.memory_space<hbm>>
      %dma_start3A_417 = arith.constant 0 : i32
      %dma_start3A_418 = tpu.memref_slice %arg6[%add3A, %dma_start3A_417] : memref<32x64xi32, #tpu.memory_space<hbm>> -> memref<1x64xi32, #tpu.memory_space<hbm>>
      %dma_start3A_419 = tpu.memref_squeeze %dma_start3A_418 : memref<1x64xi32, #tpu.memory_space<hbm>> -> memref<64xi32, #tpu.memory_space<hbm>>
      tpu.enqueue_dma source(%arg11 : memref<64xi32, #tpu.memory_space<vmem>>) target(%dma_start3A_419 : memref<64xi32, #tpu.memory_space<hbm>>) target_semaphore(%run_scoped3A : memref<!tpu.dma_semaphore, #tpu.memory_space<semaphore_mem>>)
      %dma_wait3A = arith.constant 0 : i32
      %dma_wait3A_420 = tpu.memref_slice %arg6[%add3A, %dma_wait3A] : memref<32x64xi32, #tpu.memory_space<hbm>> -> memref<1x64xi32, #tpu.memory_space<hbm>>
      %dma_wait3A_421 = tpu.memref_squeeze %dma_wait3A_420 : memref<1x64xi32, #tpu.memory_space<hbm>> -> memref<64xi32, #tpu.memory_space<hbm>>
      %dma_wait3A_422 = arith.constant 0 : i32
      %dma_wait3A_423 = tpu.memref_slice %arg6[%add3A, %dma_wait3A_422] : memref<32x64xi32, #tpu.memory_space<hbm>> -> memref<1x64xi32, #tpu.memory_space<hbm>>
      %dma_wait3A_424 = tpu.memref_squeeze %dma_wait3A_423 : memref<1x64xi32, #tpu.memory_space<hbm>> -> memref<64xi32, #tpu.memory_space<hbm>>
      tpu.wait_dma2 semaphore(%run_scoped3A : memref<!tpu.dma_semaphore, #tpu.memory_space<semaphore_mem>>) src(%arg11 : memref<64xi32, #tpu.memory_space<vmem>>) dst(%dma_wait3A_424 : memref<64xi32, #tpu.memory_space<hbm>>)
      tpu.yield
    }) : () -> ()
    return
  }
}

module attributes {stable_mosaic.version = 14 : i64} {
  func.func @_logits_body(%arg0: i32, %arg1: memref<1024x768xf32, #tpu.memory_space<vmem>>, %arg2: memref<768x64xf32, #tpu.memory_space<vmem>>, %arg3: memref<4x64x256xf32, #tpu.memory_space<vmem>>) attributes {dimension_semantics = [#tpu.dimension_semantics<arbitrary>], iteration_bounds = array<i64: 8>, scalar_prefetch = 0 : i64, scratch_operands = 0 : i64, tpu.core_type = #tpu.core_type<tc>, window_params = [{transform_indices = @transform_0, window_bounds = array<i64: 1024, 768>}, {pipeline_mode = #tpu.pipeline_mode<synchronous>, transform_indices = @transform_1, window_bounds = array<i64: 768, 64>}, {transform_indices = @transform_2, window_bounds = array<i64: 4, 64, 256>}]} {
    %get3A = arith.constant 0 : index
    %get3A_0 = arith.constant 0 : index
    %get3A_1 = vector.load %arg2[%get3A, %get3A_0] : memref<768x64xf32, #tpu.memory_space<vmem>>, vector<768x64xf32>
    %get3A_2 = arith.constant 0 : index
    %get3A_3 = arith.constant 0 : index
    %get3A_4 = vector.load %arg1[%get3A_2, %get3A_3] : memref<1024x768xf32, #tpu.memory_space<vmem>>, vector<1024x768xf32>
    %dot_general3A = arith.constant dense<0.000000e+00> : vector<64x1024xf32>
    %dot_general3A_5 = tpu.matmul %get3A_1, %get3A_4, %dot_general3A {dimension_numbers = #tpu.dot_dimension_numbers<[0], [1], [1], [0], [0, 1, 1, 0], [], []>, transpose_lhs_hint = false} : vector<768x64xf32>, vector<1024x768xf32>, vector<64x1024xf32> -> vector<64x1024xf32>
    %slice3A = vector.extract_strided_slice %dot_general3A_5 {offsets = [0, 0], sizes = [64, 256], strides = [1, 1]} : vector<64x1024xf32> to vector<64x256xf32>
    %swap3A = arith.constant 0 : index
    %swap3A_6 = arith.constant 0 : index
    %swap3A_7 = arith.constant 0 : index
    %swap3A_8 = vector.load %arg3[%swap3A, %swap3A_6, %swap3A_7] : memref<4x64x256xf32, #tpu.memory_space<vmem>>, vector<1x64x256xf32>
    %swap3A_9 = vector.shape_cast %swap3A_8 : vector<1x64x256xf32> to vector<64x256xf32>
    %swap3A_10 = vector.shape_cast %slice3A : vector<64x256xf32> to vector<1x64x256xf32>
    tpu.vector_store %arg3[%swap3A, %swap3A_6, %swap3A_7], %swap3A_10 {strides = array<i32>} : memref<4x64x256xf32, #tpu.memory_space<vmem>>, vector<1x64x256xf32>,
    %slice3A_11 = vector.extract_strided_slice %dot_general3A_5 {offsets = [0, 256], sizes = [64, 256], strides = [1, 1]} : vector<64x1024xf32> to vector<64x256xf32>
    %swap3A_12 = arith.constant 1 : index
    %swap3A_13 = arith.constant 0 : index
    %swap3A_14 = arith.constant 0 : index
    %swap3A_15 = vector.load %arg3[%swap3A_12, %swap3A_13, %swap3A_14] : memref<4x64x256xf32, #tpu.memory_space<vmem>>, vector<1x64x256xf32>
    %swap3A_16 = vector.shape_cast %swap3A_15 : vector<1x64x256xf32> to vector<64x256xf32>
    %swap3A_17 = vector.shape_cast %slice3A_11 : vector<64x256xf32> to vector<1x64x256xf32>
    tpu.vector_store %arg3[%swap3A_12, %swap3A_13, %swap3A_14], %swap3A_17 {strides = array<i32>} : memref<4x64x256xf32, #tpu.memory_space<vmem>>, vector<1x64x256xf32>,
    %slice3A_18 = vector.extract_strided_slice %dot_general3A_5 {offsets = [0, 512], sizes = [64, 256], strides = [1, 1]} : vector<64x1024xf32> to vector<64x256xf32>
    %swap3A_19 = arith.constant 2 : index
    %swap3A_20 = arith.constant 0 : index
    %swap3A_21 = arith.constant 0 : index
    %swap3A_22 = vector.load %arg3[%swap3A_19, %swap3A_20, %swap3A_21] : memref<4x64x256xf32, #tpu.memory_space<vmem>>, vector<1x64x256xf32>
    %swap3A_23 = vector.shape_cast %swap3A_22 : vector<1x64x256xf32> to vector<64x256xf32>
    %swap3A_24 = vector.shape_cast %slice3A_18 : vector<64x256xf32> to vector<1x64x256xf32>
    tpu.vector_store %arg3[%swap3A_19, %swap3A_20, %swap3A_21], %swap3A_24 {strides = array<i32>} : memref<4x64x256xf32, #tpu.memory_space<vmem>>, vector<1x64x256xf32>,
    %slice3A_25 = vector.extract_strided_slice %dot_general3A_5 {offsets = [0, 768], sizes = [64, 256], strides = [1, 1]} : vector<64x1024xf32> to vector<64x256xf32>
    %swap3A_26 = arith.constant 3 : index
    %swap3A_27 = arith.constant 0 : index
    %swap3A_28 = arith.constant 0 : index
    %swap3A_29 = vector.load %arg3[%swap3A_26, %swap3A_27, %swap3A_28] : memref<4x64x256xf32, #tpu.memory_space<vmem>>, vector<1x64x256xf32>
    %swap3A_30 = vector.shape_cast %swap3A_29 : vector<1x64x256xf32> to vector<64x256xf32>
    %swap3A_31 = vector.shape_cast %slice3A_25 : vector<64x256xf32> to vector<1x64x256xf32>
    tpu.vector_store %arg3[%swap3A_26, %swap3A_27, %swap3A_28], %swap3A_31 {strides = array<i32>} : memref<4x64x256xf32, #tpu.memory_space<vmem>>, vector<1x64x256xf32>,
    return
  }
  func.func @transform_0(%arg0: i32) -> (i32, i32) {
    %c0_i32 = arith.constant 0 : i32
    %c0_i32_0 = arith.constant 0 : i32
    return %arg0, %c0_i32 : i32, i32
  }
  func.func @transform_1(%arg0: i32) -> (i32, i32) {
    %c0_i32 = arith.constant 0 : i32
    %c0_i32_0 = arith.constant 0 : i32
    %c0_i32_1 = arith.constant 0 : i32
    return %c0_i32, %c0_i32_0 : i32, i32
  }
  func.func @transform_2(%arg0: i32) -> (i32, i32, i32) {
    %c0_i32 = arith.constant 0 : i32
    %c0_i32_0 = arith.constant 0 : i32
    %c0_i32_1 = arith.constant 0 : i32
    return %arg0, %c0_i32, %c0_i32_0 : i32, i32, i32
  }
}

module attributes {stable_mosaic.version = 14 : i64} {
  func.func @_w2sum_body(%arg0: i32, %arg1: i32, %arg2: memref<1x3072x768xf32, #tpu.memory_space<vmem>>, %arg3: memref<1x1x3072xf32, #tpu.memory_space<vmem>>) attributes {dimension_semantics = [#tpu.dimension_semantics<arbitrary>, #tpu.dimension_semantics<arbitrary>], iteration_bounds = array<i64: 64, 1>, scalar_prefetch = 0 : i64, scratch_operands = 0 : i64, tpu.core_type = #tpu.core_type<tc>, window_params = [{transform_indices = @transform_0, window_bounds = array<i64: 1, 3072, 768>}, {transform_indices = @transform_1, window_bounds = array<i64: 1, 1, 3072>}]} {
    %broadcast_in_dim3A = arith.constant 1.000000e+00 : f32
    %broadcast_in_dim3A_0 = vector.broadcast %broadcast_in_dim3A : f32 to vector<1x768xf32>
    %get3A = arith.constant 0 : index
    %get3A_1 = arith.constant 0 : index
    %get3A_2 = arith.constant 0 : index
    %get3A_3 = vector.load %arg2[%get3A, %get3A_1, %get3A_2] : memref<1x3072x768xf32, #tpu.memory_space<vmem>>, vector<1x3072x768xf32>
    %get3A_4 = vector.shape_cast %get3A_3 : vector<1x3072x768xf32> to vector<3072x768xf32>
    %dot_general3A = arith.constant dense<0.000000e+00> : vector<1x3072xf32>
    %dot_general3A_5 = tpu.matmul %broadcast_in_dim3A_0, %get3A_4, %dot_general3A {dimension_numbers = #tpu.dot_dimension_numbers<[1], [1], [0], [0], [0, 0, 1, 0], [], []>, transpose_lhs_hint = false} : vector<1x768xf32>, vector<3072x768xf32>, vector<1x3072xf32> -> vector<1x3072xf32>
    %swap3A = arith.constant 0 : index
    %swap3A_6 = arith.constant 0 : index
    %swap3A_7 = arith.constant 0 : index
    %swap3A_8 = vector.load %arg3[%swap3A, %swap3A_6, %swap3A_7] : memref<1x1x3072xf32, #tpu.memory_space<vmem>>, vector<1x1x3072xf32>
    %swap3A_9 = vector.shape_cast %swap3A_8 : vector<1x1x3072xf32> to vector<1x3072xf32>
    %swap3A_10 = vector.shape_cast %dot_general3A_5 : vector<1x3072xf32> to vector<1x1x3072xf32>
    tpu.vector_store %arg3[%swap3A, %swap3A_6, %swap3A_7], %swap3A_10 {strides = array<i32>} : memref<1x1x3072xf32, #tpu.memory_space<vmem>>, vector<1x1x3072xf32>,
    return
  }
  func.func @transform_0(%arg0: i32, %arg1: i32) -> (i32, i32, i32) {
    %c0_i32 = arith.constant 0 : i32
    %c0_i32_0 = arith.constant 0 : i32
    return %arg0, %arg1, %c0_i32 : i32, i32, i32
  }
  func.func @transform_1(%arg0: i32, %arg1: i32) -> (i32, i32, i32) {
    %c0_i32 = arith.constant 0 : i32
    %c0_i32_0 = arith.constant 0 : i32
    return %arg0, %c0_i32, %arg1 : i32, i32, i32
  }
}

module attributes {stable_mosaic.version = 14 : i64} {
  func.func @_w1mul_body(%arg0: i32, %arg1: i32, %arg2: memref<1x768x3072xf32, #tpu.memory_space<vmem>>, %arg3: memref<1x1x3072xf32, #tpu.memory_space<vmem>>, %arg4: memref<64x3072xf32, #tpu.memory_space<vmem>>, %arg5: memref<64x768xf32, #tpu.memory_space<vmem>>, %arg6: memref<1x1x768xf32, #tpu.memory_space<vmem>>, %arg7: memref<1x1x128xf32, #tpu.memory_space<vmem>>) attributes {dimension_semantics = [#tpu.dimension_semantics<arbitrary>, #tpu.dimension_semantics<arbitrary>], iteration_bounds = array<i64: 64, 1>, scalar_prefetch = 0 : i64, scratch_operands = 0 : i64, tpu.core_type = #tpu.core_type<tc>, window_params = [{transform_indices = @transform_0, window_bounds = array<i64: 1, 768, 3072>}, {transform_indices = @transform_1, window_bounds = array<i64: 1, 1, 3072>}, {pipeline_mode = #tpu.pipeline_mode<synchronous>, transform_indices = @transform_2, window_bounds = array<i64: 64, 3072>}, {pipeline_mode = #tpu.pipeline_mode<synchronous>, transform_indices = @transform_3, window_bounds = array<i64: 64, 768>}, {transform_indices = @transform_4, window_bounds = array<i64: 1, 1, 768>}, {transform_indices = @transform_5, window_bounds = array<i64: 1, 1, 128>}]} {
    %get3A = arith.constant 0 : index
    %get3A_0 = arith.constant 0 : index
    %get3A_1 = arith.constant 0 : index
    %get3A_2 = vector.load %arg3[%get3A, %get3A_0, %get3A_1] : memref<1x1x3072xf32, #tpu.memory_space<vmem>>, vector<1x1x3072xf32>
    %get3A_3 = vector.shape_cast %get3A_2 : vector<1x1x3072xf32> to vector<1x3072xf32>
    %get3A_4 = arith.constant 0 : index
    %get3A_5 = arith.constant 0 : index
    %get3A_6 = arith.constant 0 : index
    %get3A_7 = vector.load %arg2[%get3A_4, %get3A_5, %get3A_6] : memref<1x768x3072xf32, #tpu.memory_space<vmem>>, vector<1x768x3072xf32>
    %get3A_8 = vector.shape_cast %get3A_7 : vector<1x768x3072xf32> to vector<768x3072xf32>
    %dot_general3A = arith.constant dense<0.000000e+00> : vector<1x768xf32>
    %dot_general3A_9 = tpu.matmul %get3A_3, %get3A_8, %dot_general3A {dimension_numbers = #tpu.dot_dimension_numbers<[1], [1], [0], [0], [0, 0, 1, 0], [], []>, transpose_lhs_hint = false} : vector<1x3072xf32>, vector<768x3072xf32>, vector<1x768xf32> -> vector<1x768xf32>
    %swap3A = arith.constant 0 : index
    %swap3A_10 = arith.constant 0 : index
    %swap3A_11 = arith.constant 0 : index
    %swap3A_12 = vector.load %arg6[%swap3A, %swap3A_10, %swap3A_11] : memref<1x1x768xf32, #tpu.memory_space<vmem>>, vector<1x1x768xf32>
    %swap3A_13 = vector.shape_cast %swap3A_12 : vector<1x1x768xf32> to vector<1x768xf32>
    %swap3A_14 = vector.shape_cast %dot_general3A_9 : vector<1x768xf32> to vector<1x1x768xf32>
    tpu.vector_store %arg6[%swap3A, %swap3A_10, %swap3A_11], %swap3A_14 {strides = array<i32>} : memref<1x1x768xf32, #tpu.memory_space<vmem>>, vector<1x1x768xf32>,
    %eq3A = arith.constant 0 : i32
    %eq3A_15 = arith.cmpi eq, %arg1, %eq3A : i32
    %convert_element_type3A = arith.extui %eq3A_15 : i1 to i32
    %cond3A = arith.constant 0 : i32
    %cond3A_16 = arith.cmpi ne, %convert_element_type3A, %cond3A : i32
    scf.if %cond3A_16 {
      %get3A_17 = arith.index_cast %arg0 : i32 to index
      %get3A_18 = arith.constant 0 : index
      %get3A_19 = vector.load %arg4[%get3A_17, %get3A_18] : memref<64x3072xf32, #tpu.memory_space<vmem>>, vector<1x3072xf32>
      %get3A_20 = vector.shape_cast %get3A_19 : vector<1x3072xf32> to vector<3072xf32>
      %squeeze3A = vector.shape_cast %get3A_3 : vector<1x3072xf32> to vector<3072xf32>
      %mul3A = arith.mulf %get3A_20, %squeeze3A : vector<3072xf32>
      %reduce_sum3A = vector.shape_cast %mul3A : vector<3072xf32> to vector<1x3072xf32>
      %reduce_sum3A_21 = arith.constant dense<0.000000e+00> : vector<1xf32>
      %reduce_sum3A_22 = vector.multi_reduction <add>, %reduce_sum3A, %reduce_sum3A_21 [1] : vector<1x3072xf32> to vector<1xf32>
      %reduce_sum3A_23 = vector.shape_cast %reduce_sum3A_22 : vector<1xf32> to vector<1x1xf32>
      %reduce_sum3A_24 = vector.extract %reduce_sum3A_23[0, 0] : f32 from vector<1x1xf32>
      %get3A_25 = arith.index_cast %arg0 : i32 to index
      %get3A_26 = arith.constant 0 : index
      %get3A_27 = vector.load %arg5[%get3A_25, %get3A_26] : memref<64x768xf32, #tpu.memory_space<vmem>>, vector<1x768xf32>
      %get3A_28 = vector.shape_cast %get3A_27 : vector<1x768xf32> to vector<768xf32>
      %reduce_sum3A_29 = vector.shape_cast %get3A_28 : vector<768xf32> to vector<1x768xf32>
      %reduce_sum3A_30 = arith.constant dense<0.000000e+00> : vector<1xf32>
      %reduce_sum3A_31 = vector.multi_reduction <add>, %reduce_sum3A_29, %reduce_sum3A_30 [1] : vector<1x768xf32> to vector<1xf32>
      %reduce_sum3A_32 = vector.shape_cast %reduce_sum3A_31 : vector<1xf32> to vector<1x1xf32>
      %reduce_sum3A_33 = vector.extract %reduce_sum3A_32[0, 0] : f32 from vector<1x1xf32>
      %add3A = arith.addf %reduce_sum3A_24, %reduce_sum3A_33 : f32
      %broadcast_in_dim3A = arith.constant 0.000000e+00 : f32
      %broadcast_in_dim3A_34 = vector.broadcast %broadcast_in_dim3A : f32 to vector<128xf32>
      %add3A_35 = vector.broadcast %add3A : f32 to vector<128xf32>
      %add3A_36 = arith.addf %broadcast_in_dim3A_34, %add3A_35 : vector<128xf32>
      %swap3A_37 = arith.constant 0 : index
      %swap3A_38 = arith.constant 0 : index
      %swap3A_39 = arith.constant 0 : index
      %swap3A_40 = vector.load %arg7[%swap3A_37, %swap3A_38, %swap3A_39] : memref<1x1x128xf32, #tpu.memory_space<vmem>>, vector<1x1x128xf32>
      %swap3A_41 = vector.shape_cast %swap3A_40 : vector<1x1x128xf32> to vector<128xf32>
      %swap3A_42 = vector.shape_cast %add3A_36 : vector<128xf32> to vector<1x1x128xf32>
      tpu.vector_store %arg7[%swap3A_37, %swap3A_38, %swap3A_39], %swap3A_42 {strides = array<i32>} : memref<1x1x128xf32, #tpu.memory_space<vmem>>, vector<1x1x128xf32>,
    } else {
    }
    return
  }
  func.func @transform_0(%arg0: i32, %arg1: i32) -> (i32, i32, i32) {
    %c0_i32 = arith.constant 0 : i32
    %c0_i32_0 = arith.constant 0 : i32
    return %arg0, %arg1, %c0_i32 : i32, i32, i32
  }
  func.func @transform_1(%arg0: i32, %arg1: i32) -> (i32, i32, i32) {
    %c0_i32 = arith.constant 0 : i32
    %c0_i32_0 = arith.constant 0 : i32
    %c0_i32_1 = arith.constant 0 : i32
    return %arg0, %c0_i32, %c0_i32_0 : i32, i32, i32
  }
  func.func @transform_2(%arg0: i32, %arg1: i32) -> (i32, i32) {
    %c0_i32 = arith.constant 0 : i32
    %c0_i32_0 = arith.constant 0 : i32
    %c0_i32_1 = arith.constant 0 : i32
    return %c0_i32, %c0_i32_0 : i32, i32
  }
  func.func @transform_3(%arg0: i32, %arg1: i32) -> (i32, i32) {
    %c0_i32 = arith.constant 0 : i32
    %c0_i32_0 = arith.constant 0 : i32
    %c0_i32_1 = arith.constant 0 : i32
    return %c0_i32, %c0_i32_0 : i32, i32
  }
  func.func @transform_4(%arg0: i32, %arg1: i32) -> (i32, i32, i32) {
    %c0_i32 = arith.constant 0 : i32
    %c0_i32_0 = arith.constant 0 : i32
    return %arg0, %c0_i32, %arg1 : i32, i32, i32
  }
  func.func @transform_5(%arg0: i32, %arg1: i32) -> (i32, i32, i32) {
    %c0_i32 = arith.constant 0 : i32
    %c0_i32_0 = arith.constant 0 : i32
    %c0_i32_1 = arith.constant 0 : i32
    return %arg0, %c0_i32, %c0_i32_0 : i32, i32, i32
  }
}

module attributes {stable_mosaic.version = 14 : i64} {
  func.func @_combine_body(%arg0: i32, %arg1: memref<2048x768xf32, #tpu.memory_space<vmem>>, %arg2: memref<64x768xf32, #tpu.memory_space<vmem>>, %arg3: memref<1x64xf32, #tpu.memory_space<vmem>>, %arg4: memref<1x1x2048xi32, #tpu.memory_space<vmem>>, %arg5: memref<1x1x2048xf32, #tpu.memory_space<vmem>>, %arg6: memref<1x1x2048xf32, #tpu.memory_space<vmem>>) attributes {dimension_semantics = [#tpu.dimension_semantics<arbitrary>], iteration_bounds = array<i64: 4>, scalar_prefetch = 0 : i64, scratch_operands = 0 : i64, tpu.core_type = #tpu.core_type<tc>, window_params = [{transform_indices = @transform_0, window_bounds = array<i64: 2048, 768>}, {pipeline_mode = #tpu.pipeline_mode<synchronous>, transform_indices = @transform_1, window_bounds = array<i64: 64, 768>}, {pipeline_mode = #tpu.pipeline_mode<synchronous>, transform_indices = @transform_2, window_bounds = array<i64: 1, 64>}, {transform_indices = @transform_3, window_bounds = array<i64: 1, 1, 2048>}, {transform_indices = @transform_4, window_bounds = array<i64: 1, 1, 2048>}, {transform_indices = @transform_5, window_bounds = array<i64: 1, 1, 2048>}]} {
    %get3A = arith.constant 0 : index
    %get3A_0 = arith.constant 0 : index
    %get3A_1 = vector.load %arg1[%get3A, %get3A_0] : memref<2048x768xf32, #tpu.memory_space<vmem>>, vector<2048x768xf32>
    %get3A_2 = arith.constant 0 : index
    %get3A_3 = arith.constant 0 : index
    %get3A_4 = vector.load %arg2[%get3A_2, %get3A_3] : memref<64x768xf32, #tpu.memory_space<vmem>>, vector<64x768xf32>
    %dot_general3A = arith.constant dense<0.000000e+00> : vector<2048x64xf32>
    %dot_general3A_5 = tpu.matmul %get3A_1, %get3A_4, %dot_general3A {dimension_numbers = #tpu.dot_dimension_numbers<[1], [1], [0], [0], [0, 0, 1, 0], [], []>, transpose_lhs_hint = false} : vector<2048x768xf32>, vector<64x768xf32>, vector<2048x64xf32> -> vector<2048x64xf32>
    %get3A_6 = arith.constant 0 : index
    %get3A_7 = arith.constant 0 : index
    %get3A_8 = arith.constant 0 : index
    %get3A_9 = vector.load %arg4[%get3A_6, %get3A_7, %get3A_8] : memref<1x1x2048xi32, #tpu.memory_space<vmem>>, vector<1x1x2048xi32>
    %get3A_10 = vector.shape_cast %get3A_9 : vector<1x1x2048xi32> to vector<2048xi32>
    %iota3A = tpu.iota {dimensions = array<i32: 1>} : vector<2048x64xi32>
    %broadcast_in_dim3A = vector.shape_cast %get3A_10 : vector<2048xi32> to vector<2048x1xi32>
    %eq3A = vector.broadcast %broadcast_in_dim3A : vector<2048x1xi32> to vector<2048x64xi32>
    %eq3A_11 = arith.cmpi eq, %iota3A, %eq3A : vector<2048x64xi32>
    %jit3A = arith.constant 0.000000e+00 : f32
    %broadcast_in_dim3A_12 = vector.broadcast %jit3A : f32 to vector<2048x64xf32>
    %select_n3A = arith.select %eq3A_11, %dot_general3A_5, %broadcast_in_dim3A_12 : vector<2048x64xi1>, vector<2048x64xf32>
    %reduce_sum3A = arith.constant dense<0.000000e+00> : vector<2048xf32>
    %reduce_sum3A_13 = vector.multi_reduction <add>, %select_n3A, %reduce_sum3A [1] : vector<2048x64xf32> to vector<2048xf32>
    %get3A_14 = arith.constant 0 : index
    %get3A_15 = arith.constant 0 : index
    %get3A_16 = vector.load %arg3[%get3A_14, %get3A_15] : memref<1x64xf32, #tpu.memory_space<vmem>>, vector<1x64xf32>
    %jit3A_17 = arith.constant 0.000000e+00 : f32
    %broadcast_in_dim3A_18 = vector.shape_cast %get3A_16 : vector<1x64xf32> to vector<1x64xf32>
    %broadcast_in_dim3A_19 = vector.broadcast %broadcast_in_dim3A_18 : vector<1x64xf32> to vector<2048x64xf32>
    %broadcast_in_dim3A_20 = vector.broadcast %jit3A_17 : f32 to vector<2048x64xf32>
    %select_n3A_21 = arith.select %eq3A_11, %broadcast_in_dim3A_19, %broadcast_in_dim3A_20 : vector<2048x64xi1>, vector<2048x64xf32>
    %reduce_sum3A_22 = arith.constant dense<0.000000e+00> : vector<2048xf32>
    %reduce_sum3A_23 = vector.multi_reduction <add>, %select_n3A_21, %reduce_sum3A_22 [1] : vector<2048x64xf32> to vector<2048xf32>
    %get3A_24 = arith.constant 0 : index
    %get3A_25 = arith.constant 0 : index
    %get3A_26 = arith.constant 0 : index
    %get3A_27 = vector.load %arg5[%get3A_24, %get3A_25, %get3A_26] : memref<1x1x2048xf32, #tpu.memory_space<vmem>>, vector<1x1x2048xf32>
    %get3A_28 = vector.shape_cast %get3A_27 : vector<1x1x2048xf32> to vector<2048xf32>
    %add3A = arith.addf %reduce_sum3A_13, %reduce_sum3A_23 : vector<2048xf32>
    %mul3A = arith.mulf %get3A_28, %add3A : vector<2048xf32>
    %swap3A = arith.constant 0 : index
    %swap3A_29 = arith.constant 0 : index
    %swap3A_30 = arith.constant 0 : index
    %swap3A_31 = vector.load %arg6[%swap3A, %swap3A_29, %swap3A_30] : memref<1x1x2048xf32, #tpu.memory_space<vmem>>, vector<1x1x2048xf32>
    %swap3A_32 = vector.shape_cast %swap3A_31 : vector<1x1x2048xf32> to vector<2048xf32>
    %swap3A_33 = vector.shape_cast %mul3A : vector<2048xf32> to vector<1x1x2048xf32>
    tpu.vector_store %arg6[%swap3A, %swap3A_29, %swap3A_30], %swap3A_33 {strides = array<i32>} : memref<1x1x2048xf32, #tpu.memory_space<vmem>>, vector<1x1x2048xf32>,
    return
  }
  func.func @transform_0(%arg0: i32) -> (i32, i32) {
    %c0_i32 = arith.constant 0 : i32
    %c0_i32_0 = arith.constant 0 : i32
    return %arg0, %c0_i32 : i32, i32
  }
  func.func @transform_1(%arg0: i32) -> (i32, i32) {
    %c0_i32 = arith.constant 0 : i32
    %c0_i32_0 = arith.constant 0 : i32
    %c0_i32_1 = arith.constant 0 : i32
    return %c0_i32, %c0_i32_0 : i32, i32
  }
  func.func @transform_2(%arg0: i32) -> (i32, i32) {
    %c0_i32 = arith.constant 0 : i32
    %c0_i32_0 = arith.constant 0 : i32
    %c0_i32_1 = arith.constant 0 : i32
    return %c0_i32, %c0_i32_0 : i32, i32
  }
  func.func @transform_3(%arg0: i32) -> (i32, i32, i32) {
    %c0_i32 = arith.constant 0 : i32
    %c0_i32_0 = arith.constant 0 : i32
    %c0_i32_1 = arith.constant 0 : i32
    return %arg0, %c0_i32, %c0_i32_0 : i32, i32, i32
  }
  func.func @transform_4(%arg0: i32) -> (i32, i32, i32) {
    %c0_i32 = arith.constant 0 : i32
    %c0_i32_0 = arith.constant 0 : i32
    %c0_i32_1 = arith.constant 0 : i32
    return %arg0, %c0_i32, %c0_i32_0 : i32, i32, i32
  }
  func.func @transform_5(%arg0: i32) -> (i32, i32, i32) {
    %c0_i32 = arith.constant 0 : i32
    %c0_i32_0 = arith.constant 0 : i32
    %c0_i32_1 = arith.constant 0 : i32
    return %arg0, %c0_i32, %c0_i32_0 : i32, i32, i32
  }
}

module attributes {stable_mosaic.version = 14 : i64} {
  func.func @_lsm_body(%arg0: memref<4x2048xf32, #tpu.memory_space<vmem>>, %arg1: memref<4x2048xf32, #tpu.memory_space<vmem>>) attributes {dimension_semantics = [], scalar_prefetch = 0 : i64, scratch_operands = 0 : i64, tpu.core_type = #tpu.core_type<tc>} {
    %get3A = arith.constant 0 : index
    %get3A_0 = arith.constant 0 : index
    %get3A_1 = vector.load %arg0[%get3A, %get3A_0] : memref<4x2048xf32, #tpu.memory_space<vmem>>, vector<4x2048xf32>
    %reduce_max3A = arith.constant dense<0xFF800000> : vector<4xf32>
    %reduce_max3A_2 = vector.multi_reduction <maximumf>, %get3A_1, %reduce_max3A [1] : vector<4x2048xf32> to vector<4xf32>
    %broadcast_in_dim3A = vector.shape_cast %reduce_max3A_2 : vector<4xf32> to vector<4x1xf32>
    %sub3A = vector.broadcast %broadcast_in_dim3A : vector<4x1xf32> to vector<4x2048xf32>
    %sub3A_3 = arith.subf %get3A_1, %sub3A : vector<4x2048xf32>
    %exp3A = math.exp %sub3A_3 : vector<4x2048xf32>
    %reduce_sum3A = arith.constant dense<0.000000e+00> : vector<4xf32>
    %reduce_sum3A_4 = vector.multi_reduction <add>, %exp3A, %reduce_sum3A [1] : vector<4x2048xf32> to vector<4xf32>
    %broadcast_in_dim3A_5 = vector.shape_cast %reduce_sum3A_4 : vector<4xf32> to vector<4x1xf32>
    %log3A = math.log %broadcast_in_dim3A_5 : vector<4x1xf32>
    %sub3A_6 = vector.broadcast %broadcast_in_dim3A : vector<4x1xf32> to vector<4x2048xf32>
    %sub3A_7 = arith.subf %get3A_1, %sub3A_6 : vector<4x2048xf32>
    %sub3A_8 = vector.broadcast %log3A : vector<4x1xf32> to vector<4x2048xf32>
    %sub3A_9 = arith.subf %sub3A_7, %sub3A_8 : vector<4x2048xf32>
    %swap3A = arith.constant 0 : index
    %swap3A_10 = arith.constant 0 : index
    %swap3A_11 = vector.load %arg1[%swap3A, %swap3A_10] : memref<4x2048xf32, #tpu.memory_space<vmem>>, vector<4x2048xf32>
    tpu.vector_store %arg1[%swap3A, %swap3A_10], %sub3A_9 {strides = array<i32>} : memref<4x2048xf32, #tpu.memory_space<vmem>>, vector<4x2048xf32>,
    return
  }
}

</mosaic_0001>

<sc_bundles>
// kernel: kernel.12.cloned.1.call-start
scs
__scs_entry_jumppad:
0x0: {  	(pc) =	sbr.rel $0x88, $3  }
0x1: {  	(tag) =	ssettag $0x0;
	lr =	simm.s32 $0x1  }
0x2: {  	[smem:$0x3F9B] =	sst lr;
	_ =	strace $0xD0000000  }
0x3: {  	_ = 	snop  }
0x4: {  	_ = 	snop  }
0x5: {  	_ = 	snop  }
0x6: {  	_ = 	snop  }
0x7: {  	_ = 	snop  }
__scs_overlays_trampoline_lowered:
0x8: {  	[smem:$0x3FAA] =	sst s0  }
0x9: {  	[smem:$0x3FAB] =	sst s1  }
0xa: {  	[smem:$0x3FAC] =	sst s2  }
0xb: {  	[smem:$0x3FAD] =	sst s3  }
0xc: {  	[smem:$0x3FAE] =	sst s4  }
0xd: {  	[smem:$0x3FAF] =	sst s5  }
0xe: {  	[smem:$0x3FB0] =	sst s6  }
0xf: {  	[smem:$0x3FB1] =	sst s7  }
0x10: {  	[smem:$0x3FB2] =	sst s8  }
0x11: {  	[smem:$0x3FB3] =	sst s9;
	s0 =	simm.s32 @!p0 $0x0  }
0x12: {  	s1 =	sld [smem:$0x3F99];
	s0 =	simm.s32 @p0 $0x1  }
0x13: {  	[smem:$0x3FB4] =	sst s0;
	s0 =	simm.s32 @!p1 $0x0  }
0x14: {  	s2 =	sld [smem:$0x3F98];
	s0 =	simm.s32 @p1 $0x1  }
0x15: {  	[smem:$0x3FB5] =	sst s0;
	s0 =	simm.s32 @!p2 $0x0  }
0x16: {  	s3 =	sld [smem:$0x3FDB];
	s0 =	simm.s32 @p2 $0x1  }
0x17: {  	s4 =	simm.s32 $0x1BF5;
	[smem:$0x3FB7] =	sst s0  }
0x18: {  	s0 =	sld [smem:$0x3F9A];
	_ =	swait.ge [sflag:s4], $0x0  }
0x19: {  	s7 =	sld [smem:$0x3F9B]  }
0x1a: {  	s8 =	sadd.s32 $0xFFFFE003, lr  }
0x1b: {  	s9 =	sadd.s32 $0xFFFFFEF7, lr;
	s5 =	simm.s32 $0xFFFFFFFF;
	p2 =	slt.u32 s8, $0xFFFFF086  }
0x1c: {  	p1 =	slt.u32 s9, $0xF7A;
	s5 =	simm.s32 @!p2 $0x0  }
0x1d: {  	s5 =	simm.s32 @p1 $0x1;
	p0 =	seq.s32 s7, s2  }
0x1e: {  	s7 =	smul.u32 @!p0 $0xF7A, s2;
	p2 =	seq.s32 @!p0 s5, $0x0  }
0x1f: {  	s9 =	smul.u32 $0xF7A, s1;
	s8 =	simm.s32 @!p0 $0x1BF5;
	p2 =	por !p2, p0  }
0x20: {  	[sflag:s8] =	ssyncset.s32 @!p0 $0xFFFFF086;
	s6 =	sadd.s32 @!p0 s3, s7;
	s7 =	simm.s32 @!p0 $0x108  }
0x21: {  	s3 =	sadd.s32 s3, s9;
	s6 =	sadd.s32 @!p0 $0x88, s6;
	s7 =	simm.s32 @p2 $0x1082  }
0x22: {  	[simem:s7], [sflag:s8] =	dma.local @!p0 [hbm:s6], $0xF7A  }
0x23: {  	s9 =	sor.u32 $0xD0000000, s2;
	s6 =	simm.s32 $0x108;
	_ =	swait.ge @!p0 [sflag:s8], $0x0  }
0x24: {  	s3 =	sadd.s32 $0x88, s3;
	s6 =	simm.s32 @!p1 $0x1082;
	[sflag:s4] =	ssyncset.s32 $0xFFFFF086  }
0x25: {  	[simem:s6], [sflag:s4] =	dma.local [hbm:s3], $0xF7A  }
0x26: {  	[smem:$0x3F9B] =	sst s1;
	(tag) =	ssettag s2;
	_ =	strace s9  }
0x27: {  	s1 =	sld [smem:$0x3FAB]  }
0x28: {  	s2 =	sld [smem:$0x3FAC]  }
0x29: {  	s4 =	sld [smem:$0x3FAE]  }
0x2a: {  	p0 =	seq.s32 s5, $0x0;
	s5 =	sld [smem:$0x3FAF]  }
0x2b: {  	s6 =	sld [smem:$0x3FB0]  }
0x2c: {  	s7 =	sld [smem:$0x3FB1]  }
0x2d: {  	s3 =	simm.s32 $0x108;
	s8 =	sld [smem:$0x3FB2]  }
0x2e: {  	s3 =	simm.s32 @!p0 $0x1082;
	s9 =	sld [smem:$0x3FB3]  }
0x2f: {  	lr =	sadd.s32 s0, s3;
	s0 =	sld [smem:$0x3FAA]  }
0x30: {  	s3 =	sld [smem:$0x3FAD]  }
0x31: {  	[smem:$0x3FB6] =	sst s10  }
0x32: {  	s10 =	sld [smem:$0x3FB4];
	_ =	sdelay $0x3  }
0x33: {  	p0 =	seq.s32 s10, $0x1;
	s10 =	sld [smem:$0x3FB6];
	_ =	sdelay $0x3  }
0x34: {  	[smem:$0x3FB6] =	sst s10  }
0x35: {  	s10 =	sld [smem:$0x3FB5];
	_ =	sdelay $0x3  }
0x36: {  	p1 =	seq.s32 s10, $0x1;
	s10 =	sld [smem:$0x3FB6];
	_ =	sdelay $0x3  }
0x37: {  	[smem:$0x3FB6] =	sst s10  }
0x38: {  	s10 =	sld [smem:$0x3FB7]  }
0x39: {  	_ = 	snop;
	(pc) =	sbr.ind lr, $3  }
0x3a: {  	_ = 	snop  }
0x3b: {  	_ = 	snop  }
0x3c: {  	p2 =	seq.s32 s10, $0x1;
	s10 =	sld [smem:$0x3FB6]  }
0x3d: {  	_ =	shalt  }
0x3e: {  	_ =	shalt  }
0x3f: {  	_ =	shalt  }
0x40: {  	_ =	shalt  }
0x41: {  	_ =	shalt  }
0x42: {  	_ =	shalt  }
0x43: {  	_ =	shalt  }
0x44: {  	_ =	shalt  }
0x45: {  	_ =	shalt  }
0x46: {  	_ =	shalt  }
0x47: {  	_ =	shalt  }
0x48: {  	_ =	shalt  }
0x49: {  	_ =	shalt  }
0x4a: {  	_ =	shalt  }
0x4b: {  	_ =	shalt  }
0x4c: {  	_ =	shalt  }
0x4d: {  	_ =	shalt  }
0x4e: {  	_ =	shalt  }
0x4f: {  	_ =	shalt  }
0x50: {  	_ =	shalt  }
0x51: {  	_ =	shalt  }
0x52: {  	_ =	shalt  }
0x53: {  	_ =	shalt  }
0x54: {  	_ =	shalt  }
0x55: {  	_ =	shalt  }
0x56: {  	_ =	shalt  }
0x57: {  	_ =	shalt  }
0x58: {  	_ =	shalt  }
0x59: {  	_ =	shalt  }
0x5a: {  	_ =	shalt  }
0x5b: {  	_ =	shalt  }
0x5c: {  	_ =	shalt  }
0x5d: {  	_ =	shalt  }
0x5e: {  	_ =	shalt  }
0x5f: {  	_ =	shalt  }
0x60: {  	_ =	shalt  }
0x61: {  	_ =	shalt  }
0x62: {  	_ =	shalt  }
0x63: {  	_ =	shalt  }
0x64: {  	_ =	shalt  }
0x65: {  	_ =	shalt  }
0x66: {  	_ =	shalt  }
0x67: {  	_ =	shalt  }
0x68: {  	_ =	shalt  }
0x69: {  	_ =	shalt  }
0x6a: {  	_ =	shalt  }
0x6b: {  	_ =	shalt  }
0x6c: {  	_ =	shalt  }
0x6d: {  	_ =	shalt  }
0x6e: {  	_ =	shalt  }
0x6f: {  	_ =	shalt  }
0x70: {  	_ =	shalt  }
0x71: {  	_ =	shalt  }
0x72: {  	_ =	shalt  }
0x73: {  	_ =	shalt  }
0x74: {  	_ =	shalt  }
0x75: {  	_ =	shalt  }
0x76: {  	_ =	shalt  }
0x77: {  	_ =	shalt  }
0x78: {  	_ =	shalt  }
0x79: {  	_ =	shalt  }
0x7a: {  	_ =	shalt  }
0x7b: {  	_ =	shalt  }
0x7c: {  	_ =	shalt  }
0x7d: {  	_ =	shalt  }
0x7e: {  	_ =	shalt  }
0x7f: {  	_ =	shalt  }
0x80: {  	_ =	shalt  }
0x81: {  	_ =	shalt  }
0x82: {  	_ =	shalt  }
0x83: {  	_ =	shalt  }
0x84: {  	_ =	shalt  }
0x85: {  	_ =	shalt  }
0x86: {  	_ =	shalt  }
0x87: {  	_ =	shalt  }
.Lfunc_end0:
.L_simem_size_0:
called_computation.1_lowered:
.L_overlay_start_0:
0x88: {  	s2 =	sld [smem:$0x3FD9]  }
0x89: {  	s3 =	sld [smem:$0x3FFE];
	_ =	sdelay $0x1  }
0x8a: {  	s1 =	srdreg.scid  }
0x8b: {  	s0 =	sand.u32 $0x1, s1  }
0x8c: {  	s17 =	sshll.u32 s0, $0xA;
	s2 =	sadd.s32 s3, s2  }
0x8d: {  	s2 =	sadd.s32 s2, s17  }
0x8e: {  	[smem:$0x3FC2] =	sst s2  }
0x8f: {  	_ = 	snop  }
0x90: {  	s2 =	sld [smem:$0x3FD0];
	(tm) =	ssettm $0x1  }
0x91: {  	s18 =	sld [smem:$0x3FFB];
	_ =	sdelay $0x3  }
0x92: {  	_ =	strace s18  }
0x93: {  	s3 =	sld [smem:$0x3FFC];
	_ =	sdelay $0x3  }
0x94: {  	_ =	strace s3  }
0x95: {  	s3 =	sld [smem:$0x3FFD];
	_ =	sdelay $0x3  }
0x96: {  	_ =	strace s3  }
0x97: {  	_ =	strace $0x8FFFFFFF  }
0x98: {  	s19 =	sld [smem:$0x3FDB];
	_ =	sdelay $0x1  }
0x99: {  	s4 =	simm.s32 $_scs_section_size  }
0x9a: {  	s5 =	simm.s32 $_size__tile_overlayer_lowered;
	s6 =	simm.s32 $_tile_overlayer_lowered  }
0x9b: {  	s22 =	simm.s32 $0x1BFF;
	s21 =	sshll.u32 s6, $0x1;
	s3 =	sadd.s32 s4, s19  }
0x9c: {  	s7 =	simm.s32 $0x0;
	s20 =	sshll.u32 s5, $0x1;
	s5 =	sadd.s32 s21, s3  }
0x9d: {  	[timem:s7], [sflag:s22] =	dma.local [hbm:s5], s20  }
0x9e: {  	_ =	swait.ge [sflag:s22], s20  }
0x9f: {  	s4 =	ssub.s32 $0x0, s20;
	[sflag:s22] =	ssyncset.done $0x0  }
0xa0: {  	[sflag:s22] =	ssyncadd.s32 s4;
	_ =	sdelay $0x1  }
0xa1: {  	s23 =	simm.s32 $0x1B8B  }
0xa2: {  	_ =	swait.ge [sflag:s23], $0x1  }
0xa3: {  	[sflag:s23] =	ssyncset.done $0x0  }
0xa4: {  	s25 =	simm.s32 $0x1B8E;
	s24 =	sld [smem:$0x3FFE];
	[sflag:s23] =	ssyncadd.s32 $0xFFFFFFFF  }
0xa5: {  	s26 =	simm.s32 $execute0_lowered;
	[smem:$0x3FD2] =	sst s25  }
0xa6: {  	s5 =	sshll.u32 s26, $0x1;
	_ =	strace $0x80000049;
	[dreg:$0x1] =	wrdreg $0xFFFFFFFF  }
0xa7: {  	s28 =	simm.s32 $_size_execute0_lowered;
	s3 =	sadd.s32 s3, s5;
	[dreg:$0x0] =	wrdreg $0x0  }
0xa8: {  	s5 =	sshll.u32 s28, $0x1;
	[dreg:$0x2] =	wrdreg s3  }
0xa9: {  	[dreg:$0x3] =	wrdreg s5  }
0xaa: {  	[dreg:$0x4] =	wrdreg $0xC0  }
0xab: {  	_ =	task [dreg:s7], $0x5FFFF  }
0xac: {  	[dreg:$0x1] =	wrdreg $0xFFFFFFFF  }
0xad: {  	[dreg:$0x0] =	wrdreg $0x60  }
0xae: {  	[dreg:$0x2] =	wrdreg s24  }
0xaf: {  	[dreg:$0x3] =	wrdreg s2  }
0xb0: {  	[dreg:$0x4] =	wrdreg $0x9  }
0xb1: {  	_ =	task.clear_ibuf [dreg:s7], $0x5FFFF;
	_ =	strace $0x90000049  }
0xb2: {  	s29 =	simm.s32 $0x9;
	_ =	strace $0x8000004B  }
0xb3: {  	_ =	swait.ge [sflag:s29], $0x1  }
0xb4: {  	[sflag:s29] =	ssyncadd.s32 $0xFFFFFFFF  }
0xb5: {  	_ =	strace $0x9000004B  }
0xb6: {  	_ =	sfence  }
0xb7: {  	s30 =	sld [smem:$0x0];
	_ =	sdelay $0x2  }
0xb8: {  	s31 =	sshll.u32 s1, $0xD;
	s1 =	sshrl.u32 s1, $0x2  }
0xb9: {  	s3 =	sand.u32 $0x4000, s31;
	s1 =	sadd.s32 s1, s30  }
0xba: {  	s0 =	sor.u32 s3, s0;
	s1 =	sshll.u32 s1, $0x11  }
0xbb: {  	s0 =	sor.u32 s1, s0  }
0xbc: {  	s0 =	sadd.s32 $0x8F2B, s0  }
0xbd: {  	[sflag:s0] =	ssyncadd.remote.s32 $0x1  }
0xbe: {  	_ =	sfence.sel $0xFFFF  }
0xbf: {  	[dreg:$0x0] =	wrdreg $0xFFFFFFFF;
	(pc) =	sbr.abs _section_cstart, $3  }
0xc0: {  	[dreg:$0x1] =	wrdreg $0xFFFFFFFF  }
0xc1: {  	_ =	task.clear_ibuf [dreg:s7], $0x2FFFF;
	_ =	strace $0x9FFFFFFF  }
0xc2: {  	(tm) =	ssettm $0x7FFFFFFF  }
0xc3: {  	_ =	shalt  }
tec
execute0_lowered:
.L_overlay_start_1:
0x0: {  	(tag) =	ssettag $0x1  }
0x1: {  	s5 =	rddreg [dreg:$0x0]  }
0x2: {  	s8 =	rddreg [dreg:$0x1]  }
0x3: {  	s0 =	rddreg [dreg:$0x2]  }
0x4: {  	s3 =	srdreg.scid;
	s1 =	stileid.u32  }
0x5: {  	s2 =	simm.s32 $0x0;
	s12 =	simm.s32 $0x1180;
	s13 =	simm.s32 $0x1280  }
0x6: {  	s14 =	simm.s32 $0x1000;
	s15 =	simm.s32 $0x1380;
	s16 =	simm.s32 $0x0  }
0x7: {  	s4 =	sand.u32 $0x1, s3;
	s31 =	sshll.u32 s1, $0x1;
	[smem:$0x7FF] =	sst s2  }
0x8: {  	s3 =	sor.u32 s4, s31;
	s6 =	ssub.s32 $0x2, s4;
	_ =	strace $0x8000004A  }
0x9: {  	s4 =	sadd.s32 $0x11C00, s5;
	s9 =	sshll.u32 s3, $0x5;
	s7 =	sshrl.u32 s6, $0x1  }
0xa: {  	s10 =	sadd.s32 s9, s5;
	s11 =	ssub.s32 s6, s7;
	s8 =	sadd.s32 s8, s9  }
0xb: {  	s5 =	sadd.s32 $0x11E00, s10;
	s6 =	sadd.s32 $0x11800, s10;
	s7 =	sadd.s32 $0x11400, s10  }
0xc: {  	s9 =	smax.u32 s11, $0x1;
	s10 =	simm.s32 $0x1;
	s11 =	simm.s32 $0x1080  }
.LBB2_1:
0xd: {  	[tilespmem:s2], [sflag:$0x1] =	stream.linear.gather [hbm4b:s4+s2], $0x1000, $0x38;
	[tilespmem:$0x1480] =	vst v63  }
0xe: {  	_ =	swait.ge [sflag:s10], $0x1000  }
0xf: {  	[sflag:s10] =	ssyncset.done $0x0  }
0x10: {  	[sflag:s10] =	ssyncadd.s32 $0xFFFFF000  }
0x11: {  	[tilespmem:s11], [sflag:$0x1] =	stream.linear.gather [hbm4b:s5+s2], $0x100, $0x38;
	[tilespmem:$0x1480] =	vst v63  }
0x12: {  	_ =	swait.ge [sflag:s10], $0x100  }
0x13: {  	[sflag:s10] =	ssyncset.done $0x0  }
0x14: {  	[sflag:s10] =	ssyncadd.s32 $0xFFFFFF00  }
0x15: {  	[tilespmem:s12], [sflag:$0x1] =	stream.linear.gather [hbm4b:s6+s2], $0x100, $0x38;
	[tilespmem:$0x1480] =	vst v63  }
0x16: {  	_ =	swait.ge [sflag:s10], $0x100  }
0x17: {  	[sflag:s10] =	ssyncset.done $0x0  }
0x18: {  	[sflag:s10] =	ssyncadd.s32 $0xFFFFFF00  }
0x19: {  	[tilespmem:s13], [sflag:$0x1] =	stream.linear.gather [hbm4b:s7+s2], $0x100, $0x38;
	[tilespmem:$0x1480] =	vst v63  }
0x1a: {  	_ =	swait.ge [sflag:s10], $0x100  }
0x1b: {  	[sflag:s10] =	ssyncset.done $0x0  }
0x1c: {  	s19 =	simm.s32 $0x20;
	[sflag:s10] =	ssyncadd.s32 $0xFFFFFF00  }
0x1d: {  	v2 =	vld [tilespmem:s19+$0x10]  }
0x1e: {  	v1 =	vld [tilespmem:s19+$0xFFFFFFE0]  }
0x1f: {  	v3 =	vld [tilespmem:s19+$0xFFFFFFF0]  }
0x20: {  	p0 =	sgt.u32 s3, $0x0;
	s17 =	simm.s32 $0x1;
	v6 =	vld [tilespmem:s19+$0x0]  }
0x21: {  	v0 =	vimm.s32 $0x0;
	v5 =	vimm.s32 $0x0;
	s17 =	simm.s32 @!p0 $0x0  }
0x22: {  	s18 =	simm.s32 $0x1;
	v4 =	vimm.s32 $0x0;
	s19 =	simm.s32 $0xA0;
	v7 =	vmul.u32 s17, v2;
	v2 =	vimm.s32 $0x0  }
.LBB2_2:
0x23: {  	v8 =	vld [tilespmem:s19+$0x10];
	p0 =	sne.s32 s18, $0x1F;
	v9 =	vmul.u32 s17, v1;
	s20 =	smov.u32 s18;
	s18 =	sadd.s32 $0x1, s18  }
.Ltmp0:
0x24: {  	v1 =	vld [tilespmem:s19+$0xFFFFFFE0];
	v10 =	vmul.u32 s17, v3;
	v0 =	vadd.s32 v0, v7;
	(pc) =	sbr.rel @p0 .LBB2_2-.Ltmp0, $4  }
0x25: {  	v3 =	vld [tilespmem:s19+$0xFFFFFFF0];
	v5 =	vadd.s32 v5, v9;
	v7 =	vmul.u32 s17, v6  }
0x26: {  	p1 =	slt.u32 s20, s3;
	s17 =	simm.s32 $0x1;
	v6 =	vld [tilespmem:s19+$0x0];
	v4 =	vadd.s32 v4, v10  }
0x27: {  	s17 =	simm.s32 @!p1 $0x0;
	v2 =	vadd.s32 v2, v7  }
0x28: {  	s19 =	sadd.s32 $0x80, s19;
	v7 =	vmul.u32 s17, v8  }
0x29: {  	v8 =	vld [tilespmem:$0x1080];
	_ =	sdelay $0x1  }
0x2a: {  	v1 =	vmul.u32 s17, v1  }
0x2b: {  	v3 =	vmul.u32 s17, v3;
	v0 =	vadd.s32 v0, v7  }
0x2c: {  	v1 =	vadd.s32 v5, v1;
	v15 =	vmul.u32 s17, v6;
	[tilespmem:$0x1030] =	vst v0  }
0x2d: {  	v3 =	vadd.s32 v4, v3;
	[tilespmem:$0x1000] =	vst v1  }
0x2e: {  	v16 =	vadd.s32 v2, v15;
	[tilespmem:$0x1010] =	vst v3  }
0x2f: {  	v17 =	vld [tilespmem:$0x1180];
	[tilespmem:$0x1020] =	vst v16  }
0x30: {  	v0 =	vld.idx.msk [tilespmem:v8+s14+$0x0], $0xffff  }
0x31: {  	v18 =	vld [tilespmem:$0x1090]  }
0x32: {  	v19 =	vld [tilespmem:$0x1280];
	_ =	sdelay $0x2  }
0x33: {  	v0 =	vadd.s32 v0, v17  }
0x34: {  	vm0 =	vlt.s32 v0, $0x80  }
0x35: {  	v0 =	vnsel vm0, $0x0, v19  }
0x36: {  	v20 =	vld [tilespmem:$0x1190];
	[tilespmem:$0x1380] =	vst v0  }
0x37: {  	v0 =	vld.idx.msk [tilespmem:v18+s14+$0x0], $0xffff  }
0x38: {  	v21 =	vld [tilespmem:$0x10A0]  }
0x39: {  	v22 =	vld [tilespmem:$0x1290];
	_ =	sdelay $0x2  }
0x3a: {  	v0 =	vadd.s32 v0, v20  }
0x3b: {  	vm13 =	vlt.s32 v0, $0x80  }
0x3c: {  	v0 =	vnsel vm13, $0x0, v22  }
0x3d: {  	v23 =	vld [tilespmem:$0x11A0];
	[tilespmem:$0x1390] =	vst v0  }
0x3e: {  	v0 =	vld.idx.msk [tilespmem:v21+s14+$0x0], $0xffff  }
0x3f: {  	v24 =	vld [tilespmem:$0x10B0]  }
0x40: {  	v25 =	vld [tilespmem:$0x12A0];
	_ =	sdelay $0x2  }
0x41: {  	v0 =	vadd.s32 v0, v23  }
0x42: {  	vm14 =	vlt.s32 v0, $0x80  }
0x43: {  	v0 =	vnsel vm14, $0x0, v25  }
0x44: {  	v26 =	vld [tilespmem:$0x11B0];
	[tilespmem:$0x13A0] =	vst v0  }
0x45: {  	v0 =	vld.idx.msk [tilespmem:v24+s14+$0x0], $0xffff  }
0x46: {  	v27 =	vld [tilespmem:$0x10C0]  }
0x47: {  	v28 =	vld [tilespmem:$0x12B0];
	_ =	sdelay $0x2  }
0x48: {  	v0 =	vadd.s32 v0, v26  }
0x49: {  	vm15 =	vlt.s32 v0, $0x80  }
0x4a: {  	v0 =	vnsel vm15, $0x0, v28  }
0x4b: {  	v29 =	vld [tilespmem:$0x11C0];
	[tilespmem:$0x13B0] =	vst v0  }
0x4c: {  	v0 =	vld.idx.msk [tilespmem:v27+s14+$0x0], $0xffff  }
0x4d: {  	v30 =	vld [tilespmem:$0x10D0]  }
0x4e: {  	v31 =	vld [tilespmem:$0x12C0];
	_ =	sdelay $0x2  }
0x4f: {  	v0 =	vadd.s32 v0, v29  }
0x50: {  	vm4 =	vlt.s32 v0, $0x80  }
0x51: {  	v0 =	vnsel vm4, $0x0, v31  }
0x52: {  	v32 =	vld [tilespmem:$0x11D0];
	[tilespmem:$0x13C0] =	vst v0  }
0x53: {  	v0 =	vld.idx.msk [tilespmem:v30+s14+$0x0], $0xffff  }
0x54: {  	v33 =	vld [tilespmem:$0x10E0]  }
0x55: {  	v34 =	vld [tilespmem:$0x12D0];
	_ =	sdelay $0x2  }
0x56: {  	v0 =	vadd.s32 v0, v32  }
0x57: {  	vm5 =	vlt.s32 v0, $0x80  }
0x58: {  	v0 =	vnsel vm5, $0x0, v34  }
0x59: {  	v35 =	vld [tilespmem:$0x11E0];
	[tilespmem:$0x13D0] =	vst v0  }
0x5a: {  	v0 =	vld.idx.msk [tilespmem:v33+s14+$0x0], $0xffff  }
0x5b: {  	v36 =	vld [tilespmem:$0x10F0]  }
0x5c: {  	v37 =	vld [tilespmem:$0x12E0];
	_ =	sdelay $0x2  }
0x5d: {  	v0 =	vadd.s32 v0, v35  }
0x5e: {  	vm6 =	vlt.s32 v0, $0x80  }
0x5f: {  	v0 =	vnsel vm6, $0x0, v37  }
0x60: {  	v38 =	vld [tilespmem:$0x11F0];
	[tilespmem:$0x13E0] =	vst v0  }
0x61: {  	v0 =	vld.idx.msk [tilespmem:v36+s14+$0x0], $0xffff  }
0x62: {  	v39 =	vld [tilespmem:$0x1100]  }
0x63: {  	v40 =	vld [tilespmem:$0x12F0];
	_ =	sdelay $0x2  }
0x64: {  	v0 =	vadd.s32 v0, v38  }
0x65: {  	vm7 =	vlt.s32 v0, $0x80  }
0x66: {  	v0 =	vnsel vm7, $0x0, v40  }
0x67: {  	v41 =	vld [tilespmem:$0x1200];
	[tilespmem:$0x13F0] =	vst v0  }
0x68: {  	v0 =	vld.idx.msk [tilespmem:v39+s14+$0x0], $0xffff  }
0x69: {  	v42 =	vld [tilespmem:$0x1110]  }
0x6a: {  	v43 =	vld [tilespmem:$0x1300];
	_ =	sdelay $0x2  }
0x6b: {  	v0 =	vadd.s32 v0, v41  }
0x6c: {  	vm8 =	vlt.s32 v0, $0x80  }
0x6d: {  	v0 =	vnsel vm8, $0x0, v43  }
0x6e: {  	v44 =	vld [tilespmem:$0x1210];
	[tilespmem:$0x1400] =	vst v0  }
0x6f: {  	v0 =	vld.idx.msk [tilespmem:v42+s14+$0x0], $0xffff  }
0x70: {  	v45 =	vld [tilespmem:$0x1120]  }
0x71: {  	v46 =	vld [tilespmem:$0x1310];
	_ =	sdelay $0x2  }
0x72: {  	v0 =	vadd.s32 v0, v44  }
0x73: {  	vm9 =	vlt.s32 v0, $0x80  }
0x74: {  	v0 =	vnsel vm9, $0x0, v46  }
0x75: {  	v47 =	vld [tilespmem:$0x1220];
	[tilespmem:$0x1410] =	vst v0  }
0x76: {  	v0 =	vld.idx.msk [tilespmem:v45+s14+$0x0], $0xffff  }
0x77: {  	v48 =	vld [tilespmem:$0x1130]  }
0x78: {  	v49 =	vld [tilespmem:$0x1320];
	_ =	sdelay $0x2  }
0x79: {  	v0 =	vadd.s32 v0, v47  }
0x7a: {  	vm10 =	vlt.s32 v0, $0x80  }
0x7b: {  	v0 =	vnsel vm10, $0x0, v49  }
0x7c: {  	v50 =	vld [tilespmem:$0x1230];
	[tilespmem:$0x1420] =	vst v0  }
0x7d: {  	v0 =	vld.idx.msk [tilespmem:v48+s14+$0x0], $0xffff  }
0x7e: {  	v51 =	vld [tilespmem:$0x1140]  }
0x7f: {  	v52 =	vld [tilespmem:$0x1330];
	_ =	sdelay $0x2  }
0x80: {  	v0 =	vadd.s32 v0, v50  }
0x81: {  	vm11 =	vlt.s32 v0, $0x80  }
0x82: {  	v0 =	vnsel vm11, $0x0, v52  }
0x83: {  	v53 =	vld [tilespmem:$0x1240];
	[tilespmem:$0x1430] =	vst v0  }
0x84: {  	v0 =	vld.idx.msk [tilespmem:v51+s14+$0x0], $0xffff  }
0x85: {  	v54 =	vld [tilespmem:$0x1150]  }
0x86: {  	v55 =	vld [tilespmem:$0x1340];
	_ =	sdelay $0x2  }
0x87: {  	v0 =	vadd.s32 v0, v53  }
0x88: {  	vm12 =	vlt.s32 v0, $0x80  }
0x89: {  	v0 =	vnsel vm12, $0x0, v55  }
0x8a: {  	v56 =	vld [tilespmem:$0x1250];
	[tilespmem:$0x1440] =	vst v0  }
0x8b: {  	v0 =	vld.idx.msk [tilespmem:v54+s14+$0x0], $0xffff  }
0x8c: {  	v57 =	vld [tilespmem:$0x1160]  }
0x8d: {  	v58 =	vld [tilespmem:$0x1350];
	_ =	sdelay $0x2  }
0x8e: {  	v0 =	vadd.s32 v0, v56  }
0x8f: {  	vm13 =	vlt.s32 v0, $0x80  }
0x90: {  	v0 =	vnsel vm13, $0x0, v58  }
0x91: {  	v59 =	vld [tilespmem:$0x1260];
	[tilespmem:$0x1450] =	vst v0  }
0x92: {  	v0 =	vld.idx.msk [tilespmem:v57+s14+$0x0], $0xffff  }
0x93: {  	v60 =	vld [tilespmem:$0x1170]  }
0x94: {  	v61 =	vld [tilespmem:$0x1360];
	_ =	sdelay $0x2  }
0x95: {  	v0 =	vadd.s32 v0, v59  }
0x96: {  	vm14 =	vlt.s32 v0, $0x80  }
0x97: {  	v0 =	vnsel vm14, $0x0, v61  }
0x98: {  	v62 =	vld [tilespmem:$0x1270];
	[tilespmem:$0x1460] =	vst v0  }
0x99: {  	v0 =	vld.idx.msk [tilespmem:v60+s14+$0x0], $0xffff;
	_ =	sdelay $0x1  }
0x9a: {  	v63 =	vld [tilespmem:$0x1370];
	_ =	sdelay $0x2  }
0x9b: {  	v0 =	vadd.s32 v0, v62  }
0x9c: {  	s16 =	sadd.s32 $0x1, s16;
	vm15 =	vlt.s32 v0, $0x80  }
0x9d: {  	p0 =	sne.s32 s16, s9;
	v0 =	vnsel vm15, $0x0, v63  }
.Ltmp1:
0x9e: {  	[tilespmem:$0x1470] =	vst v0;
	(pc) =	sbr.rel @p0 .LBB2_1-.Ltmp1, $4  }
0x9f: {  	[hbm4b:s8+s2] =	stream.linear.scatter [tilespmem:s15], [sflag:$0x1], $0x100, $0x38;
	[tilespmem:$0x1480] =	vst v63  }
0xa0: {  	_ =	swait.ge [sflag:s10], $0x100  }
0xa1: {  	[sflag:s10] =	ssyncset.done $0x0  }
0xa2: {  	[sflag:s10] =	ssyncadd.s32 $0xFFFFFF00  }
0xa3: {  	_ =	sfence.sel $0x180000  }
0xa4: {  	[bflag:$0x0] =	sbarrier.arrive $0xFFFF  }
0xa5: {  	p0 =	sne.s32 s1, $0x0;
	_ =	strace $0x9000004A  }
0xa6: {  	s0 =	sadd.s32 @!p0 $0x100000, s0;
	[bflag:$0x2] =	sbarrier.arrive $0xFFFF  }
0xa7: {  	[sflag:s0] =	ssyncadd.tile.s32 @!p0 $0x1;
	_ =	shalt  }
.Lfunc_end2:
_tile_overlayer_lowered:
.L_overlay_start_2:
0xa8: {  	(tag) =	ssettag $0x2  }
0xa9: {  	s0 =	rddreg [dreg:$0x0];
	s2 =	stileid.u32  }
0xaa: {  	s1 =	rddreg [dreg:$0x1];
	p0 =	sne.s32 s2, $0x0  }
0xab: {  	s3 =	rddreg [dreg:$0x2];
	[bflag:$0x3] =	sbarrier.arrive $0xFFFF;
	s2 =	simm.s32 @!p0 $0x1C01  }
0xac: {  	[timem:s3], [sflag:s2] =	dma.local @!p0 [hbm:s0], s1  }
0xad: {  	s0 =	simm.s32 @!p0 $0x1  }
0xae: {  	_ =	swait.ge @!p0 [sflag:s0], s1  }
0xaf: {  	s1 =	ssub.s32 @!p0 $0x0, s1;
	[sflag:s0] =	ssyncset.done @!p0 $0x0  }
0xb0: {  	[sflag:s0] =	ssyncadd.s32 @!p0 s1  }
0xb1: {  	[bflag:$0x3] =	sbarrier.arrive $0xFFFF  }
0xb2: {  	_ =	shalt  }

// kernel: kernel.9.cloned.1.call-start
scs
__scs_entry_jumppad:
0x0: {  	(pc) =	sbr.rel $0x88, $3  }
0x1: {  	(tag) =	ssettag $0x0;
	lr =	simm.s32 $0x1  }
0x2: {  	[smem:$0x3F9B] =	sst lr;
	_ =	strace $0xD0000000  }
0x3: {  	_ = 	snop  }
0x4: {  	_ = 	snop  }
0x5: {  	_ = 	snop  }
0x6: {  	_ = 	snop  }
0x7: {  	_ = 	snop  }
__scs_overlays_trampoline_lowered:
0x8: {  	[smem:$0x3FAA] =	sst s0  }
0x9: {  	[smem:$0x3FAB] =	sst s1  }
0xa: {  	[smem:$0x3FAC] =	sst s2  }
0xb: {  	[smem:$0x3FAD] =	sst s3  }
0xc: {  	[smem:$0x3FAE] =	sst s4  }
0xd: {  	[smem:$0x3FAF] =	sst s5  }
0xe: {  	[smem:$0x3FB0] =	sst s6  }
0xf: {  	[smem:$0x3FB1] =	sst s7  }
0x10: {  	[smem:$0x3FB2] =	sst s8  }
0x11: {  	[smem:$0x3FB3] =	sst s9;
	s0 =	simm.s32 @!p0 $0x0  }
0x12: {  	s1 =	sld [smem:$0x3F99];
	s0 =	simm.s32 @p0 $0x1  }
0x13: {  	[smem:$0x3FB4] =	sst s0;
	s0 =	simm.s32 @!p1 $0x0  }
0x14: {  	s2 =	sld [smem:$0x3F98];
	s0 =	simm.s32 @p1 $0x1  }
0x15: {  	[smem:$0x3FB5] =	sst s0;
	s0 =	simm.s32 @!p2 $0x0  }
0x16: {  	s3 =	sld [smem:$0x3FDB];
	s0 =	simm.s32 @p2 $0x1  }
0x17: {  	s4 =	simm.s32 $0x1BF5;
	[smem:$0x3FB7] =	sst s0  }
0x18: {  	s0 =	sld [smem:$0x3F9A];
	_ =	swait.ge [sflag:s4], $0x0  }
0x19: {  	s7 =	sld [smem:$0x3F9B]  }
0x1a: {  	s8 =	sadd.s32 $0xFFFFE003, lr  }
0x1b: {  	s9 =	sadd.s32 $0xFFFFFEF7, lr;
	s5 =	simm.s32 $0xFFFFFFFF;
	p2 =	slt.u32 s8, $0xFFFFF086  }
0x1c: {  	p1 =	slt.u32 s9, $0xF7A;
	s5 =	simm.s32 @!p2 $0x0  }
0x1d: {  	s5 =	simm.s32 @p1 $0x1;
	p0 =	seq.s32 s7, s2  }
0x1e: {  	s7 =	smul.u32 @!p0 $0xF7A, s2;
	p2 =	seq.s32 @!p0 s5, $0x0  }
0x1f: {  	s9 =	smul.u32 $0xF7A, s1;
	s8 =	simm.s32 @!p0 $0x1BF5;
	p2 =	por !p2, p0  }
0x20: {  	[sflag:s8] =	ssyncset.s32 @!p0 $0xFFFFF086;
	s6 =	sadd.s32 @!p0 s3, s7;
	s7 =	simm.s32 @!p0 $0x108  }
0x21: {  	s3 =	sadd.s32 s3, s9;
	s6 =	sadd.s32 @!p0 $0x88, s6;
	s7 =	simm.s32 @p2 $0x1082  }
0x22: {  	[simem:s7], [sflag:s8] =	dma.local @!p0 [hbm:s6], $0xF7A  }
0x23: {  	s9 =	sor.u32 $0xD0000000, s2;
	s6 =	simm.s32 $0x108;
	_ =	swait.ge @!p0 [sflag:s8], $0x0  }
0x24: {  	s3 =	sadd.s32 $0x88, s3;
	s6 =	simm.s32 @!p1 $0x1082;
	[sflag:s4] =	ssyncset.s32 $0xFFFFF086  }
0x25: {  	[simem:s6], [sflag:s4] =	dma.local [hbm:s3], $0xF7A  }
0x26: {  	[smem:$0x3F9B] =	sst s1;
	(tag) =	ssettag s2;
	_ =	strace s9  }
0x27: {  	s1 =	sld [smem:$0x3FAB]  }
0x28: {  	s2 =	sld [smem:$0x3FAC]  }
0x29: {  	s4 =	sld [smem:$0x3FAE]  }
0x2a: {  	p0 =	seq.s32 s5, $0x0;
	s5 =	sld [smem:$0x3FAF]  }
0x2b: {  	s6 =	sld [smem:$0x3FB0]  }
0x2c: {  	s7 =	sld [smem:$0x3FB1]  }
0x2d: {  	s3 =	simm.s32 $0x108;
	s8 =	sld [smem:$0x3FB2]  }
0x2e: {  	s3 =	simm.s32 @!p0 $0x1082;
	s9 =	sld [smem:$0x3FB3]  }
0x2f: {  	lr =	sadd.s32 s0, s3;
	s0 =	sld [smem:$0x3FAA]  }
0x30: {  	s3 =	sld [smem:$0x3FAD]  }
0x31: {  	[smem:$0x3FB6] =	sst s10  }
0x32: {  	s10 =	sld [smem:$0x3FB4];
	_ =	sdelay $0x3  }
0x33: {  	p0 =	seq.s32 s10, $0x1;
	s10 =	sld [smem:$0x3FB6];
	_ =	sdelay $0x3  }
0x34: {  	[smem:$0x3FB6] =	sst s10  }
0x35: {  	s10 =	sld [smem:$0x3FB5];
	_ =	sdelay $0x3  }
0x36: {  	p1 =	seq.s32 s10, $0x1;
	s10 =	sld [smem:$0x3FB6];
	_ =	sdelay $0x3  }
0x37: {  	[smem:$0x3FB6] =	sst s10  }
0x38: {  	s10 =	sld [smem:$0x3FB7]  }
0x39: {  	_ = 	snop;
	(pc) =	sbr.ind lr, $3  }
0x3a: {  	_ = 	snop  }
0x3b: {  	_ = 	snop  }
0x3c: {  	p2 =	seq.s32 s10, $0x1;
	s10 =	sld [smem:$0x3FB6]  }
0x3d: {  	_ =	shalt  }
0x3e: {  	_ =	shalt  }
0x3f: {  	_ =	shalt  }
0x40: {  	_ =	shalt  }
0x41: {  	_ =	shalt  }
0x42: {  	_ =	shalt  }
0x43: {  	_ =	shalt  }
0x44: {  	_ =	shalt  }
0x45: {  	_ =	shalt  }
0x46: {  	_ =	shalt  }
0x47: {  	_ =	shalt  }
0x48: {  	_ =	shalt  }
0x49: {  	_ =	shalt  }
0x4a: {  	_ =	shalt  }
0x4b: {  	_ =	shalt  }
0x4c: {  	_ =	shalt  }
0x4d: {  	_ =	shalt  }
0x4e: {  	_ =	shalt  }
0x4f: {  	_ =	shalt  }
0x50: {  	_ =	shalt  }
0x51: {  	_ =	shalt  }
0x52: {  	_ =	shalt  }
0x53: {  	_ =	shalt  }
0x54: {  	_ =	shalt  }
0x55: {  	_ =	shalt  }
0x56: {  	_ =	shalt  }
0x57: {  	_ =	shalt  }
0x58: {  	_ =	shalt  }
0x59: {  	_ =	shalt  }
0x5a: {  	_ =	shalt  }
0x5b: {  	_ =	shalt  }
0x5c: {  	_ =	shalt  }
0x5d: {  	_ =	shalt  }
0x5e: {  	_ =	shalt  }
0x5f: {  	_ =	shalt  }
0x60: {  	_ =	shalt  }
0x61: {  	_ =	shalt  }
0x62: {  	_ =	shalt  }
0x63: {  	_ =	shalt  }
0x64: {  	_ =	shalt  }
0x65: {  	_ =	shalt  }
0x66: {  	_ =	shalt  }
0x67: {  	_ =	shalt  }
0x68: {  	_ =	shalt  }
0x69: {  	_ =	shalt  }
0x6a: {  	_ =	shalt  }
0x6b: {  	_ =	shalt  }
0x6c: {  	_ =	shalt  }
0x6d: {  	_ =	shalt  }
0x6e: {  	_ =	shalt  }
0x6f: {  	_ =	shalt  }
0x70: {  	_ =	shalt  }
0x71: {  	_ =	shalt  }
0x72: {  	_ =	shalt  }
0x73: {  	_ =	shalt  }
0x74: {  	_ =	shalt  }
0x75: {  	_ =	shalt  }
0x76: {  	_ =	shalt  }
0x77: {  	_ =	shalt  }
0x78: {  	_ =	shalt  }
0x79: {  	_ =	shalt  }
0x7a: {  	_ =	shalt  }
0x7b: {  	_ =	shalt  }
0x7c: {  	_ =	shalt  }
0x7d: {  	_ =	shalt  }
0x7e: {  	_ =	shalt  }
0x7f: {  	_ =	shalt  }
0x80: {  	_ =	shalt  }
0x81: {  	_ =	shalt  }
0x82: {  	_ =	shalt  }
0x83: {  	_ =	shalt  }
0x84: {  	_ =	shalt  }
0x85: {  	_ =	shalt  }
0x86: {  	_ =	shalt  }
0x87: {  	_ =	shalt  }
.Lfunc_end0:
.L_simem_size_0:
called_computation_lowered:
.L_overlay_start_0:
0x88: {  	s2 =	sld [smem:$0x3FD9]  }
0x89: {  	s3 =	sld [smem:$0x3FFE];
	_ =	sdelay $0x1  }
0x8a: {  	s1 =	srdreg.scid  }
0x8b: {  	s0 =	sand.u32 $0x1, s1  }
0x8c: {  	s16 =	sshll.u32 s0, $0xA;
	s2 =	sadd.s32 s3, s2  }
0x8d: {  	s2 =	sadd.s32 s2, s16  }
0x8e: {  	[smem:$0x3FC2] =	sst s2  }
0x8f: {  	_ = 	snop  }
0x90: {  	(tm) =	ssettm $0x1  }
0x91: {  	s17 =	sld [smem:$0x3FFB];
	_ =	sdelay $0x3  }
0x92: {  	_ =	strace s17  }
0x93: {  	s2 =	sld [smem:$0x3FFC];
	_ =	sdelay $0x3  }
0x94: {  	_ =	strace s2  }
0x95: {  	s2 =	sld [smem:$0x3FFD];
	_ =	sdelay $0x3  }
0x96: {  	_ =	strace s2  }
0x97: {  	_ =	strace $0x8FFFFFFF  }
0x98: {  	s18 =	sld [smem:$0x3FDB];
	_ =	sdelay $0x1  }
0x99: {  	s19 =	simm.s32 $_scs_section_size  }
0x9a: {  	s4 =	simm.s32 $_size__tile_overlayer_lowered;
	s5 =	simm.s32 $_tile_overlayer_lowered  }
0x9b: {  	s22 =	simm.s32 $0x1BFF;
	s21 =	sshll.u32 s5, $0x1;
	s2 =	sadd.s32 s19, s18  }
0x9c: {  	s6 =	simm.s32 $0x0;
	s20 =	sshll.u32 s4, $0x1;
	s4 =	sadd.s32 s21, s2  }
0x9d: {  	[timem:s6], [sflag:s22] =	dma.local [hbm:s4], s20  }
0x9e: {  	_ =	swait.ge [sflag:s22], s20  }
0x9f: {  	s3 =	ssub.s32 $0x0, s20;
	[sflag:s22] =	ssyncset.done $0x0  }
0xa0: {  	[sflag:s22] =	ssyncadd.s32 s3;
	_ =	sdelay $0x1  }
0xa1: {  	s23 =	simm.s32 $0x1B8B  }
0xa2: {  	_ =	swait.ge [sflag:s23], $0x1  }
0xa3: {  	[sflag:s23] =	ssyncset.done $0x0  }
0xa4: {  	s25 =	simm.s32 $0x1B8E;
	s24 =	sld [smem:$0x3FFE];
	[sflag:s23] =	ssyncadd.s32 $0xFFFFFFFF  }
0xa5: {  	s26 =	simm.s32 $execute0_lowered;
	[smem:$0x3FD2] =	sst s25  }
0xa6: {  	s4 =	sshll.u32 s26, $0x1;
	_ =	strace $0x80000046;
	[dreg:$0x1] =	wrdreg $0xFFFFFFFF  }
0xa7: {  	s28 =	simm.s32 $_size_execute0_lowered;
	s2 =	sadd.s32 s2, s4;
	[dreg:$0x0] =	wrdreg $0x0  }
0xa8: {  	s4 =	sshll.u32 s28, $0x1;
	[dreg:$0x2] =	wrdreg s2  }
0xa9: {  	[dreg:$0x3] =	wrdreg s4  }
0xaa: {  	[dreg:$0x4] =	wrdreg $0xC0  }
0xab: {  	_ =	task [dreg:s6], $0x5FFFF  }
0xac: {  	[dreg:$0x1] =	wrdreg $0xFFFFFFFF  }
0xad: {  	[dreg:$0x0] =	wrdreg $0x60  }
0xae: {  	[dreg:$0x2] =	wrdreg s24  }
0xaf: {  	[dreg:$0x3] =	wrdreg $0x9  }
0xb0: {  	_ =	task.clear_ibuf [dreg:s6], $0x4FFFF;
	_ =	strace $0x90000046  }
0xb1: {  	s29 =	simm.s32 $0x9;
	_ =	strace $0x80000048  }
0xb2: {  	_ =	swait.ge [sflag:s29], $0x1  }
0xb3: {  	[sflag:s29] =	ssyncadd.s32 $0xFFFFFFFF  }
0xb4: {  	_ =	strace $0x90000048  }
0xb5: {  	_ =	sfence  }
0xb6: {  	s30 =	sld [smem:$0x0];
	_ =	sdelay $0x2  }
0xb7: {  	s31 =	sshll.u32 s1, $0xD;
	s1 =	sshrl.u32 s1, $0x2  }
0xb8: {  	s3 =	sand.u32 $0x4000, s31;
	s1 =	sadd.s32 s1, s30  }
0xb9: {  	s0 =	sor.u32 s3, s0;
	s1 =	sshll.u32 s1, $0x11  }
0xba: {  	s0 =	sor.u32 s1, s0  }
0xbb: {  	s0 =	sadd.s32 $0x8F2B, s0  }
0xbc: {  	[sflag:s0] =	ssyncadd.remote.s32 $0x1  }
0xbd: {  	_ =	sfence.sel $0xFFFF  }
0xbe: {  	[dreg:$0x0] =	wrdreg $0xFFFFFFFF;
	(pc) =	sbr.abs _section_cstart, $3  }
0xbf: {  	[dreg:$0x1] =	wrdreg $0xFFFFFFFF  }
0xc0: {  	_ =	task.clear_ibuf [dreg:s6], $0x2FFFF;
	_ =	strace $0x9FFFFFFF  }
0xc1: {  	(tm) =	ssettm $0x7FFFFFFF  }
tec
execute0_lowered:
.L_overlay_start_1:
0x0: {  	(tag) =	ssettag $0x1  }
0x1: {  	s1 =	srdreg.scid  }
0x2: {  	s0 =	stileid.u32;
	s3 =	rddreg [dreg:$0x0];
	s2 =	simm.s32 $0x0  }
0x3: {  	s10 =	simm.s32 $0x4000;
	s11 =	simm.s32 $0x4100;
	s12 =	simm.s32 $0x4200  }
0x4: {  	s13 =	simm.s32 $0x4300;
	s4 =	sand.u32 $0x1, s1;
	s1 =	rddreg [dreg:$0x1]  }
0x5: {  	s14 =	simm.s32 $0x0;
	s5 =	sshll.u32 s0, $0x1;
	[smem:$0x7FF] =	sst s2  }
0x6: {  	s5 =	sor.u32 s4, s5;
	_ =	strace $0x80000047;
	s4 =	ssub.s32 $0x2, s4  }
0x7: {  	s6 =	sshll.u32 s5, $0xB;
	s7 =	sshll.u32 s5, $0x5;
	s5 =	sshll.u32 s5, $0x4  }
0x8: {  	s8 =	sshrl.u32 s4, $0x1;
	s6 =	sadd.s32 s6, s3;
	s7 =	sadd.s32 s7, s3  }
0x9: {  	s9 =	sadd.s32 s5, s3;
	s8 =	ssub.s32 s4, s8;
	s3 =	sadd.s32 $0x1400, s6  }
0xa: {  	s4 =	sadd.s32 $0x11E00, s7;
	s5 =	sadd.s32 $0x11400, s7;
	s6 =	sadd.s32 $0x11800, s7  }
0xb: {  	v0 =	vimm.s32 $0x0;
	v1 =	vlaneseq.u32;
	s7 =	sadd.s32 $0x11C00, s9;
	s8 =	smax.u32 s8, $0x1;
	s9 =	simm.s32 $0x1  }
.LBB2_1:
0xc: {  	[tilespmem:s2], [sflag:$0x1] =	stream.linear.gather [hbm4b:s3+s2], $0x4000, $0x38;
	[tilespmem:$0x4380] =	vst v63  }
0xd: {  	_ =	swait.ge [sflag:s9], $0x4000  }
0xe: {  	s15 =	sand.u32 $0x3800, s2;
	s16 =	sand.u32 $0x380, s2;
	[sflag:s9] =	ssyncset.done $0x0  }
0xf: {  	s15 =	sor.u32 s16, s15;
	[sflag:s9] =	ssyncadd.s32 $0xFFFFC000  }
0x10: {  	v2 =	vld [tilespmem:s15+$0x0];
	_ =	sdelay $0x2  }
0x11: {  	s17 =	simm.s32 $0x80;
	s18 =	simm.s32 $0x100  }
0x12: {  	v3 =	vimm.f32 $-Inf;
	s19 =	simm.s32 $0x2;
	s31 =	sand.u32 $0x3800, s18;
	s20 =	sand.u32 $0x380, s17  }
0x13: {  	v4 =	vimm.s32 $0x0;
	s16 =	simm.s32 $0x0;
	s20 =	sor.u32 s20, s31;
	s15 =	simm.s32 $0x1;
	vm0 =	vgt.f32 v2, v3;
	v2 =	vmax.f32 v3, v2  }
.LBB2_2:
0x14: {  	p0 =	sne.s32 s19, $0x3F  }
0x15: {  	v3 =	vld [tilespmem:s20+$0x0];
	v4 =	vsel vm0, s16, v4;
	s16 =	smov.u32 s15;
	s15 =	smov.u32 s19;
	s19 =	sadd.s32 $0x1, s19  }
.Ltmp0:
0x16: {  	(pc) =	sbr.rel @p0 .LBB2_2-.Ltmp0, $4  }
0x17: {  	_ = 	snop  }
0x18: {  	s17 =	sadd.s32 $0x80, s17;
	s18 =	sadd.s32 $0x100, s18  }
0x19: {  	s20 =	sand.u32 $0x3800, s18;
	s21 =	sand.u32 $0x380, s17  }
0x1a: {  	s20 =	sor.u32 s21, s20;
	vm0 =	vgt.f32 v3, v2;
	v2 =	vmax.f32 v2, v3  }
0x1b: {  	s17 =	simm.s32 $0x0  }
0x1c: {  	s18 =	sand.u32 $0x3800, s17;
	s17 =	sand.u32 $0x380, s17  }
0x1d: {  	v5 =	vld [tilespmem:s20+$0x0];
	s17 =	sor.u32 s17, s18  }
0x1e: {  	v6 =	vld [tilespmem:s17+$0x0];
	_ =	sdelay $0x2  }
0x1f: {  	s19 =	simm.s32 $0x100;
	s28 =	simm.s32 $0x80  }
0x20: {  	s29 =	sand.u32 $0x3800, s19;
	s18 =	sand.u32 $0x380, s28;
	v3 =	vmax.f32 v2, v5  }
0x21: {  	s17 =	sor.u32 s18, s29;
	v6 =	vsub.f32 v6, v3  }
0x22: {  	v7 =	vld [tilespmem:s17+$0x0]  }
0x23: {  	vm15 =	vgt.f32 v5, v2;
	v5 =	vmul.f32 $1.442695020e+00, v6;
	_ =	sdelay $0x1  }
0x24: {  	v4 =	vsel vm0, s16, v4;
	s30 =	simm.s32 $0x200;
	s16 =	simm.s32 $0x100;
	(erf) = vpow2.f32 v5  }
0x25: {  	s31 =	sand.u32 $0x380, s16;
	s17 =	sand.u32 $0x3800, s30  }
0x26: {  	s17 =	sor.u32 s31, s17;
	v6 =	vsub.f32 v7, v3  }
0x27: {  	v5 =	vld [tilespmem:s17+$0x0]  }
0x28: {  	v2 =	vsel vm15, s15, v4;
	v4 =	vimm.f32 $0.0e+00;
	s15 =	simm.s32 $0x300;
	v6 =	vmul.f32 $1.442695020e+00, v6  }
.LBB2_4:
0x29: {  	p0 =	sne.s32 s15, $0x3F00  }
.Ltmp1:
0x2a: {  	s17 =	sand.u32 $0x3800, s15;
	s16 =	sadd.s32 $0x80, s16;
	(erf) = vpow2.f32 v6;
	(pc) =	sbr.rel @p0 .LBB2_4-.Ltmp1, $4  }
0x2b: {  	s15 =	sadd.s32 $0x100, s15;
	s18 =	sand.u32 $0x380, s16  }
0x2c: {  	s17 =	sor.u32 s18, s17;
	v6 =	vsub.f32 v5, v3  }
0x2d: {  	v5 =	vld [tilespmem:s17+$0x0];
	v7 =	vpop (erf)  }
0x2e: {  	v6 =	vmul.f32 $1.442695020e+00, v6;
	v4 =	vadd.f32 v7, v4  }
0x2f: {  	_ =	sdelay $0x2  }
0x30: {  	v3 =	vsub.f32 v5, v3;
	_ =	sdelay $0x1  }
0x31: {  	(erf) = vpow2.f32 v6;
	v3 =	vmul.f32 $1.442695020e+00, v3;
	_ =	sdelay $0x1  }
0x32: {  	(erf) = vpow2.f32 v3;
	_ =	sdelay $0x4  }
0x33: {  	v3 =	vpop (erf)  }
0x34: {  	v3 =	vadd.f32 v3, v4  }
0x35: {  	v4 =	vpop (erf)  }
0x36: {  	v3 =	vadd.f32 v4, v3  }
0x37: {  	v4 =	vpop (erf)  }
0x38: {  	v3 =	vadd.f32 v4, v3;
	_ =	sdelay $0x1  }
0x39: {  	(erf) = vrcp.f32 v3;
	_ =	sdelay $0x7  }
0x3a: {  	s15 =	simm.s32 $0x0  }
0x3b: {  	[tilespmem:$0x4000] =	vst v2;
	s16 =	sand.u32 $0x3800, s15;
	s17 =	sand.u32 $0x380, s15;
	v2 =	vpop (erf)  }
0x3c: {  	s17 =	sor.u32 s17, s16;
	[tilespmem:$0x4100] =	vst v2  }
0x3d: {  	v3 =	vld [tilespmem:s17+$0x10];
	_ =	sdelay $0x2  }
0x3e: {  	s18 =	simm.s32 $0x80;
	s19 =	simm.s32 $0x100  }
0x3f: {  	s21 =	sand.u32 $0x3800, s19;
	s22 =	sand.u32 $0x380, s18;
	v4 =	vimm.f32 $-Inf  }
0x40: {  	s20 =	simm.s32 $0x2;
	s16 =	simm.s32 $0x1;
	s21 =	sor.u32 s22, s21;
	v2 =	vimm.s32 $0x0;
	vm0 =	vgt.f32 v3, v4;
	v4 =	vmax.f32 v4, v3  }
.LBB2_6:
0x41: {  	p0 =	sne.s32 s20, $0x3F  }
0x42: {  	v3 =	vld [tilespmem:s21+$0x10];
	v2 =	vsel vm0, s15, v2;
	s15 =	smov.u32 s16;
	s16 =	smov.u32 s20;
	s20 =	sadd.s32 $0x1, s20  }
.Ltmp2:
0x43: {  	(pc) =	sbr.rel @p0 .LBB2_6-.Ltmp2, $4  }
0x44: {  	_ = 	snop  }
0x45: {  	s18 =	sadd.s32 $0x80, s18;
	s19 =	sadd.s32 $0x100, s19  }
0x46: {  	s21 =	sand.u32 $0x3800, s19;
	s22 =	sand.u32 $0x380, s18  }
0x47: {  	s21 =	sor.u32 s22, s21;
	vm0 =	vgt.f32 v3, v4;
	v4 =	vmax.f32 v4, v3  }
0x48: {  	v5 =	vld [tilespmem:s21+$0x10]  }
0x49: {  	v6 =	vld [tilespmem:s17+$0x10];
	_ =	sdelay $0x2  }
0x4a: {  	s18 =	simm.s32 $0x100;
	s19 =	simm.s32 $0x80  }
0x4b: {  	s28 =	sand.u32 $0x3800, s18;
	s29 =	sand.u32 $0x380, s19;
	v3 =	vmax.f32 v4, v5  }
0x4c: {  	s17 =	sor.u32 s29, s28;
	v6 =	vsub.f32 v6, v3  }
0x4d: {  	v7 =	vld [tilespmem:s17+$0x10]  }
0x4e: {  	vm15 =	vgt.f32 v5, v4;
	v5 =	vmul.f32 $1.442695020e+00, v6;
	_ =	sdelay $0x1  }
0x4f: {  	v2 =	vsel vm0, s15, v2;
	s30 =	simm.s32 $0x200;
	s15 =	simm.s32 $0x100;
	(erf) = vpow2.f32 v5  }
0x50: {  	s31 =	sand.u32 $0x380, s15;
	s17 =	sand.u32 $0x3800, s30  }
0x51: {  	s17 =	sor.u32 s31, s17;
	v6 =	vsub.f32 v7, v3  }
0x52: {  	v5 =	vld [tilespmem:s17+$0x10]  }
0x53: {  	v4 =	vimm.f32 $0.0e+00;
	v2 =	vsel vm15, s16, v2;
	s16 =	simm.s32 $0x300;
	v6 =	vmul.f32 $1.442695020e+00, v6  }
.LBB2_8:
0x54: {  	p0 =	sne.s32 s16, $0x3F00  }
.Ltmp3:
0x55: {  	s17 =	sand.u32 $0x3800, s16;
	s15 =	sadd.s32 $0x80, s15;
	(erf) = vpow2.f32 v6;
	(pc) =	sbr.rel @p0 .LBB2_8-.Ltmp3, $4  }
0x56: {  	s16 =	sadd.s32 $0x100, s16;
	s18 =	sand.u32 $0x380, s15  }
0x57: {  	s17 =	sor.u32 s18, s17;
	v6 =	vsub.f32 v5, v3  }
0x58: {  	v5 =	vld [tilespmem:s17+$0x10];
	v7 =	vpop (erf)  }
0x59: {  	v6 =	vmul.f32 $1.442695020e+00, v6;
	v4 =	vadd.f32 v7, v4  }
0x5a: {  	_ =	sdelay $0x2  }
0x5b: {  	v3 =	vsub.f32 v5, v3;
	_ =	sdelay $0x1  }
0x5c: {  	(erf) = vpow2.f32 v6;
	v3 =	vmul.f32 $1.442695020e+00, v3;
	_ =	sdelay $0x1  }
0x5d: {  	(erf) = vpow2.f32 v3;
	_ =	sdelay $0x4  }
0x5e: {  	v3 =	vpop (erf)  }
0x5f: {  	v3 =	vadd.f32 v3, v4  }
0x60: {  	v4 =	vpop (erf)  }
0x61: {  	v3 =	vadd.f32 v4, v3  }
0x62: {  	v4 =	vpop (erf)  }
0x63: {  	v3 =	vadd.f32 v4, v3;
	_ =	sdelay $0x1  }
0x64: {  	(erf) = vrcp.f32 v3;
	_ =	sdelay $0x7  }
0x65: {  	s15 =	simm.s32 $0x0  }
0x66: {  	[tilespmem:$0x4010] =	vst v2;
	s16 =	sand.u32 $0x3800, s15;
	s17 =	sand.u32 $0x380, s15;
	v2 =	vpop (erf)  }
0x67: {  	s17 =	sor.u32 s17, s16;
	[tilespmem:$0x4110] =	vst v2  }
0x68: {  	v3 =	vld [tilespmem:s17+$0x20];
	_ =	sdelay $0x2  }
0x69: {  	s18 =	simm.s32 $0x80;
	s19 =	simm.s32 $0x100  }
0x6a: {  	s21 =	sand.u32 $0x3800, s19;
	s22 =	sand.u32 $0x380, s18;
	v4 =	vimm.f32 $-Inf  }
0x6b: {  	s20 =	simm.s32 $0x2;
	s16 =	simm.s32 $0x1;
	s21 =	sor.u32 s22, s21;
	v2 =	vimm.s32 $0x0;
	vm0 =	vgt.f32 v3, v4;
	v4 =	vmax.f32 v4, v3  }
.LBB2_10:
0x6c: {  	p0 =	sne.s32 s20, $0x3F  }
0x6d: {  	v3 =	vld [tilespmem:s21+$0x20];
	v2 =	vsel vm0, s15, v2;
	s15 =	smov.u32 s16;
	s16 =	smov.u32 s20;
	s20 =	sadd.s32 $0x1, s20  }
.Ltmp4:
0x6e: {  	(pc) =	sbr.rel @p0 .LBB2_10-.Ltmp4, $4  }
0x6f: {  	_ = 	snop  }
0x70: {  	s18 =	sadd.s32 $0x80, s18;
	s19 =	sadd.s32 $0x100, s19  }
0x71: {  	s21 =	sand.u32 $0x3800, s19;
	s22 =	sand.u32 $0x380, s18  }
0x72: {  	s21 =	sor.u32 s22, s21;
	vm0 =	vgt.f32 v3, v4;
	v4 =	vmax.f32 v4, v3  }
0x73: {  	v5 =	vld [tilespmem:s21+$0x20]  }
0x74: {  	v6 =	vld [tilespmem:s17+$0x20];
	_ =	sdelay $0x2  }
0x75: {  	s18 =	simm.s32 $0x100;
	s19 =	simm.s32 $0x80  }
0x76: {  	s28 =	sand.u32 $0x3800, s18;
	s29 =	sand.u32 $0x380, s19;
	v3 =	vmax.f32 v4, v5  }
0x77: {  	s17 =	sor.u32 s29, s28;
	v6 =	vsub.f32 v6, v3  }
0x78: {  	v7 =	vld [tilespmem:s17+$0x20]  }
0x79: {  	vm15 =	vgt.f32 v5, v4;
	v5 =	vmul.f32 $1.442695020e+00, v6;
	_ =	sdelay $0x1  }
0x7a: {  	v2 =	vsel vm0, s15, v2;
	s30 =	simm.s32 $0x200;
	s15 =	simm.s32 $0x100;
	(erf) = vpow2.f32 v5  }
0x7b: {  	s31 =	sand.u32 $0x380, s15;
	s17 =	sand.u32 $0x3800, s30  }
0x7c: {  	s17 =	sor.u32 s31, s17;
	v6 =	vsub.f32 v7, v3  }
0x7d: {  	v5 =	vld [tilespmem:s17+$0x20]  }
0x7e: {  	v4 =	vimm.f32 $0.0e+00;
	v2 =	vsel vm15, s16, v2;
	s16 =	simm.s32 $0x300;
	v6 =	vmul.f32 $1.442695020e+00, v6  }
.LBB2_12:
0x7f: {  	p0 =	sne.s32 s16, $0x3F00  }
.Ltmp5:
0x80: {  	s17 =	sand.u32 $0x3800, s16;
	s15 =	sadd.s32 $0x80, s15;
	(erf) = vpow2.f32 v6;
	(pc) =	sbr.rel @p0 .LBB2_12-.Ltmp5, $4  }
0x81: {  	s16 =	sadd.s32 $0x100, s16;
	s18 =	sand.u32 $0x380, s15  }
0x82: {  	s17 =	sor.u32 s18, s17;
	v6 =	vsub.f32 v5, v3  }
0x83: {  	v5 =	vld [tilespmem:s17+$0x20];
	v7 =	vpop (erf)  }
0x84: {  	v6 =	vmul.f32 $1.442695020e+00, v6;
	v4 =	vadd.f32 v7, v4  }
0x85: {  	_ =	sdelay $0x2  }
0x86: {  	v3 =	vsub.f32 v5, v3;
	_ =	sdelay $0x1  }
0x87: {  	(erf) = vpow2.f32 v6;
	v3 =	vmul.f32 $1.442695020e+00, v3;
	_ =	sdelay $0x1  }
0x88: {  	(erf) = vpow2.f32 v3;
	_ =	sdelay $0x4  }
0x89: {  	v3 =	vpop (erf)  }
0x8a: {  	v3 =	vadd.f32 v3, v4  }
0x8b: {  	v4 =	vpop (erf)  }
0x8c: {  	v3 =	vadd.f32 v4, v3  }
0x8d: {  	v4 =	vpop (erf)  }
0x8e: {  	v3 =	vadd.f32 v4, v3;
	_ =	sdelay $0x1  }
0x8f: {  	(erf) = vrcp.f32 v3;
	_ =	sdelay $0x7  }
0x90: {  	s15 =	simm.s32 $0x0  }
0x91: {  	[tilespmem:$0x4020] =	vst v2;
	s16 =	sand.u32 $0x3800, s15;
	s17 =	sand.u32 $0x380, s15;
	v2 =	vpop (erf)  }
0x92: {  	s17 =	sor.u32 s17, s16;
	[tilespmem:$0x4120] =	vst v2  }
0x93: {  	v3 =	vld [tilespmem:s17+$0x30];
	_ =	sdelay $0x2  }
0x94: {  	s18 =	simm.s32 $0x80;
	s19 =	simm.s32 $0x100  }
0x95: {  	s21 =	sand.u32 $0x3800, s19;
	s22 =	sand.u32 $0x380, s18;
	v4 =	vimm.f32 $-Inf  }
0x96: {  	s20 =	simm.s32 $0x2;
	s16 =	simm.s32 $0x1;
	s21 =	sor.u32 s22, s21;
	v2 =	vimm.s32 $0x0;
	vm0 =	vgt.f32 v3, v4;
	v4 =	vmax.f32 v4, v3  }
.LBB2_14:
0x97: {  	p0 =	sne.s32 s20, $0x3F  }
0x98: {  	v3 =	vld [tilespmem:s21+$0x30];
	v2 =	vsel vm0, s15, v2;
	s15 =	smov.u32 s16;
	s16 =	smov.u32 s20;
	s20 =	sadd.s32 $0x1, s20  }
.Ltmp6:
0x99: {  	(pc) =	sbr.rel @p0 .LBB2_14-.Ltmp6, $4  }
0x9a: {  	_ = 	snop  }
0x9b: {  	s18 =	sadd.s32 $0x80, s18;
	s19 =	sadd.s32 $0x100, s19  }
0x9c: {  	s21 =	sand.u32 $0x3800, s19;
	s22 =	sand.u32 $0x380, s18  }
0x9d: {  	s21 =	sor.u32 s22, s21;
	vm0 =	vgt.f32 v3, v4;
	v4 =	vmax.f32 v4, v3  }
0x9e: {  	v5 =	vld [tilespmem:s21+$0x30]  }
0x9f: {  	v6 =	vld [tilespmem:s17+$0x30];
	_ =	sdelay $0x2  }
0xa0: {  	s18 =	simm.s32 $0x100;
	s19 =	simm.s32 $0x80  }
0xa1: {  	s28 =	sand.u32 $0x3800, s18;
	s29 =	sand.u32 $0x380, s19;
	v3 =	vmax.f32 v4, v5  }
0xa2: {  	s17 =	sor.u32 s29, s28;
	v6 =	vsub.f32 v6, v3  }
0xa3: {  	v7 =	vld [tilespmem:s17+$0x30]  }
0xa4: {  	vm15 =	vgt.f32 v5, v4;
	v5 =	vmul.f32 $1.442695020e+00, v6;
	_ =	sdelay $0x1  }
0xa5: {  	v2 =	vsel vm0, s15, v2;
	s30 =	simm.s32 $0x200;
	s15 =	simm.s32 $0x100;
	(erf) = vpow2.f32 v5  }
0xa6: {  	s31 =	sand.u32 $0x380, s15;
	s17 =	sand.u32 $0x3800, s30  }
0xa7: {  	s17 =	sor.u32 s31, s17;
	v6 =	vsub.f32 v7, v3  }
0xa8: {  	v5 =	vld [tilespmem:s17+$0x30]  }
0xa9: {  	v4 =	vimm.f32 $0.0e+00;
	v2 =	vsel vm15, s16, v2;
	s16 =	simm.s32 $0x300;
	v6 =	vmul.f32 $1.442695020e+00, v6  }
.LBB2_16:
0xaa: {  	p0 =	sne.s32 s16, $0x3F00  }
.Ltmp7:
0xab: {  	s17 =	sand.u32 $0x3800, s16;
	s15 =	sadd.s32 $0x80, s15;
	(erf) = vpow2.f32 v6;
	(pc) =	sbr.rel @p0 .LBB2_16-.Ltmp7, $4  }
0xac: {  	s16 =	sadd.s32 $0x100, s16;
	s18 =	sand.u32 $0x380, s15  }
0xad: {  	s17 =	sor.u32 s18, s17;
	v6 =	vsub.f32 v5, v3  }
0xae: {  	v5 =	vld [tilespmem:s17+$0x30];
	v7 =	vpop (erf)  }
0xaf: {  	v6 =	vmul.f32 $1.442695020e+00, v6;
	v4 =	vadd.f32 v7, v4  }
0xb0: {  	_ =	sdelay $0x2  }
0xb1: {  	v3 =	vsub.f32 v5, v3;
	_ =	sdelay $0x1  }
0xb2: {  	(erf) = vpow2.f32 v6;
	v3 =	vmul.f32 $1.442695020e+00, v3;
	_ =	sdelay $0x1  }
0xb3: {  	(erf) = vpow2.f32 v3;
	_ =	sdelay $0x4  }
0xb4: {  	v3 =	vpop (erf)  }
0xb5: {  	v3 =	vadd.f32 v3, v4  }
0xb6: {  	v4 =	vpop (erf)  }
0xb7: {  	v3 =	vadd.f32 v4, v3  }
0xb8: {  	v4 =	vpop (erf)  }
0xb9: {  	v3 =	vadd.f32 v4, v3;
	_ =	sdelay $0x1  }
0xba: {  	(erf) = vrcp.f32 v3;
	_ =	sdelay $0x7  }
0xbb: {  	s15 =	simm.s32 $0x0  }
0xbc: {  	[tilespmem:$0x4030] =	vst v2;
	s16 =	sand.u32 $0x3800, s15;
	s17 =	sand.u32 $0x380, s15;
	v2 =	vpop (erf)  }
0xbd: {  	s17 =	sor.u32 s17, s16;
	[tilespmem:$0x4130] =	vst v2  }
0xbe: {  	v3 =	vld [tilespmem:s17+$0x40];
	_ =	sdelay $0x2  }
0xbf: {  	s18 =	simm.s32 $0x80;
	s19 =	simm.s32 $0x100  }
0xc0: {  	s21 =	sand.u32 $0x3800, s19;
	s22 =	sand.u32 $0x380, s18;
	v4 =	vimm.f32 $-Inf  }
0xc1: {  	s20 =	simm.s32 $0x2;
	s16 =	simm.s32 $0x1;
	s21 =	sor.u32 s22, s21;
	v2 =	vimm.s32 $0x0;
	vm0 =	vgt.f32 v3, v4;
	v4 =	vmax.f32 v4, v3  }
.LBB2_18:
0xc2: {  	p0 =	sne.s32 s20, $0x3F  }
0xc3: {  	v3 =	vld [tilespmem:s21+$0x40];
	v2 =	vsel vm0, s15, v2;
	s15 =	smov.u32 s16;
	s16 =	smov.u32 s20;
	s20 =	sadd.s32 $0x1, s20  }
.Ltmp8:
0xc4: {  	(pc) =	sbr.rel @p0 .LBB2_18-.Ltmp8, $4  }
0xc5: {  	_ = 	snop  }
0xc6: {  	s18 =	sadd.s32 $0x80, s18;
	s19 =	sadd.s32 $0x100, s19  }
0xc7: {  	s21 =	sand.u32 $0x3800, s19;
	s22 =	sand.u32 $0x380, s18  }
0xc8: {  	s21 =	sor.u32 s22, s21;
	vm0 =	vgt.f32 v3, v4;
	v4 =	vmax.f32 v4, v3  }
0xc9: {  	v5 =	vld [tilespmem:s21+$0x40]  }
0xca: {  	v6 =	vld [tilespmem:s17+$0x40];
	_ =	sdelay $0x2  }
0xcb: {  	s18 =	simm.s32 $0x100;
	s19 =	simm.s32 $0x80  }
0xcc: {  	s28 =	sand.u32 $0x3800, s18;
	s29 =	sand.u32 $0x380, s19;
	v3 =	vmax.f32 v4, v5  }
0xcd: {  	s17 =	sor.u32 s29, s28;
	v6 =	vsub.f32 v6, v3  }
0xce: {  	v7 =	vld [tilespmem:s17+$0x40]  }
0xcf: {  	vm15 =	vgt.f32 v5, v4;
	v5 =	vmul.f32 $1.442695020e+00, v6;
	_ =	sdelay $0x1  }
0xd0: {  	v2 =	vsel vm0, s15, v2;
	s30 =	simm.s32 $0x200;
	s15 =	simm.s32 $0x100;
	(erf) = vpow2.f32 v5  }
0xd1: {  	s31 =	sand.u32 $0x380, s15;
	s17 =	sand.u32 $0x3800, s30  }
0xd2: {  	s17 =	sor.u32 s31, s17;
	v6 =	vsub.f32 v7, v3  }
0xd3: {  	v5 =	vld [tilespmem:s17+$0x40]  }
0xd4: {  	v4 =	vimm.f32 $0.0e+00;
	v2 =	vsel vm15, s16, v2;
	s16 =	simm.s32 $0x300;
	v6 =	vmul.f32 $1.442695020e+00, v6  }
.LBB2_20:
0xd5: {  	p0 =	sne.s32 s16, $0x3F00  }
.Ltmp9:
0xd6: {  	s17 =	sand.u32 $0x3800, s16;
	s15 =	sadd.s32 $0x80, s15;
	(erf) = vpow2.f32 v6;
	(pc) =	sbr.rel @p0 .LBB2_20-.Ltmp9, $4  }
0xd7: {  	s16 =	sadd.s32 $0x100, s16;
	s18 =	sand.u32 $0x380, s15  }
0xd8: {  	s17 =	sor.u32 s18, s17;
	v6 =	vsub.f32 v5, v3  }
0xd9: {  	v5 =	vld [tilespmem:s17+$0x40];
	v7 =	vpop (erf)  }
0xda: {  	v6 =	vmul.f32 $1.442695020e+00, v6;
	v4 =	vadd.f32 v7, v4  }
0xdb: {  	_ =	sdelay $0x2  }
0xdc: {  	v3 =	vsub.f32 v5, v3;
	_ =	sdelay $0x1  }
0xdd: {  	(erf) = vpow2.f32 v6;
	v3 =	vmul.f32 $1.442695020e+00, v3;
	_ =	sdelay $0x1  }
0xde: {  	(erf) = vpow2.f32 v3;
	_ =	sdelay $0x4  }
0xdf: {  	v3 =	vpop (erf)  }
0xe0: {  	v3 =	vadd.f32 v3, v4  }
0xe1: {  	v4 =	vpop (erf)  }
0xe2: {  	v3 =	vadd.f32 v4, v3  }
0xe3: {  	v4 =	vpop (erf)  }
0xe4: {  	v3 =	vadd.f32 v4, v3;
	_ =	sdelay $0x1  }
0xe5: {  	(erf) = vrcp.f32 v3;
	_ =	sdelay $0x7  }
0xe6: {  	s15 =	simm.s32 $0x0  }
0xe7: {  	[tilespmem:$0x4040] =	vst v2;
	s16 =	sand.u32 $0x3800, s15;
	s17 =	sand.u32 $0x380, s15;
	v2 =	vpop (erf)  }
0xe8: {  	s17 =	sor.u32 s17, s16;
	[tilespmem:$0x4140] =	vst v2  }
0xe9: {  	v3 =	vld [tilespmem:s17+$0x50];
	_ =	sdelay $0x2  }
0xea: {  	s18 =	simm.s32 $0x80;
	s19 =	simm.s32 $0x100  }
0xeb: {  	s21 =	sand.u32 $0x3800, s19;
	s22 =	sand.u32 $0x380, s18;
	v4 =	vimm.f32 $-Inf  }
0xec: {  	s20 =	simm.s32 $0x2;
	s16 =	simm.s32 $0x1;
	s21 =	sor.u32 s22, s21;
	v2 =	vimm.s32 $0x0;
	vm0 =	vgt.f32 v3, v4;
	v4 =	vmax.f32 v4, v3  }
.LBB2_22:
0xed: {  	p0 =	sne.s32 s20, $0x3F  }
0xee: {  	v3 =	vld [tilespmem:s21+$0x50];
	v2 =	vsel vm0, s15, v2;
	s15 =	smov.u32 s16;
	s16 =	smov.u32 s20;
	s20 =	sadd.s32 $0x1, s20  }
.Ltmp10:
0xef: {  	(pc) =	sbr.rel @p0 .LBB2_22-.Ltmp10, $4  }
0xf0: {  	_ = 	snop  }
0xf1: {  	s18 =	sadd.s32 $0x80, s18;
	s19 =	sadd.s32 $0x100, s19  }
0xf2: {  	s21 =	sand.u32 $0x3800, s19;
	s22 =	sand.u32 $0x380, s18  }
0xf3: {  	s21 =	sor.u32 s22, s21;
	vm0 =	vgt.f32 v3, v4;
	v4 =	vmax.f32 v4, v3  }
0xf4: {  	v5 =	vld [tilespmem:s21+$0x50]  }
0xf5: {  	v6 =	vld [tilespmem:s17+$0x50];
	_ =	sdelay $0x2  }
0xf6: {  	s18 =	simm.s32 $0x100;
	s19 =	simm.s32 $0x80  }
0xf7: {  	s28 =	sand.u32 $0x3800, s18;
	s29 =	sand.u32 $0x380, s19;
	v3 =	vmax.f32 v4, v5  }
0xf8: {  	s17 =	sor.u32 s29, s28;
	v6 =	vsub.f32 v6, v3  }
0xf9: {  	v7 =	vld [tilespmem:s17+$0x50]  }
0xfa: {  	vm15 =	vgt.f32 v5, v4;
	v5 =	vmul.f32 $1.442695020e+00, v6;
	_ =	sdelay $0x1  }
0xfb: {  	v2 =	vsel vm0, s15, v2;
	s30 =	simm.s32 $0x200;
	s15 =	simm.s32 $0x100;
	(erf) = vpow2.f32 v5  }
0xfc: {  	s31 =	sand.u32 $0x380, s15;
	s17 =	sand.u32 $0x3800, s30  }
0xfd: {  	s17 =	sor.u32 s31, s17;
	v6 =	vsub.f32 v7, v3  }
0xfe: {  	v5 =	vld [tilespmem:s17+$0x50]  }
0xff: {  	v4 =	vimm.f32 $0.0e+00;
	v2 =	vsel vm15, s16, v2;
	s16 =	simm.s32 $0x300;
	v6 =	vmul.f32 $1.442695020e+00, v6  }
.LBB2_24:
0x100: {  	p0 =	sne.s32 s16, $0x3F00  }
.Ltmp11:
0x101: {  	s17 =	sand.u32 $0x3800, s16;
	s15 =	sadd.s32 $0x80, s15;
	(erf) = vpow2.f32 v6;
	(pc) =	sbr.rel @p0 .LBB2_24-.Ltmp11, $4  }
0x102: {  	s16 =	sadd.s32 $0x100, s16;
	s18 =	sand.u32 $0x380, s15  }
0x103: {  	s17 =	sor.u32 s18, s17;
	v6 =	vsub.f32 v5, v3  }
0x104: {  	v5 =	vld [tilespmem:s17+$0x50];
	v7 =	vpop (erf)  }
0x105: {  	v6 =	vmul.f32 $1.442695020e+00, v6;
	v4 =	vadd.f32 v7, v4  }
0x106: {  	_ =	sdelay $0x2  }
0x107: {  	v3 =	vsub.f32 v5, v3;
	_ =	sdelay $0x1  }
0x108: {  	(erf) = vpow2.f32 v6;
	v3 =	vmul.f32 $1.442695020e+00, v3;
	_ =	sdelay $0x1  }
0x109: {  	(erf) = vpow2.f32 v3;
	_ =	sdelay $0x4  }
0x10a: {  	v3 =	vpop (erf)  }
0x10b: {  	v3 =	vadd.f32 v3, v4  }
0x10c: {  	v4 =	vpop (erf)  }
0x10d: {  	v3 =	vadd.f32 v4, v3  }
0x10e: {  	v4 =	vpop (erf)  }
0x10f: {  	v3 =	vadd.f32 v4, v3;
	_ =	sdelay $0x1  }
0x110: {  	(erf) = vrcp.f32 v3;
	_ =	sdelay $0x7  }
0x111: {  	s15 =	simm.s32 $0x0  }
0x112: {  	[tilespmem:$0x4050] =	vst v2;
	s16 =	sand.u32 $0x3800, s15;
	s17 =	sand.u32 $0x380, s15;
	v2 =	vpop (erf)  }
0x113: {  	s17 =	sor.u32 s17, s16;
	[tilespmem:$0x4150] =	vst v2  }
0x114: {  	v3 =	vld [tilespmem:s17+$0x60];
	_ =	sdelay $0x2  }
0x115: {  	s18 =	simm.s32 $0x80;
	s19 =	simm.s32 $0x100  }
0x116: {  	s21 =	sand.u32 $0x3800, s19;
	s22 =	sand.u32 $0x380, s18;
	v4 =	vimm.f32 $-Inf  }
0x117: {  	s20 =	simm.s32 $0x2;
	s16 =	simm.s32 $0x1;
	s21 =	sor.u32 s22, s21;
	v2 =	vimm.s32 $0x0;
	vm0 =	vgt.f32 v3, v4;
	v4 =	vmax.f32 v4, v3  }
.LBB2_26:
0x118: {  	p0 =	sne.s32 s20, $0x3F  }
0x119: {  	v3 =	vld [tilespmem:s21+$0x60];
	v2 =	vsel vm0, s15, v2;
	s15 =	smov.u32 s16;
	s16 =	smov.u32 s20;
	s20 =	sadd.s32 $0x1, s20  }
.Ltmp12:
0x11a: {  	(pc) =	sbr.rel @p0 .LBB2_26-.Ltmp12, $4  }
0x11b: {  	_ = 	snop  }
0x11c: {  	s18 =	sadd.s32 $0x80, s18;
	s19 =	sadd.s32 $0x100, s19  }
0x11d: {  	s21 =	sand.u32 $0x3800, s19;
	s22 =	sand.u32 $0x380, s18  }
0x11e: {  	s21 =	sor.u32 s22, s21;
	vm0 =	vgt.f32 v3, v4;
	v4 =	vmax.f32 v4, v3  }
0x11f: {  	v5 =	vld [tilespmem:s21+$0x60]  }
0x120: {  	v6 =	vld [tilespmem:s17+$0x60];
	_ =	sdelay $0x2  }
0x121: {  	s18 =	simm.s32 $0x100;
	s19 =	simm.s32 $0x80  }
0x122: {  	s28 =	sand.u32 $0x3800, s18;
	s29 =	sand.u32 $0x380, s19;
	v3 =	vmax.f32 v4, v5  }
0x123: {  	s17 =	sor.u32 s29, s28;
	v6 =	vsub.f32 v6, v3  }
0x124: {  	v7 =	vld [tilespmem:s17+$0x60]  }
0x125: {  	vm15 =	vgt.f32 v5, v4;
	v5 =	vmul.f32 $1.442695020e+00, v6;
	_ =	sdelay $0x1  }
0x126: {  	v2 =	vsel vm0, s15, v2;
	s30 =	simm.s32 $0x200;
	s15 =	simm.s32 $0x100;
	(erf) = vpow2.f32 v5  }
0x127: {  	s31 =	sand.u32 $0x380, s15;
	s17 =	sand.u32 $0x3800, s30  }
0x128: {  	s17 =	sor.u32 s31, s17;
	v6 =	vsub.f32 v7, v3  }
0x129: {  	v5 =	vld [tilespmem:s17+$0x60]  }
0x12a: {  	v4 =	vimm.f32 $0.0e+00;
	v2 =	vsel vm15, s16, v2;
	s16 =	simm.s32 $0x300;
	v6 =	vmul.f32 $1.442695020e+00, v6  }
.LBB2_28:
0x12b: {  	p0 =	sne.s32 s16, $0x3F00  }
.Ltmp13:
0x12c: {  	s17 =	sand.u32 $0x3800, s16;
	s15 =	sadd.s32 $0x80, s15;
	(erf) = vpow2.f32 v6;
	(pc) =	sbr.rel @p0 .LBB2_28-.Ltmp13, $4  }
0x12d: {  	s16 =	sadd.s32 $0x100, s16;
	s18 =	sand.u32 $0x380, s15  }
0x12e: {  	s17 =	sor.u32 s18, s17;
	v6 =	vsub.f32 v5, v3  }
0x12f: {  	v5 =	vld [tilespmem:s17+$0x60];
	v7 =	vpop (erf)  }
0x130: {  	v6 =	vmul.f32 $1.442695020e+00, v6;
	v4 =	vadd.f32 v7, v4  }
0x131: {  	_ =	sdelay $0x2  }
0x132: {  	v3 =	vsub.f32 v5, v3;
	_ =	sdelay $0x1  }
0x133: {  	(erf) = vpow2.f32 v6;
	v3 =	vmul.f32 $1.442695020e+00, v3;
	_ =	sdelay $0x1  }
0x134: {  	(erf) = vpow2.f32 v3;
	_ =	sdelay $0x4  }
0x135: {  	v3 =	vpop (erf)  }
0x136: {  	v3 =	vadd.f32 v3, v4  }
0x137: {  	v4 =	vpop (erf)  }
0x138: {  	v3 =	vadd.f32 v4, v3  }
0x139: {  	v4 =	vpop (erf)  }
0x13a: {  	v3 =	vadd.f32 v4, v3;
	_ =	sdelay $0x1  }
0x13b: {  	(erf) = vrcp.f32 v3;
	_ =	sdelay $0x7  }
0x13c: {  	s15 =	simm.s32 $0x0  }
0x13d: {  	[tilespmem:$0x4060] =	vst v2;
	s16 =	sand.u32 $0x3800, s15;
	s17 =	sand.u32 $0x380, s15;
	v2 =	vpop (erf)  }
0x13e: {  	s17 =	sor.u32 s17, s16;
	[tilespmem:$0x4160] =	vst v2  }
0x13f: {  	v3 =	vld [tilespmem:s17+$0x70];
	_ =	sdelay $0x2  }
0x140: {  	s18 =	simm.s32 $0x80;
	s19 =	simm.s32 $0x100  }
0x141: {  	s21 =	sand.u32 $0x3800, s19;
	s22 =	sand.u32 $0x380, s18;
	v4 =	vimm.f32 $-Inf  }
0x142: {  	s20 =	simm.s32 $0x2;
	s16 =	simm.s32 $0x1;
	s21 =	sor.u32 s22, s21;
	v2 =	vimm.s32 $0x0;
	vm0 =	vgt.f32 v3, v4;
	v4 =	vmax.f32 v4, v3  }
.LBB2_30:
0x143: {  	p0 =	sne.s32 s20, $0x3F  }
0x144: {  	v3 =	vld [tilespmem:s21+$0x70];
	v2 =	vsel vm0, s15, v2;
	s15 =	smov.u32 s16;
	s16 =	smov.u32 s20;
	s20 =	sadd.s32 $0x1, s20  }
.Ltmp14:
0x145: {  	(pc) =	sbr.rel @p0 .LBB2_30-.Ltmp14, $4  }
0x146: {  	_ = 	snop  }
0x147: {  	s18 =	sadd.s32 $0x80, s18;
	s19 =	sadd.s32 $0x100, s19  }
0x148: {  	s21 =	sand.u32 $0x3800, s19;
	s22 =	sand.u32 $0x380, s18  }
0x149: {  	s21 =	sor.u32 s22, s21;
	vm0 =	vgt.f32 v3, v4;
	v4 =	vmax.f32 v4, v3  }
0x14a: {  	v5 =	vld [tilespmem:s21+$0x70]  }
0x14b: {  	v6 =	vld [tilespmem:s17+$0x70];
	_ =	sdelay $0x2  }
0x14c: {  	s18 =	simm.s32 $0x100;
	s19 =	simm.s32 $0x80  }
0x14d: {  	s28 =	sand.u32 $0x3800, s18;
	s29 =	sand.u32 $0x380, s19;
	v3 =	vmax.f32 v4, v5  }
0x14e: {  	s17 =	sor.u32 s29, s28;
	v6 =	vsub.f32 v6, v3  }
0x14f: {  	v7 =	vld [tilespmem:s17+$0x70]  }
0x150: {  	vm15 =	vgt.f32 v5, v4;
	v5 =	vmul.f32 $1.442695020e+00, v6;
	_ =	sdelay $0x1  }
0x151: {  	v2 =	vsel vm0, s15, v2;
	s30 =	simm.s32 $0x200;
	s15 =	simm.s32 $0x100;
	(erf) = vpow2.f32 v5  }
0x152: {  	s31 =	sand.u32 $0x380, s15;
	s17 =	sand.u32 $0x3800, s30  }
0x153: {  	s17 =	sor.u32 s31, s17;
	v6 =	vsub.f32 v7, v3  }
0x154: {  	v5 =	vld [tilespmem:s17+$0x70]  }
0x155: {  	v4 =	vimm.f32 $0.0e+00;
	v2 =	vsel vm15, s16, v2;
	s16 =	simm.s32 $0x300;
	v6 =	vmul.f32 $1.442695020e+00, v6  }
.LBB2_32:
0x156: {  	p0 =	sne.s32 s16, $0x3F00  }
.Ltmp15:
0x157: {  	s17 =	sand.u32 $0x3800, s16;
	s15 =	sadd.s32 $0x80, s15;
	(erf) = vpow2.f32 v6;
	(pc) =	sbr.rel @p0 .LBB2_32-.Ltmp15, $4  }
0x158: {  	s16 =	sadd.s32 $0x100, s16;
	s18 =	sand.u32 $0x380, s15  }
0x159: {  	s17 =	sor.u32 s18, s17;
	v6 =	vsub.f32 v5, v3  }
0x15a: {  	v5 =	vld [tilespmem:s17+$0x70];
	v7 =	vpop (erf)  }
0x15b: {  	v6 =	vmul.f32 $1.442695020e+00, v6;
	v4 =	vadd.f32 v7, v4  }
0x15c: {  	_ =	sdelay $0x2  }
0x15d: {  	v3 =	vsub.f32 v5, v3;
	_ =	sdelay $0x1  }
0x15e: {  	(erf) = vpow2.f32 v6;
	v3 =	vmul.f32 $1.442695020e+00, v3;
	_ =	sdelay $0x1  }
0x15f: {  	(erf) = vpow2.f32 v3;
	_ =	sdelay $0x4  }
0x160: {  	v3 =	vpop (erf)  }
0x161: {  	v3 =	vadd.f32 v3, v4  }
0x162: {  	v4 =	vpop (erf)  }
0x163: {  	v3 =	vadd.f32 v4, v3  }
0x164: {  	v4 =	vpop (erf)  }
0x165: {  	v3 =	vadd.f32 v4, v3;
	_ =	sdelay $0x1  }
0x166: {  	(erf) = vrcp.f32 v3;
	_ =	sdelay $0x7  }
0x167: {  	s15 =	simm.s32 $0x0  }
0x168: {  	[tilespmem:$0x4070] =	vst v2;
	s16 =	sand.u32 $0x3800, s15;
	s17 =	sand.u32 $0x380, s15;
	v2 =	vpop (erf)  }
0x169: {  	s17 =	sor.u32 s17, s16;
	[tilespmem:$0x4170] =	vst v2  }
0x16a: {  	v3 =	vld [tilespmem:s17+$0x400];
	_ =	sdelay $0x2  }
0x16b: {  	s18 =	simm.s32 $0x80;
	s19 =	simm.s32 $0x100  }
0x16c: {  	s21 =	sand.u32 $0x3800, s19;
	s22 =	sand.u32 $0x380, s18;
	v4 =	vimm.f32 $-Inf  }
0x16d: {  	s20 =	simm.s32 $0x2;
	s16 =	simm.s32 $0x1;
	s21 =	sor.u32 s22, s21;
	v2 =	vimm.s32 $0x0;
	vm0 =	vgt.f32 v3, v4;
	v4 =	vmax.f32 v4, v3  }
.LBB2_34:
0x16e: {  	p0 =	sne.s32 s20, $0x3F  }
0x16f: {  	v3 =	vld [tilespmem:s21+$0x400];
	v2 =	vsel vm0, s15, v2;
	s15 =	smov.u32 s16;
	s16 =	smov.u32 s20;
	s20 =	sadd.s32 $0x1, s20  }
.Ltmp16:
0x170: {  	(pc) =	sbr.rel @p0 .LBB2_34-.Ltmp16, $4  }
0x171: {  	_ = 	snop  }
0x172: {  	s18 =	sadd.s32 $0x80, s18;
	s19 =	sadd.s32 $0x100, s19  }
0x173: {  	s21 =	sand.u32 $0x3800, s19;
	s22 =	sand.u32 $0x380, s18  }
0x174: {  	s21 =	sor.u32 s22, s21;
	vm0 =	vgt.f32 v3, v4;
	v4 =	vmax.f32 v4, v3  }
0x175: {  	v5 =	vld [tilespmem:s21+$0x400]  }
0x176: {  	v6 =	vld [tilespmem:s17+$0x400];
	_ =	sdelay $0x2  }
0x177: {  	s18 =	simm.s32 $0x100;
	s19 =	simm.s32 $0x80  }
0x178: {  	s28 =	sand.u32 $0x3800, s18;
	s29 =	sand.u32 $0x380, s19;
	v3 =	vmax.f32 v4, v5  }
0x179: {  	s17 =	sor.u32 s29, s28;
	v6 =	vsub.f32 v6, v3  }
0x17a: {  	v7 =	vld [tilespmem:s17+$0x400]  }
0x17b: {  	vm15 =	vgt.f32 v5, v4;
	v5 =	vmul.f32 $1.442695020e+00, v6;
	_ =	sdelay $0x1  }
0x17c: {  	v2 =	vsel vm0, s15, v2;
	s30 =	simm.s32 $0x200;
	s15 =	simm.s32 $0x100;
	(erf) = vpow2.f32 v5  }
0x17d: {  	s31 =	sand.u32 $0x380, s15;
	s17 =	sand.u32 $0x3800, s30  }
0x17e: {  	s17 =	sor.u32 s31, s17;
	v6 =	vsub.f32 v7, v3  }
0x17f: {  	v5 =	vld [tilespmem:s17+$0x400]  }
0x180: {  	v4 =	vimm.f32 $0.0e+00;
	v2 =	vsel vm15, s16, v2;
	s16 =	simm.s32 $0x300;
	v6 =	vmul.f32 $1.442695020e+00, v6  }
.LBB2_36:
0x181: {  	p0 =	sne.s32 s16, $0x3F00  }
.Ltmp17:
0x182: {  	s17 =	sand.u32 $0x3800, s16;
	s15 =	sadd.s32 $0x80, s15;
	(erf) = vpow2.f32 v6;
	(pc) =	sbr.rel @p0 .LBB2_36-.Ltmp17, $4  }
0x183: {  	s16 =	sadd.s32 $0x100, s16;
	s18 =	sand.u32 $0x380, s15  }
0x184: {  	s17 =	sor.u32 s18, s17;
	v6 =	vsub.f32 v5, v3  }
0x185: {  	v5 =	vld [tilespmem:s17+$0x400];
	v7 =	vpop (erf)  }
0x186: {  	v6 =	vmul.f32 $1.442695020e+00, v6;
	v4 =	vadd.f32 v7, v4  }
0x187: {  	_ =	sdelay $0x2  }
0x188: {  	v3 =	vsub.f32 v5, v3;
	_ =	sdelay $0x1  }
0x189: {  	(erf) = vpow2.f32 v6;
	v3 =	vmul.f32 $1.442695020e+00, v3;
	_ =	sdelay $0x1  }
0x18a: {  	(erf) = vpow2.f32 v3;
	_ =	sdelay $0x4  }
0x18b: {  	v3 =	vpop (erf)  }
0x18c: {  	v3 =	vadd.f32 v3, v4  }
0x18d: {  	v4 =	vpop (erf)  }
0x18e: {  	v3 =	vadd.f32 v4, v3  }
0x18f: {  	v4 =	vpop (erf)  }
0x190: {  	v3 =	vadd.f32 v4, v3;
	_ =	sdelay $0x1  }
0x191: {  	(erf) = vrcp.f32 v3;
	_ =	sdelay $0x7  }
0x192: {  	s15 =	simm.s32 $0x0  }
0x193: {  	[tilespmem:$0x4080] =	vst v2;
	s16 =	sand.u32 $0x3800, s15;
	s17 =	sand.u32 $0x380, s15;
	v2 =	vpop (erf)  }
0x194: {  	s17 =	sor.u32 s17, s16;
	[tilespmem:$0x4180] =	vst v2  }
0x195: {  	v3 =	vld [tilespmem:s17+$0x410];
	_ =	sdelay $0x2  }
0x196: {  	s18 =	simm.s32 $0x80;
	s19 =	simm.s32 $0x100  }
0x197: {  	s21 =	sand.u32 $0x3800, s19;
	s22 =	sand.u32 $0x380, s18;
	v4 =	vimm.f32 $-Inf  }
0x198: {  	s20 =	simm.s32 $0x2;
	s16 =	simm.s32 $0x1;
	s21 =	sor.u32 s22, s21;
	v2 =	vimm.s32 $0x0;
	vm0 =	vgt.f32 v3, v4;
	v4 =	vmax.f32 v4, v3  }
.LBB2_38:
0x199: {  	p0 =	sne.s32 s20, $0x3F  }
0x19a: {  	v3 =	vld [tilespmem:s21+$0x410];
	v2 =	vsel vm0, s15, v2;
	s15 =	smov.u32 s16;
	s16 =	smov.u32 s20;
	s20 =	sadd.s32 $0x1, s20  }
.Ltmp18:
0x19b: {  	(pc) =	sbr.rel @p0 .LBB2_38-.Ltmp18, $4  }
0x19c: {  	_ = 	snop  }
0x19d: {  	s18 =	sadd.s32 $0x80, s18;
	s19 =	sadd.s32 $0x100, s19  }
0x19e: {  	s21 =	sand.u32 $0x3800, s19;
	s22 =	sand.u32 $0x380, s18  }
0x19f: {  	s21 =	sor.u32 s22, s21;
	vm0 =	vgt.f32 v3, v4;
	v4 =	vmax.f32 v4, v3  }
0x1a0: {  	v5 =	vld [tilespmem:s21+$0x410]  }
0x1a1: {  	v6 =	vld [tilespmem:s17+$0x410];
	_ =	sdelay $0x2  }
0x1a2: {  	s18 =	simm.s32 $0x100;
	s19 =	simm.s32 $0x80  }
0x1a3: {  	s28 =	sand.u32 $0x3800, s18;
	s29 =	sand.u32 $0x380, s19;
	v3 =	vmax.f32 v4, v5  }
0x1a4: {  	s17 =	sor.u32 s29, s28;
	v6 =	vsub.f32 v6, v3  }
0x1a5: {  	v7 =	vld [tilespmem:s17+$0x410]  }
0x1a6: {  	vm15 =	vgt.f32 v5, v4;
	v5 =	vmul.f32 $1.442695020e+00, v6;
	_ =	sdelay $0x1  }
0x1a7: {  	v2 =	vsel vm0, s15, v2;
	s30 =	simm.s32 $0x200;
	s15 =	simm.s32 $0x100;
	(erf) = vpow2.f32 v5  }
0x1a8: {  	s31 =	sand.u32 $0x380, s15;
	s17 =	sand.u32 $0x3800, s30  }
0x1a9: {  	s17 =	sor.u32 s31, s17;
	v6 =	vsub.f32 v7, v3  }
0x1aa: {  	v5 =	vld [tilespmem:s17+$0x410]  }
0x1ab: {  	v4 =	vimm.f32 $0.0e+00;
	v2 =	vsel vm15, s16, v2;
	s16 =	simm.s32 $0x300;
	v6 =	vmul.f32 $1.442695020e+00, v6  }
.LBB2_40:
0x1ac: {  	p0 =	sne.s32 s16, $0x3F00  }
.Ltmp19:
0x1ad: {  	s17 =	sand.u32 $0x3800, s16;
	s15 =	sadd.s32 $0x80, s15;
	(erf) = vpow2.f32 v6;
	(pc) =	sbr.rel @p0 .LBB2_40-.Ltmp19, $4  }
0x1ae: {  	s16 =	sadd.s32 $0x100, s16;
	s18 =	sand.u32 $0x380, s15  }
0x1af: {  	s17 =	sor.u32 s18, s17;
	v6 =	vsub.f32 v5, v3  }
0x1b0: {  	v5 =	vld [tilespmem:s17+$0x410];
	v7 =	vpop (erf)  }
0x1b1: {  	v6 =	vmul.f32 $1.442695020e+00, v6;
	v4 =	vadd.f32 v7, v4  }
0x1b2: {  	_ =	sdelay $0x2  }
0x1b3: {  	v3 =	vsub.f32 v5, v3;
	_ =	sdelay $0x1  }
0x1b4: {  	(erf) = vpow2.f32 v6;
	v3 =	vmul.f32 $1.442695020e+00, v3;
	_ =	sdelay $0x1  }
0x1b5: {  	(erf) = vpow2.f32 v3;
	_ =	sdelay $0x4  }
0x1b6: {  	v3 =	vpop (erf)  }
0x1b7: {  	v3 =	vadd.f32 v3, v4  }
0x1b8: {  	v4 =	vpop (erf)  }
0x1b9: {  	v3 =	vadd.f32 v4, v3  }
0x1ba: {  	v4 =	vpop (erf)  }
0x1bb: {  	v3 =	vadd.f32 v4, v3;
	_ =	sdelay $0x1  }
0x1bc: {  	(erf) = vrcp.f32 v3;
	_ =	sdelay $0x7  }
0x1bd: {  	s15 =	simm.s32 $0x0  }
0x1be: {  	[tilespmem:$0x4090] =	vst v2;
	s16 =	sand.u32 $0x3800, s15;
	s17 =	sand.u32 $0x380, s15;
	v2 =	vpop (erf)  }
0x1bf: {  	s17 =	sor.u32 s17, s16;
	[tilespmem:$0x4190] =	vst v2  }
0x1c0: {  	v3 =	vld [tilespmem:s17+$0x420];
	_ =	sdelay $0x2  }
0x1c1: {  	s18 =	simm.s32 $0x80;
	s19 =	simm.s32 $0x100  }
0x1c2: {  	s21 =	sand.u32 $0x3800, s19;
	s22 =	sand.u32 $0x380, s18;
	v4 =	vimm.f32 $-Inf  }
0x1c3: {  	s20 =	simm.s32 $0x2;
	s16 =	simm.s32 $0x1;
	s21 =	sor.u32 s22, s21;
	v2 =	vimm.s32 $0x0;
	vm0 =	vgt.f32 v3, v4;
	v4 =	vmax.f32 v4, v3  }
.LBB2_42:
0x1c4: {  	p0 =	sne.s32 s20, $0x3F  }
0x1c5: {  	v3 =	vld [tilespmem:s21+$0x420];
	v2 =	vsel vm0, s15, v2;
	s15 =	smov.u32 s16;
	s16 =	smov.u32 s20;
	s20 =	sadd.s32 $0x1, s20  }
.Ltmp20:
0x1c6: {  	(pc) =	sbr.rel @p0 .LBB2_42-.Ltmp20, $4  }
0x1c7: {  	_ = 	snop  }
0x1c8: {  	s18 =	sadd.s32 $0x80, s18;
	s19 =	sadd.s32 $0x100, s19  }
0x1c9: {  	s21 =	sand.u32 $0x3800, s19;
	s22 =	sand.u32 $0x380, s18  }
0x1ca: {  	s21 =	sor.u32 s22, s21;
	vm0 =	vgt.f32 v3, v4;
	v4 =	vmax.f32 v4, v3  }
0x1cb: {  	v5 =	vld [tilespmem:s21+$0x420]  }
0x1cc: {  	v6 =	vld [tilespmem:s17+$0x420];
	_ =	sdelay $0x2  }
0x1cd: {  	s18 =	simm.s32 $0x100;
	s19 =	simm.s32 $0x80  }
0x1ce: {  	s28 =	sand.u32 $0x3800, s18;
	s29 =	sand.u32 $0x380, s19;
	v3 =	vmax.f32 v4, v5  }
0x1cf: {  	s17 =	sor.u32 s29, s28;
	v6 =	vsub.f32 v6, v3  }
0x1d0: {  	v7 =	vld [tilespmem:s17+$0x420]  }
0x1d1: {  	vm15 =	vgt.f32 v5, v4;
	v5 =	vmul.f32 $1.442695020e+00, v6;
	_ =	sdelay $0x1  }
0x1d2: {  	v2 =	vsel vm0, s15, v2;
	s30 =	simm.s32 $0x200;
	s15 =	simm.s32 $0x100;
	(erf) = vpow2.f32 v5  }
0x1d3: {  	s31 =	sand.u32 $0x380, s15;
	s17 =	sand.u32 $0x3800, s30  }
0x1d4: {  	s17 =	sor.u32 s31, s17;
	v6 =	vsub.f32 v7, v3  }
0x1d5: {  	v5 =	vld [tilespmem:s17+$0x420]  }
0x1d6: {  	v4 =	vimm.f32 $0.0e+00;
	v2 =	vsel vm15, s16, v2;
	s16 =	simm.s32 $0x300;
	v6 =	vmul.f32 $1.442695020e+00, v6  }
.LBB2_44:
0x1d7: {  	p0 =	sne.s32 s16, $0x3F00  }
.Ltmp21:
0x1d8: {  	s17 =	sand.u32 $0x3800, s16;
	s15 =	sadd.s32 $0x80, s15;
	(erf) = vpow2.f32 v6;
	(pc) =	sbr.rel @p0 .LBB2_44-.Ltmp21, $4  }
0x1d9: {  	s16 =	sadd.s32 $0x100, s16;
	s18 =	sand.u32 $0x380, s15  }
0x1da: {  	s17 =	sor.u32 s18, s17;
	v6 =	vsub.f32 v5, v3  }
0x1db: {  	v5 =	vld [tilespmem:s17+$0x420];
	v7 =	vpop (erf)  }
0x1dc: {  	v6 =	vmul.f32 $1.442695020e+00, v6;
	v4 =	vadd.f32 v7, v4  }
0x1dd: {  	_ =	sdelay $0x2  }
0x1de: {  	v3 =	vsub.f32 v5, v3;
	_ =	sdelay $0x1  }
0x1df: {  	(erf) = vpow2.f32 v6;
	v3 =	vmul.f32 $1.442695020e+00, v3;
	_ =	sdelay $0x1  }
0x1e0: {  	(erf) = vpow2.f32 v3;
	_ =	sdelay $0x4  }
0x1e1: {  	v3 =	vpop (erf)  }
0x1e2: {  	v3 =	vadd.f32 v3, v4  }
0x1e3: {  	v4 =	vpop (erf)  }
0x1e4: {  	v3 =	vadd.f32 v4, v3  }
0x1e5: {  	v4 =	vpop (erf)  }
0x1e6: {  	v3 =	vadd.f32 v4, v3;
	_ =	sdelay $0x1  }
0x1e7: {  	(erf) = vrcp.f32 v3;
	_ =	sdelay $0x7  }
0x1e8: {  	s15 =	simm.s32 $0x0  }
0x1e9: {  	[tilespmem:$0x40A0] =	vst v2;
	s16 =	sand.u32 $0x3800, s15;
	s17 =	sand.u32 $0x380, s15;
	v2 =	vpop (erf)  }
0x1ea: {  	s17 =	sor.u32 s17, s16;
	[tilespmem:$0x41A0] =	vst v2  }
0x1eb: {  	v3 =	vld [tilespmem:s17+$0x430];
	_ =	sdelay $0x2  }
0x1ec: {  	s18 =	simm.s32 $0x80;
	s19 =	simm.s32 $0x100  }
0x1ed: {  	s21 =	sand.u32 $0x3800, s19;
	s22 =	sand.u32 $0x380, s18;
	v4 =	vimm.f32 $-Inf  }
0x1ee: {  	s20 =	simm.s32 $0x2;
	s16 =	simm.s32 $0x1;
	s21 =	sor.u32 s22, s21;
	v2 =	vimm.s32 $0x0;
	vm0 =	vgt.f32 v3, v4;
	v4 =	vmax.f32 v4, v3  }
.LBB2_46:
0x1ef: {  	p0 =	sne.s32 s20, $0x3F  }
0x1f0: {  	v3 =	vld [tilespmem:s21+$0x430];
	v2 =	vsel vm0, s15, v2;
	s15 =	smov.u32 s16;
	s16 =	smov.u32 s20;
	s20 =	sadd.s32 $0x1, s20  }
.Ltmp22:
0x1f1: {  	(pc) =	sbr.rel @p0 .LBB2_46-.Ltmp22, $4  }
0x1f2: {  	_ = 	snop  }
0x1f3: {  	s18 =	sadd.s32 $0x80, s18;
	s19 =	sadd.s32 $0x100, s19  }
0x1f4: {  	s21 =	sand.u32 $0x3800, s19;
	s22 =	sand.u32 $0x380, s18  }
0x1f5: {  	s21 =	sor.u32 s22, s21;
	vm0 =	vgt.f32 v3, v4;
	v4 =	vmax.f32 v4, v3  }
0x1f6: {  	v5 =	vld [tilespmem:s21+$0x430]  }
0x1f7: {  	v6 =	vld [tilespmem:s17+$0x430];
	_ =	sdelay $0x2  }
0x1f8: {  	s18 =	simm.s32 $0x100;
	s19 =	simm.s32 $0x80  }
0x1f9: {  	s28 =	sand.u32 $0x3800, s18;
	s29 =	sand.u32 $0x380, s19;
	v3 =	vmax.f32 v4, v5  }
0x1fa: {  	s17 =	sor.u32 s29, s28;
	v6 =	vsub.f32 v6, v3  }
0x1fb: {  	v7 =	vld [tilespmem:s17+$0x430]  }
0x1fc: {  	vm15 =	vgt.f32 v5, v4;
	v5 =	vmul.f32 $1.442695020e+00, v6;
	_ =	sdelay $0x1  }
0x1fd: {  	v2 =	vsel vm0, s15, v2;
	s30 =	simm.s32 $0x200;
	s15 =	simm.s32 $0x100;
	(erf) = vpow2.f32 v5  }
0x1fe: {  	s31 =	sand.u32 $0x380, s15;
	s17 =	sand.u32 $0x3800, s30  }
0x1ff: {  	s17 =	sor.u32 s31, s17;
	v6 =	vsub.f32 v7, v3  }
0x200: {  	v5 =	vld [tilespmem:s17+$0x430]  }
0x201: {  	v4 =	vimm.f32 $0.0e+00;
	v2 =	vsel vm15, s16, v2;
	s16 =	simm.s32 $0x300;
	v6 =	vmul.f32 $1.442695020e+00, v6  }
.LBB2_48:
0x202: {  	p0 =	sne.s32 s16, $0x3F00  }
.Ltmp23:
0x203: {  	s17 =	sand.u32 $0x3800, s16;
	s15 =	sadd.s32 $0x80, s15;
	(erf) = vpow2.f32 v6;
	(pc) =	sbr.rel @p0 .LBB2_48-.Ltmp23, $4  }
0x204: {  	s16 =	sadd.s32 $0x100, s16;
	s18 =	sand.u32 $0x380, s15  }
0x205: {  	s17 =	sor.u32 s18, s17;
	v6 =	vsub.f32 v5, v3  }
0x206: {  	v5 =	vld [tilespmem:s17+$0x430];
	v7 =	vpop (erf)  }
0x207: {  	v6 =	vmul.f32 $1.442695020e+00, v6;
	v4 =	vadd.f32 v7, v4  }
0x208: {  	_ =	sdelay $0x2  }
0x209: {  	v3 =	vsub.f32 v5, v3;
	_ =	sdelay $0x1  }
0x20a: {  	(erf) = vpow2.f32 v6;
	v3 =	vmul.f32 $1.442695020e+00, v3;
	_ =	sdelay $0x1  }
0x20b: {  	(erf) = vpow2.f32 v3;
	_ =	sdelay $0x4  }
0x20c: {  	v3 =	vpop (erf)  }
0x20d: {  	v3 =	vadd.f32 v3, v4  }
0x20e: {  	v4 =	vpop (erf)  }
0x20f: {  	v3 =	vadd.f32 v4, v3  }
0x210: {  	v4 =	vpop (erf)  }
0x211: {  	v3 =	vadd.f32 v4, v3;
	_ =	sdelay $0x1  }
0x212: {  	(erf) = vrcp.f32 v3;
	_ =	sdelay $0x7  }
0x213: {  	s15 =	simm.s32 $0x0  }
0x214: {  	[tilespmem:$0x40B0] =	vst v2;
	s16 =	sand.u32 $0x3800, s15;
	s17 =	sand.u32 $0x380, s15;
	v2 =	vpop (erf)  }
0x215: {  	s17 =	sor.u32 s17, s16;
	[tilespmem:$0x41B0] =	vst v2  }
0x216: {  	v3 =	vld [tilespmem:s17+$0x440];
	_ =	sdelay $0x2  }
0x217: {  	s18 =	simm.s32 $0x80;
	s19 =	simm.s32 $0x100  }
0x218: {  	s21 =	sand.u32 $0x3800, s19;
	s22 =	sand.u32 $0x380, s18;
	v4 =	vimm.f32 $-Inf  }
0x219: {  	s20 =	simm.s32 $0x2;
	s16 =	simm.s32 $0x1;
	s21 =	sor.u32 s22, s21;
	v2 =	vimm.s32 $0x0;
	vm0 =	vgt.f32 v3, v4;
	v4 =	vmax.f32 v4, v3  }
.LBB2_50:
0x21a: {  	p0 =	sne.s32 s20, $0x3F  }
0x21b: {  	v3 =	vld [tilespmem:s21+$0x440];
	v2 =	vsel vm0, s15, v2;
	s15 =	smov.u32 s16;
	s16 =	smov.u32 s20;
	s20 =	sadd.s32 $0x1, s20  }
.Ltmp24:
0x21c: {  	(pc) =	sbr.rel @p0 .LBB2_50-.Ltmp24, $4  }
0x21d: {  	_ = 	snop  }
0x21e: {  	s18 =	sadd.s32 $0x80, s18;
	s19 =	sadd.s32 $0x100, s19  }
0x21f: {  	s21 =	sand.u32 $0x3800, s19;
	s22 =	sand.u32 $0x380, s18  }
0x220: {  	s21 =	sor.u32 s22, s21;
	vm0 =	vgt.f32 v3, v4;
	v4 =	vmax.f32 v4, v3  }
0x221: {  	v5 =	vld [tilespmem:s21+$0x440]  }
0x222: {  	v6 =	vld [tilespmem:s17+$0x440];
	_ =	sdelay $0x2  }
0x223: {  	s18 =	simm.s32 $0x100;
	s19 =	simm.s32 $0x80  }
0x224: {  	s28 =	sand.u32 $0x3800, s18;
	s29 =	sand.u32 $0x380, s19;
	v3 =	vmax.f32 v4, v5  }
0x225: {  	s17 =	sor.u32 s29, s28;
	v6 =	vsub.f32 v6, v3  }
0x226: {  	v7 =	vld [tilespmem:s17+$0x440]  }
0x227: {  	vm15 =	vgt.f32 v5, v4;
	v5 =	vmul.f32 $1.442695020e+00, v6;
	_ =	sdelay $0x1  }
0x228: {  	v2 =	vsel vm0, s15, v2;
	s30 =	simm.s32 $0x200;
	s15 =	simm.s32 $0x100;
	(erf) = vpow2.f32 v5  }
0x229: {  	s31 =	sand.u32 $0x380, s15;
	s17 =	sand.u32 $0x3800, s30  }
0x22a: {  	s17 =	sor.u32 s31, s17;
	v6 =	vsub.f32 v7, v3  }
0x22b: {  	v5 =	vld [tilespmem:s17+$0x440]  }
0x22c: {  	v4 =	vimm.f32 $0.0e+00;
	v2 =	vsel vm15, s16, v2;
	s16 =	simm.s32 $0x300;
	v6 =	vmul.f32 $1.442695020e+00, v6  }
.LBB2_52:
0x22d: {  	p0 =	sne.s32 s16, $0x3F00  }
.Ltmp25:
0x22e: {  	s17 =	sand.u32 $0x3800, s16;
	s15 =	sadd.s32 $0x80, s15;
	(erf) = vpow2.f32 v6;
	(pc) =	sbr.rel @p0 .LBB2_52-.Ltmp25, $4  }
0x22f: {  	s16 =	sadd.s32 $0x100, s16;
	s18 =	sand.u32 $0x380, s15  }
0x230: {  	s17 =	sor.u32 s18, s17;
	v6 =	vsub.f32 v5, v3  }
0x231: {  	v5 =	vld [tilespmem:s17+$0x440];
	v7 =	vpop (erf)  }
0x232: {  	v6 =	vmul.f32 $1.442695020e+00, v6;
	v4 =	vadd.f32 v7, v4  }
0x233: {  	_ =	sdelay $0x2  }
0x234: {  	v3 =	vsub.f32 v5, v3;
	_ =	sdelay $0x1  }
0x235: {  	(erf) = vpow2.f32 v6;
	v3 =	vmul.f32 $1.442695020e+00, v3;
	_ =	sdelay $0x1  }
0x236: {  	(erf) = vpow2.f32 v3;
	_ =	sdelay $0x4  }
0x237: {  	v3 =	vpop (erf)  }
0x238: {  	v3 =	vadd.f32 v3, v4  }
0x239: {  	v4 =	vpop (erf)  }
0x23a: {  	v3 =	vadd.f32 v4, v3  }
0x23b: {  	v4 =	vpop (erf)  }
0x23c: {  	v3 =	vadd.f32 v4, v3;
	_ =	sdelay $0x1  }
0x23d: {  	(erf) = vrcp.f32 v3;
	_ =	sdelay $0x7  }
0x23e: {  	s15 =	simm.s32 $0x0  }
0x23f: {  	[tilespmem:$0x40C0] =	vst v2;
	s16 =	sand.u32 $0x3800, s15;
	s17 =	sand.u32 $0x380, s15;
	v2 =	vpop (erf)  }
0x240: {  	s17 =	sor.u32 s17, s16;
	[tilespmem:$0x41C0] =	vst v2  }
0x241: {  	v3 =	vld [tilespmem:s17+$0x450];
	_ =	sdelay $0x2  }
0x242: {  	s18 =	simm.s32 $0x80;
	s19 =	simm.s32 $0x100  }
0x243: {  	s21 =	sand.u32 $0x3800, s19;
	s22 =	sand.u32 $0x380, s18;
	v4 =	vimm.f32 $-Inf  }
0x244: {  	s20 =	simm.s32 $0x2;
	s16 =	simm.s32 $0x1;
	s21 =	sor.u32 s22, s21;
	v2 =	vimm.s32 $0x0;
	vm0 =	vgt.f32 v3, v4;
	v4 =	vmax.f32 v4, v3  }
.LBB2_54:
0x245: {  	p0 =	sne.s32 s20, $0x3F  }
0x246: {  	v3 =	vld [tilespmem:s21+$0x450];
	v2 =	vsel vm0, s15, v2;
	s15 =	smov.u32 s16;
	s16 =	smov.u32 s20;
	s20 =	sadd.s32 $0x1, s20  }
.Ltmp26:
0x247: {  	(pc) =	sbr.rel @p0 .LBB2_54-.Ltmp26, $4  }
0x248: {  	_ = 	snop  }
0x249: {  	s18 =	sadd.s32 $0x80, s18;
	s19 =	sadd.s32 $0x100, s19  }
0x24a: {  	s21 =	sand.u32 $0x3800, s19;
	s22 =	sand.u32 $0x380, s18  }
0x24b: {  	s21 =	sor.u32 s22, s21;
	vm0 =	vgt.f32 v3, v4;
	v4 =	vmax.f32 v4, v3  }
0x24c: {  	v5 =	vld [tilespmem:s21+$0x450]  }
0x24d: {  	v6 =	vld [tilespmem:s17+$0x450];
	_ =	sdelay $0x2  }
0x24e: {  	s18 =	simm.s32 $0x100;
	s19 =	simm.s32 $0x80  }
0x24f: {  	s28 =	sand.u32 $0x3800, s18;
	s29 =	sand.u32 $0x380, s19;
	v3 =	vmax.f32 v4, v5  }
0x250: {  	s17 =	sor.u32 s29, s28;
	v6 =	vsub.f32 v6, v3  }
0x251: {  	v7 =	vld [tilespmem:s17+$0x450]  }
0x252: {  	vm15 =	vgt.f32 v5, v4;
	v5 =	vmul.f32 $1.442695020e+00, v6;
	_ =	sdelay $0x1  }
0x253: {  	v2 =	vsel vm0, s15, v2;
	s30 =	simm.s32 $0x200;
	s15 =	simm.s32 $0x100;
	(erf) = vpow2.f32 v5  }
0x254: {  	s31 =	sand.u32 $0x380, s15;
	s17 =	sand.u32 $0x3800, s30  }
0x255: {  	s17 =	sor.u32 s31, s17;
	v6 =	vsub.f32 v7, v3  }
0x256: {  	v5 =	vld [tilespmem:s17+$0x450]  }
0x257: {  	v4 =	vimm.f32 $0.0e+00;
	v2 =	vsel vm15, s16, v2;
	s16 =	simm.s32 $0x300;
	v6 =	vmul.f32 $1.442695020e+00, v6  }
.LBB2_56:
0x258: {  	p0 =	sne.s32 s16, $0x3F00  }
.Ltmp27:
0x259: {  	s17 =	sand.u32 $0x3800, s16;
	s15 =	sadd.s32 $0x80, s15;
	(erf) = vpow2.f32 v6;
	(pc) =	sbr.rel @p0 .LBB2_56-.Ltmp27, $4  }
0x25a: {  	s16 =	sadd.s32 $0x100, s16;
	s18 =	sand.u32 $0x380, s15  }
0x25b: {  	s17 =	sor.u32 s18, s17;
	v6 =	vsub.f32 v5, v3  }
0x25c: {  	v5 =	vld [tilespmem:s17+$0x450];
	v7 =	vpop (erf)  }
0x25d: {  	v6 =	vmul.f32 $1.442695020e+00, v6;
	v4 =	vadd.f32 v7, v4  }
0x25e: {  	_ =	sdelay $0x2  }
0x25f: {  	v3 =	vsub.f32 v5, v3;
	_ =	sdelay $0x1  }
0x260: {  	(erf) = vpow2.f32 v6;
	v3 =	vmul.f32 $1.442695020e+00, v3;
	_ =	sdelay $0x1  }
0x261: {  	(erf) = vpow2.f32 v3;
	_ =	sdelay $0x4  }
0x262: {  	v3 =	vpop (erf)  }
0x263: {  	v3 =	vadd.f32 v3, v4  }
0x264: {  	v4 =	vpop (erf)  }
0x265: {  	v3 =	vadd.f32 v4, v3  }
0x266: {  	v4 =	vpop (erf)  }
0x267: {  	v3 =	vadd.f32 v4, v3;
	_ =	sdelay $0x1  }
0x268: {  	(erf) = vrcp.f32 v3;
	_ =	sdelay $0x7  }
0x269: {  	s15 =	simm.s32 $0x0  }
0x26a: {  	[tilespmem:$0x40D0] =	vst v2;
	s16 =	sand.u32 $0x3800, s15;
	s17 =	sand.u32 $0x380, s15;
	v2 =	vpop (erf)  }
0x26b: {  	s17 =	sor.u32 s17, s16;
	[tilespmem:$0x41D0] =	vst v2  }
0x26c: {  	v3 =	vld [tilespmem:s17+$0x460];
	_ =	sdelay $0x2  }
0x26d: {  	s18 =	simm.s32 $0x80;
	s19 =	simm.s32 $0x100  }
0x26e: {  	s21 =	sand.u32 $0x3800, s19;
	s22 =	sand.u32 $0x380, s18;
	v4 =	vimm.f32 $-Inf  }
0x26f: {  	s20 =	simm.s32 $0x2;
	s16 =	simm.s32 $0x1;
	s21 =	sor.u32 s22, s21;
	v2 =	vimm.s32 $0x0;
	vm0 =	vgt.f32 v3, v4;
	v4 =	vmax.f32 v4, v3  }
.LBB2_58:
0x270: {  	p0 =	sne.s32 s20, $0x3F  }
0x271: {  	v3 =	vld [tilespmem:s21+$0x460];
	v2 =	vsel vm0, s15, v2;
	s15 =	smov.u32 s16;
	s16 =	smov.u32 s20;
	s20 =	sadd.s32 $0x1, s20  }
.Ltmp28:
0x272: {  	(pc) =	sbr.rel @p0 .LBB2_58-.Ltmp28, $4  }
0x273: {  	_ = 	snop  }
0x274: {  	s18 =	sadd.s32 $0x80, s18;
	s19 =	sadd.s32 $0x100, s19  }
0x275: {  	s21 =	sand.u32 $0x3800, s19;
	s22 =	sand.u32 $0x380, s18  }
0x276: {  	s21 =	sor.u32 s22, s21;
	vm0 =	vgt.f32 v3, v4;
	v4 =	vmax.f32 v4, v3  }
0x277: {  	v5 =	vld [tilespmem:s21+$0x460]  }
0x278: {  	v6 =	vld [tilespmem:s17+$0x460];
	_ =	sdelay $0x2  }
0x279: {  	s18 =	simm.s32 $0x100;
	s19 =	simm.s32 $0x80  }
0x27a: {  	s28 =	sand.u32 $0x3800, s18;
	s29 =	sand.u32 $0x380, s19;
	v3 =	vmax.f32 v4, v5  }
0x27b: {  	s17 =	sor.u32 s29, s28;
	v6 =	vsub.f32 v6, v3  }
0x27c: {  	v7 =	vld [tilespmem:s17+$0x460]  }
0x27d: {  	vm15 =	vgt.f32 v5, v4;
	v5 =	vmul.f32 $1.442695020e+00, v6;
	_ =	sdelay $0x1  }
0x27e: {  	v2 =	vsel vm0, s15, v2;
	s30 =	simm.s32 $0x200;
	s15 =	simm.s32 $0x100;
	(erf) = vpow2.f32 v5  }
0x27f: {  	s31 =	sand.u32 $0x380, s15;
	s17 =	sand.u32 $0x3800, s30  }
0x280: {  	s17 =	sor.u32 s31, s17;
	v6 =	vsub.f32 v7, v3  }
0x281: {  	v5 =	vld [tilespmem:s17+$0x460]  }
0x282: {  	v4 =	vimm.f32 $0.0e+00;
	v2 =	vsel vm15, s16, v2;
	s16 =	simm.s32 $0x300;
	v6 =	vmul.f32 $1.442695020e+00, v6  }
.LBB2_60:
0x283: {  	p0 =	sne.s32 s16, $0x3F00  }
.Ltmp29:
0x284: {  	s17 =	sand.u32 $0x3800, s16;
	s15 =	sadd.s32 $0x80, s15;
	(erf) = vpow2.f32 v6;
	(pc) =	sbr.rel @p0 .LBB2_60-.Ltmp29, $4  }
0x285: {  	s16 =	sadd.s32 $0x100, s16;
	s18 =	sand.u32 $0x380, s15  }
0x286: {  	s17 =	sor.u32 s18, s17;
	v6 =	vsub.f32 v5, v3  }
0x287: {  	v5 =	vld [tilespmem:s17+$0x460];
	v7 =	vpop (erf)  }
0x288: {  	v6 =	vmul.f32 $1.442695020e+00, v6;
	v4 =	vadd.f32 v7, v4  }
0x289: {  	_ =	sdelay $0x2  }
0x28a: {  	v3 =	vsub.f32 v5, v3;
	_ =	sdelay $0x1  }
0x28b: {  	(erf) = vpow2.f32 v6;
	v3 =	vmul.f32 $1.442695020e+00, v3;
	_ =	sdelay $0x1  }
0x28c: {  	(erf) = vpow2.f32 v3;
	_ =	sdelay $0x4  }
0x28d: {  	v3 =	vpop (erf)  }
0x28e: {  	v3 =	vadd.f32 v3, v4  }
0x28f: {  	v4 =	vpop (erf)  }
0x290: {  	v3 =	vadd.f32 v4, v3  }
0x291: {  	v4 =	vpop (erf)  }
0x292: {  	v3 =	vadd.f32 v4, v3;
	_ =	sdelay $0x1  }
0x293: {  	(erf) = vrcp.f32 v3;
	_ =	sdelay $0x7  }
0x294: {  	s15 =	simm.s32 $0x0  }
0x295: {  	[tilespmem:$0x40E0] =	vst v2;
	s16 =	sand.u32 $0x3800, s15;
	s17 =	sand.u32 $0x380, s15;
	v2 =	vpop (erf)  }
0x296: {  	s17 =	sor.u32 s17, s16;
	[tilespmem:$0x41E0] =	vst v2  }
0x297: {  	v3 =	vld [tilespmem:s17+$0x470];
	_ =	sdelay $0x2  }
0x298: {  	s18 =	simm.s32 $0x80;
	s19 =	simm.s32 $0x100  }
0x299: {  	s21 =	sand.u32 $0x3800, s19;
	s22 =	sand.u32 $0x380, s18;
	v4 =	vimm.f32 $-Inf  }
0x29a: {  	s20 =	simm.s32 $0x2;
	s16 =	simm.s32 $0x1;
	s21 =	sor.u32 s22, s21;
	v2 =	vimm.s32 $0x0;
	vm0 =	vgt.f32 v3, v4;
	v3 =	vmax.f32 v4, v3  }
.LBB2_62:
0x29b: {  	p0 =	sne.s32 s20, $0x3F  }
0x29c: {  	v4 =	vld [tilespmem:s21+$0x470];
	v2 =	vsel vm0, s15, v2;
	s15 =	smov.u32 s16;
	s16 =	smov.u32 s20;
	s20 =	sadd.s32 $0x1, s20  }
.Ltmp30:
0x29d: {  	(pc) =	sbr.rel @p0 .LBB2_62-.Ltmp30, $4  }
0x29e: {  	_ = 	snop  }
0x29f: {  	s18 =	sadd.s32 $0x80, s18;
	s19 =	sadd.s32 $0x100, s19  }
0x2a0: {  	s21 =	sand.u32 $0x3800, s19;
	s22 =	sand.u32 $0x380, s18  }
0x2a1: {  	s21 =	sor.u32 s22, s21;
	vm0 =	vgt.f32 v4, v3;
	v3 =	vmax.f32 v3, v4  }
0x2a2: {  	v5 =	vld [tilespmem:s21+$0x470]  }
0x2a3: {  	v6 =	vld [tilespmem:s17+$0x470];
	_ =	sdelay $0x2  }
0x2a4: {  	s18 =	simm.s32 $0x100;
	s19 =	simm.s32 $0x80  }
0x2a5: {  	s28 =	sand.u32 $0x3800, s18;
	s29 =	sand.u32 $0x380, s19;
	v4 =	vmax.f32 v3, v5  }
0x2a6: {  	s17 =	sor.u32 s29, s28;
	v6 =	vsub.f32 v6, v4  }
0x2a7: {  	v7 =	vld [tilespmem:s17+$0x470]  }
0x2a8: {  	vm15 =	vgt.f32 v5, v3;
	v5 =	vmul.f32 $1.442695020e+00, v6;
	_ =	sdelay $0x1  }
0x2a9: {  	v2 =	vsel vm0, s15, v2;
	s30 =	simm.s32 $0x200;
	s15 =	simm.s32 $0x100;
	(erf) = vpow2.f32 v5  }
0x2aa: {  	s31 =	sand.u32 $0x380, s15;
	s17 =	sand.u32 $0x3800, s30  }
0x2ab: {  	s17 =	sor.u32 s31, s17;
	v6 =	vsub.f32 v7, v4  }
0x2ac: {  	v5 =	vld [tilespmem:s17+$0x470]  }
0x2ad: {  	v3 =	vimm.f32 $0.0e+00;
	v2 =	vsel vm15, s16, v2;
	s16 =	simm.s32 $0x300;
	v6 =	vmul.f32 $1.442695020e+00, v6  }
.LBB2_64:
0x2ae: {  	p0 =	sne.s32 s16, $0x3F00  }
.Ltmp31:
0x2af: {  	s17 =	sand.u32 $0x3800, s16;
	s15 =	sadd.s32 $0x80, s15;
	(erf) = vpow2.f32 v6;
	(pc) =	sbr.rel @p0 .LBB2_64-.Ltmp31, $4  }
0x2b0: {  	s16 =	sadd.s32 $0x100, s16;
	s18 =	sand.u32 $0x380, s15  }
0x2b1: {  	s17 =	sor.u32 s18, s17;
	v6 =	vsub.f32 v5, v4  }
0x2b2: {  	v5 =	vld [tilespmem:s17+$0x470];
	v7 =	vpop (erf)  }
0x2b3: {  	v6 =	vmul.f32 $1.442695020e+00, v6;
	v3 =	vadd.f32 v7, v3  }
0x2b4: {  	v7 =	vld [tilespmem:$0x4000]  }
0x2b5: {  	v8 =	vld [tilespmem:$0x4010];
	_ =	sdelay $0x1  }
0x2b6: {  	v9 =	vld [tilespmem:$0x4020]  }
0x2b7: {  	s16 =	simm.s32 $0x0  }
0x2b8: {  	vm0 =	veq.s32 v7, s16  }
0x2b9: {  	vm1 =	veq.s32 v8, s16;
	v8 =	vsel vm0, $0x1, v0  }
0x2ba: {  	(xrf0) =	vadd.scan.msk.s32 $0xffff, v8;
	v8 =	vld [tilespmem:$0x4030]  }
0x2bb: {  	v10 =	vld [tilespmem:$0x4040];
	vm11 =	veq.s32 v9, s16;
	v9 =	vsel vm1, $0x1, v0  }
0x2bc: {  	v7 =	vld [tilespmem:$0x4050];
	v11 =	vsel vm11, $0x1, v0;
	(xrf0) =	vadd.scan.msk.s32 $0xffff, v9  }
0x2bd: {  	(xrf0) =	vadd.scan.msk.s32 $0xffff, v11;
	_ =	sdelay $0x1  }
0x2be: {  	vm12 =	veq.s32 v8, s16  }
0x2bf: {  	(erf) = vpow2.f32 v6;
	v6 =	vld [tilespmem:$0x4060];
	v9 =	vsel vm12, $0x1, v0  }
0x2c0: {  	vm3 =	veq.s32 v10, s16;
	vm2 =	veq.s32 v7, s16;
	v7, _, _ =	vpop (xrf0)  }
0x2c1: {  	vm3 =	vmmov vm3;
	v8, _, _ =	vpop (xrf0);
	(v2sf) =	vpush v7, $0xF;
	(xrf0) =	vadd.scan.msk.s32 $0xffff, v9  }
0x2c2: {  	v10 =	vsel vm3, $0x1, v0;
	v11 =	vld [tilespmem:$0x4070];
	(v2sf) =	vpush v8, $0xF;
	v9, _, _ =	vpop (xrf0)  }
0x2c3: {  	vm8 =	vmmov vm2;
	(xrf0) =	vadd.scan.msk.s32 $0xffff, v10;
	v10 =	vld [tilespmem:$0x4080];
	(v2sf) =	vpush v9, $0xF  }
0x2c4: {  	vm10 =	veq.s32 v6, s16;
	v12 =	vsel vm8, $0x1, v0  }
0x2c5: {  	v4 =	vsub.f32 v5, v4;
	v6 =	vsel vm10, $0x1, v0;
	(xrf0) =	vadd.scan.msk.s32 $0xffff, v12;
	v12 =	vld [tilespmem:$0x4090]  }
0x2c6: {  	(xrf0) =	vadd.scan.msk.s32 $0xffff, v6  }
0x2c7: {  	v4 =	vmul.f32 $1.442695020e+00, v4;
	vm9 =	veq.s32 v11, s16;
	v11, _, _ =	vpop (xrf0)  }
0x2c8: {  	v16 =	vld [tilespmem:$0x40B0];
	v13 =	vsel vm9, $0x1, v0;
	v6 =	vpop (erf);
	vm6 =	veq.s32 v10, s16;
	(v2sf) =	vpush v11, $0xF  }
0x2c9: {  	v5 =	vld [tilespmem:$0x40A0];
	v3 =	vadd.f32 v6, v3;
	(xrf0) =	vadd.scan.msk.s32 $0xffff, v13;
	v14, _, _ =	vpop (xrf0);
	v15 =	vsel vm6, $0x1, v0  }
0x2ca: {  	v6 =	vpop (erf);
	vm7 =	veq.s32 v12, s16;
	(v2sf) =	vpush v14, $0xF;
	(xrf0) =	vadd.scan.msk.s32 $0xffff, v15;
	v15 =	vld [tilespmem:$0x40C0]  }
0x2cb: {  	(erf) = vpow2.f32 v4;
	v10 =	vld [tilespmem:$0x40E0];
	v6 =	vadd.f32 v6, v3;
	v13, _, _ =	vpop (xrf0);
	v3 =	vsel vm7, $0x1, v0  }
0x2cc: {  	vm0 =	vmmov vm0;
	v12 =	vld [tilespmem:$0x4200];
	(v2sf) =	vpush v13, $0xF;
	v4, _, _ =	vpop (xrf0);
	(xrf0) =	vadd.scan.msk.s32 $0xffff, v3  }
0x2cd: {  	vm5 =	vmmov vm1;
	vm1 =	veq.s32 v16, s16;
	v3 =	vld [tilespmem:$0x4210];
	(v2sf) =	vpush v4, $0xF  }
0x2ce: {  	v17 =	vld [tilespmem:$0x40D0];
	vm11 =	vmmov vm11;
	vm4 =	veq.s32 v5, s16;
	v7 =	vadd.s32 $0xFFFFFFFF, v7  }
0x2cf: {  	[tilespmem:$0x40F0] =	vst v2;
	v5 =	vsel vm4, $0x1, v0;
	v16, _, _ =	vpop (xrf0);
	vm2 =	veq.s32 v15, s16;
	v15 =	vbroadcast v7, $0xF  }
0x2d0: {  	vm12 =	vmmov vm12;
	(xrf0) =	vadd.scan.msk.s32 $0xffff, v5;
	v5 =	vsel vm1, $0x1, v0;
	(v2sf) =	vpush v16, $0xF;
	s15 =	spop (v2sf)  }
0x2d1: {  	v26 =	vld [tilespmem:$0x4010];
	(xrf0) =	vadd.scan.msk.s32 $0xffff, v5;
	v5 =	vsel vm0, v7, v12;
	v18, _, _ =	vpop (xrf0);
	v19 =	vsel vm2, $0x1, v0;
	s17 =	spop (v2sf);
	v2 =	vadd.s32 v8, v15  }
0x2d2: {  	vm0 =	veq.s32 v10, s16;
	v7 =	vld [tilespmem:$0x4050];
	(v2sf) =	vpush v18, $0xF;
	v12, _, _ =	vpop (xrf0);
	s15 =	sadd.s32 s15, s17;
	v3 =	vsel vm5, v2, v3;
	s30 =	spop (v2sf)  }
0x2d3: {  	v20 =	vld [tilespmem:$0x40F0];
	(xrf0) =	vadd.scan.msk.s32 $0xffff, v19;
	vm5 =	veq.s32 v17, s16;
	v2 =	vsel vm0, $0x1, v0;
	(v2sf) =	vpush v12, $0xF;
	s17 =	sadd.s32 s15, s30  }
0x2d4: {  	v8 =	vld [tilespmem:$0x4220];
	v10 =	vsel vm5, $0x1, v0;
	(xrf0) =	vadd.scan.msk.s32 $0xffff, v2;
	v2 =	vmov s15;
	v19 =	vpop (erf);
	v15 =	vmov s17  }
0x2d5: {  	v17 =	vld [tilespmem:$0x4230];
	v21 =	vadd.s32 $0xFFFFFFFF, v2;
	v2 =	vadd.f32 v19, v6;
	s15 =	simm.s32 $0x1;
	v15 =	vadd.s32 $0xFFFFFFFF, v15  }
0x2d6: {  	v22 =	vld [tilespmem:$0x4000];
	v19, _, _ =	vpop (xrf0);
	(xrf0) =	vadd.scan.msk.s32 $0xffff, v10;
	v6 =	vbroadcast v21, $0x0;
	vm13 =	veq.s32 v26, s15;
	v10 =	vbroadcast v15, $0x0  }
0x2d7: {  	(v2sf) =	vpush v19, $0xF;
	vm14 =	veq.s32 v7, s15;
	v38 =	vsel vm13, $0x1, v0;
	s18 =	spop (v2sf)  }
0x2d8: {  	v34 =	vld [tilespmem:$0x4030];
	(erf) = vrcp.f32 v2;
	v6 =	vadd.s32 v9, v6;
	s17 =	sadd.s32 s17, s18;
	v9 =	vadd.s32 v11, v10  }
0x2d9: {  	v25 =	vld [tilespmem:$0x4260];
	v15, _, _ =	vpop (xrf0);
	v11 =	vsel vm11, v6, v8;
	s31 =	spop (v2sf);
	vm11 =	veq.s32 v20, s16;
	v6 =	vmov s17  }
0x2da: {  	v7 =	vld [tilespmem:$0x4240];
	(v2sf) =	vpush v15, $0xF;
	v23, _, _ =	vpop (xrf0);
	v10 =	vsel vm12, v9, v17;
	s17 =	sadd.s32 s17, s31;
	v6 =	vadd.s32 $0xFFFFFFFF, v6  }
0x2db: {  	v44 =	vld [tilespmem:$0x4060];
	s19 =	spop (v2sf);
	vm12 =	veq.s32 v22, s15;
	(v2sf) =	vpush v23, $0xF;
	v17, _, _ =	vpop (xrf0);
	v8 =	vmov s17  }
0x2dc: {  	v9 =	vld [tilespmem:$0x4250];
	s17 =	sadd.s32 s17, s19;
	v6 =	vbroadcast v6, $0x0;
	s20 =	spop (v2sf);
	(v2sf) =	vpush v17, $0xF;
	v20, _, _ =	vpop (xrf0);
	v8 =	vadd.s32 $0xFFFFFFFF, v8  }
0x2dd: {  	v28 =	vld [tilespmem:$0x4270];
	v24 =	vmov s17;
	s17 =	sadd.s32 s17, s20;
	(v2sf) =	vpush v20, $0xF;
	v27 =	vbroadcast v8, $0x0  }
0x2de: {  	v32 =	vld [tilespmem:$0x4080];
	v8 =	vadd.s32 $0xFFFFFFFF, v24;
	v6 =	vadd.s32 v14, v6;
	v35 =	vmov s17  }
0x2df: {  	v29 =	vld [tilespmem:$0x4020];
	v14 =	vbroadcast v8, $0x0;
	v8 =	vsel vm3, v6, v7;
	v6 =	vadd.s32 $0xFFFFFFFF, v35  }
0x2e0: {  	s21 =	spop (v2sf);
	vm3 =	veq.s32 v34, s15;
	v7 =	vadd.s32 v13, v27;
	v13 =	vbroadcast v6, $0x0  }
0x2e1: {  	s17 =	sadd.s32 s17, s21;
	v4 =	vadd.s32 v4, v14;
	v7 =	vsel vm8, v7, v9;
	vm8 =	veq.s32 v44, s15  }
0x2e2: {  	v6 =	vsel vm10, v4, v25;
	v4 =	vmov s17;
	v9 =	vadd.s32 v16, v13  }
0x2e3: {  	s22 =	spop (v2sf);
	v13 =	vld [tilespmem:$0x4280];
	v16 =	vsel vm11, $0x1, v0;
	vm10 =	veq.s32 v32, s15;
	v36 =	vadd.s32 $0xFFFFFFFF, v4  }
0x2e4: {  	v14 =	vld [tilespmem:$0x4040];
	s17 =	sadd.s32 s17, s22;
	s23 =	spop (v2sf);
	v4 =	vsel vm9, v9, v28;
	vm9 =	veq.s32 v29, s15;
	v9 =	vsel vm12, $0x1, v0;
	(xrf0) =	vadd.scan.msk.s32 $0xffff, v16  }
0x2e5: {  	v39 =	vmov s17;
	s17 =	sadd.s32 s17, s23;
	v55 =	vsel vm10, $0x1, v0;
	v16 =	vbroadcast v36, $0x0;
	(xrf0) =	vadd.scan.msk.s32 $0xffff, v9  }
0x2e6: {  	v37 =	vsel vm9, $0x1, v0;
	v9 =	vadd.s32 $0xFFFFFFFF, v39;
	v40 =	vmov s17;
	s24 =	spop (v2sf)  }
0x2e7: {  	vm9 =	vmmov vm9;
	(xrf0) =	vadd.scan.msk.s32 $0xffff, v38;
	v22 =	vadd.s32 $0xFFFFFFFF, v40;
	v16 =	vadd.s32 v18, v16;
	s17 =	sadd.s32 s17, s24  }
0x2e8: {  	v42 =	vld [tilespmem:$0x42A0];
	v18 =	vbroadcast v9, $0x0;
	v9 =	vsel vm6, v16, v13;
	v13 =	vmov s17  }
0x2e9: {  	(xrf0) =	vadd.scan.msk.s32 $0xffff, v37;
	vm6 =	veq.s32 v14, s15;
	v14 =	vbroadcast v22, $0x0;
	v16 =	vld [tilespmem:$0x4290];
	v13 =	vadd.s32 $0xFFFFFFFF, v13  }
0x2ea: {  	v46 =	vld [tilespmem:$0x4070];
	[tilespmem:$0x4270] =	vst v4;
	v4 =	vor.u32 $0x30, v1;
	v12 =	vadd.s32 v12, v18;
	v41, _, _ =	vpop (xrf0);
	v13 =	vbroadcast v13, $0x0  }
0x2eb: {  	v47 =	vld [tilespmem:$0x42B0];
	vm6 =	vmmov vm6;
	v14 =	vadd.s32 v19, v14;
	s25 =	spop (v2sf);
	v19, _, _ =	vpop (xrf0);
	(v2sf) =	vpush v41, $0xF  }
0x2ec: {  	v56 =	vld [tilespmem:$0x40B0];
	s17 =	sadd.s32 s17, s25;
	v15 =	vadd.s32 v15, v13;
	(v2sf) =	vpush v19, $0xF;
	v13 =	vsel vm3, $0x1, v0  }
0x2ed: {  	v45, _, _ =	vpop (xrf0);
	v19 =	vadd.s32 $0xFFFFFFFF, v19;
	vm3 =	vmmov vm3;
	v18 =	vmov s17  }
0x2ee: {  	(v2sf) =	vpush v45, $0xF;
	v12 =	vsel vm7, v12, v16;
	v16 =	vsel vm6, $0x1, v0  }
0x2ef: {  	s26 =	spop (v2sf);
	(xrf0) =	vadd.scan.msk.s32 $0xffff, v13;
	v31, _, _ =	vpop (xrf0);
	vm7 =	vmmov vm14;
	v13 =	vsel vm4, v14, v42;
	v14 =	vsel vm8, $0x1, v0  }
0x2f0: {  	s28 =	spop (v2sf);
	vm4 =	veq.s32 v46, s15;
	v15 =	vsel vm1, v15, v47;
	(v2sf) =	vpush v31, $0xF  }
0x2f1: {  	v48 =	vld [tilespmem:$0x42C0];
	s17 =	sadd.s32 s17, s26;
	vm1 =	veq.s32 v56, s15;
	v46 =	vmov s16;
	v18 =	vadd.s32 $0xFFFFFFFF, v18;
	s19 =	spop (v2sf);
	(xrf0) =	vadd.scan.msk.s32 $0xffff, v16  }
0x2f2: {  	v43 =	vmov s17;
	v16 =	vld [tilespmem:$0x42D0];
	v33 =	vsel vm7, $0x1, v0;
	v27 =	vsel vm4, $0x1, v0;
	s17 =	sadd.s32 s17, s19  }
0x2f3: {  	v49 =	vld [tilespmem:$0x4090];
	[tilespmem:$0x4200] =	vst v5;
	v18 =	vbroadcast v18, $0x0;
	v24 =	vadd.s32 $0xFFFFFFFF, v43;
	v30 =	vmov s17  }
0x2f4: {  	v50 =	vld [tilespmem:$0x42E0];
	v39 =	vsel vm1, $0x1, v0;
	(xrf0) =	vadd.scan.msk.s32 $0xffff, v33;
	v24 =	vbroadcast v24, $0x0;
	s17 =	sadd.s32 s17, s28;
	v30 =	vadd.s32 $0xFFFFFFFF, v30  }
0x2f5: {  	v52 =	vld [tilespmem:$0x42F0];
	(xrf0) =	vadd.scan.msk.s32 $0xffff, v14;
	v18 =	vadd.s32 v23, v18;
	v51 =	vmov s17;
	v53 =	vbroadcast v30, $0x0  }
0x2f6: {  	v58 =	vld [tilespmem:$0x40C0];
	(xrf0) =	vadd.scan.msk.s32 $0xffff, v27;
	v23 =	vadd.s32 $0xFFFFFFFF, v51;
	v14 =	vsel vm2, v18, v48;
	v18 =	vadd.s32 v20, v24;
	v54, _, _ =	vpop (xrf0)  }
0x2f7: {  	[tilespmem:$0x4210] =	vst v3;
	v20 =	vld [tilespmem:$0x40A0];
	v5 =	vbroadcast v23, $0x0;
	v16 =	vsel vm5, v18, v16;
	(v2sf) =	vpush v54, $0xF;
	v57, _, _ =	vpop (xrf0)  }
0x2f8: {  	v59 =	vld [tilespmem:$0x40E0];
	vm5 =	veq.s32 v49, s15;
	(xrf0) =	vadd.scan.msk.s32 $0xffff, v55;
	v3 =	vadd.s32 v17, v53;
	(v2sf) =	vpush v57, $0xF  }
0x2f9: {  	v60 =	vsel vm5, $0x1, v0;
	v5 =	vadd.s32 v41, v5;
	v18 =	vsel vm0, v3, v50;
	v3 =	vld [tilespmem:$0x4200]  }
0x2fa: {  	[tilespmem:$0x42A0] =	vst v13;
	v13 =	vimm.s32 $0x0;
	v61, _, _ =	vpop (xrf0);
	(xrf0) =	vadd.scan.msk.s32 $0xffff, v60;
	v17 =	vsel vm11, v5, v52;
	v5 =	vld [tilespmem:$0x4210]  }
0x2fb: {  	vm2 =	vmmov vm12;
	vm12 =	vmmov vm13;
	(v2sf) =	vpush v61, $0xF;
	v62, _, _ =	vpop (xrf0)  }
0x2fc: {  	[tilespmem:$0x4220] =	vst v11;
	(v2sf) =	vpush v62, $0xF;
	v63, _, _ =	vpop (xrf0);
	vm11 =	veq.s32 v20, s15;
	v20 =	vbroadcast v19, $0xF;
	s19 =	spop (v2sf)  }
0x2fd: {  	[tilespmem:$0x4230] =	vst v10;
	v38 =	vld [tilespmem:$0x40D0];
	vm0 =	veq.s32 v58, s15;
	(v2sf) =	vpush v63, $0xF;
	v11 =	vsel vm11, $0x1, v0;
	s29 =	spop (v2sf)  }
0x2fe: {  	[tilespmem:$0x42C0] =	vst v14;
	v20 =	vadd.s32 v45, v20;
	v40, _, _ =	vpop (xrf0);
	v10 =	vsel vm2, v19, v3;
	vm2 =	veq.s32 v59, s15;
	s20 =	spop (v2sf)  }
0x2ff: {  	v43 =	vld [tilespmem:$0x4230];
	(xrf0) =	vadd.scan.msk.s32 $0xffff, v11;
	v20 =	vsel vm12, v20, v5;
	vm12 =	vmmov vm2;
	(v2sf) =	vpush v40, $0xF;
	s18 =	sadd.s32 s29, s20;
	s30 =	spop (v2sf)  }
0x300: {  	v41 =	vsel vm0, $0x1, v0;
	v19 =	vld [tilespmem:$0x4220];
	(xrf0) =	vadd.scan.msk.s32 $0xffff, v39;
	v11, _, _ =	vpop (xrf0);
	v5 =	vsel vm12, $0x1, v0;
	v3 =	vmov s18;
	s18 =	sadd.s32 s18, s30  }
0x301: {  	v51 =	vld [tilespmem:$0x40F0];
	(xrf0) =	vadd.scan.msk.s32 $0xffff, v41;
	(v2sf) =	vpush v11, $0xF;
	v3 =	vadd.s32 $0xFFFFFFFF, v3;
	v42 =	vmov s18  }
0x302: {  	vm2 =	veq.s32 v38, s15;
	(xrf0) =	vadd.scan.msk.s32 $0xffff, v5;
	v3 =	vbroadcast v3, $0x0;
	v5 =	vadd.s32 $0xFFFFFFFF, v42  }
0x303: {  	v14 =	vimm.s32 $0x0;
	[tilespmem:$0x42D0] =	vst v16;
	v2 =	vsel vm2, $0x1, v0;
	v21 =	vbroadcast v5, $0x0  }
0x304: {  	v16 =	vimm.s32 $0x0;
	(xrf0) =	vadd.scan.msk.s32 $0xffff, v2;
	v2 =	vadd.s32 v31, v3;
	v3 =	vor.u32 $0x20, v1  }
0x305: {  	[tilespmem:$0x4240] =	vst v8;
	v47, _, _ =	vpop (xrf0);
	v45 =	vsel vm9, v2, v19;
	v2 =	vor.u32 $0x10, v1;
	v19 =	vadd.s32 v54, v21  }
0x306: {  	[tilespmem:$0x4250] =	vst v7;
	v48, _, _ =	vpop (xrf0);
	s31 =	spop (v2sf);
	(v2sf) =	vpush v47, $0xF;
	vm9 =	veq.s32 v51, s15;
	v22 =	vsel vm3, v19, v43  }
0x307: {  	[tilespmem:$0x4200] =	vst v10;
	v49, _, _ =	vpop (xrf0);
	s18 =	sadd.s32 s18, s31;
	s21 =	spop (v2sf);
	(v2sf) =	vpush v48, $0xF;
	vm3 =	veq.s32 v46, v1;
	v10 =	vsel vm9, $0x1, v0  }
0x308: {  	[tilespmem:$0x4260] =	vst v6;
	v37 =	vpop (erf);
	v50 =	vmov s18;
	s18 =	sadd.s32 s18, s21;
	(v2sf) =	vpush v49, $0xF;
	v13 =	vsel vm3, $0xFFFFFFFF, v13  }
0x309: {  	[tilespmem:$0x41F0] =	vst v37;
	vm3 =	veq.s32 v46, v2;
	v19, _, _ =	vpop (xrf0);
	v26 =	vadd.s32 $0xFFFFFFFF, v50;
	v34 =	vmov s18  }
0x30a: {  	[tilespmem:$0x4280] =	vst v9;
	s22 =	spop (v2sf);
	v14 =	vsel vm3, $0xFFFFFFFF, v14;
	vm3 =	veq.s32 v46, v3;
	v35, _, _ =	vpop (xrf0);
	(v2sf) =	vpush v19, $0xF  }
0x30b: {  	v36 =	vld [tilespmem:$0x4240];
	[tilespmem:$0x4290] =	vst v12;
	s18 =	sadd.s32 s18, s22;
	s23 =	spop (v2sf);
	v26 =	vbroadcast v26, $0x0;
	v34 =	vadd.s32 $0xFFFFFFFF, v34;
	(v2sf) =	vpush v35, $0xF  }
0x30c: {  	v8 =	vld [tilespmem:$0x4000];
	[tilespmem:$0x42B0] =	vst v15;
	v7 =	vmov s18;
	s18 =	sadd.s32 s18, s23;
	v16 =	vsel vm3, $0xFFFFFFFF, v16;
	vm3 =	veq.s32 v46, v4  }
0x30d: {  	v56 =	vld [tilespmem:$0x4270];
	[tilespmem:$0x42E0] =	vst v18;
	s24 =	spop (v2sf);
	v34 =	vbroadcast v34, $0x0;
	v6 =	vadd.s32 $0xFFFFFFFF, v7;
	v52 =	vmov s18  }
0x30e: {  	v53 =	vld [tilespmem:$0x4250];
	[tilespmem:$0x42F0] =	vst v17;
	s18 =	sadd.s32 s18, s24;
	v7 =	vadd.s32 v57, v26;
	v6 =	vbroadcast v6, $0x0;
	v26 =	vadd.s32 $0xFFFFFFFF, v52;
	s25 =	spop (v2sf)  }
0x30f: {  	v58 =	vld [tilespmem:$0x4280];
	[tilespmem:$0x4210] =	vst v20;
	v54 =	vmov s18;
	v28 =	vadd.s32 v61, v34;
	v26 =	vbroadcast v26, $0x0;
	s18 =	sadd.s32 s18, s25  }
0x310: {  	s16 =	simm.s32 $0x2;
	v38 =	vld [tilespmem:$0x4260];
	[tilespmem:$0x4220] =	vst v45;
	v37 =	vadd.s32 $0xFFFFFFFF, v54;
	v7 =	vsel vm6, v7, v36;
	s26 =	spop (v2sf);
	v57 =	vmov s18  }
0x311: {  	v59 =	vld [tilespmem:$0x4290];
	[tilespmem:$0x1FFC0] =	vst v13;
	vm6 =	veq.s32 v8, s16;
	v6 =	vadd.s32 v62, v6;
	s18 =	sadd.s32 s18, s26;
	v13 =	vadd.s32 $0xFFFFFFFF, v57  }
0x312: {  	(xrf0) =	vadd.scan.msk.s32 $0xffff, v10;
	v61 =	vld [tilespmem:$0x42A0];
	v9 =	vbroadcast v37, $0x0;
	v60 =	vmov s18;
	v13 =	vbroadcast v13, $0x0  }
0x313: {  	[tilespmem:$0x1FFD0] =	vst v14;
	v15 =	vsel vm7, v28, v53;
	v12 =	vadd.s32 v63, v26;
	v14 =	vadd.s32 $0xFFFFFFFF, v60  }
0x314: {  	[tilespmem:$0x4230] =	vst v22;
	v14 =	vbroadcast v14, $0x0;
	v11 =	vadd.s32 v11, v13;
	v13 =	vimm.s32 $0x0  }
0x315: {  	v55 =	vld [tilespmem:$0x4010];
	[tilespmem:$0x1FFE0] =	vst v16;
	v6 =	vsel vm8, v6, v38;
	v9 =	vadd.s32 v40, v9;
	v13 =	vsel vm3, $0xFFFFFFFF, v13;
	s28 =	spop (v2sf)  }
0x316: {  	v44 =	vld [tilespmem:$0x4050];
	v12 =	vsel vm4, v12, v56;
	v9 =	vsel vm10, v9, v58;
	[tilespmem:$0x1FFF0] =	vst v13;
	v13 =	vadd.s32 v47, v14;
	s18 =	sadd.s32 s18, s28;
	s29 =	spop (v2sf)  }
0x317: {  	v17 =	vld [tilespmem:$0x42B0];
	[tilespmem:$0x4240] =	vst v7;
	v11 =	vsel vm5, v11, v59;
	v8 =	vsel vm11, v13, v61;
	v16 =	vmov s18;
	s18 =	sadd.s32 s18, s29;
	s30 =	spop (v2sf)  }
0x318: {  	v62 =	vld [tilespmem:$0x42C0];
	[tilespmem:$0x4250] =	vst v15;
	v13 =	vsel vm6, $0x1, v0;
	v16 =	vadd.s32 $0xFFFFFFFF, v16;
	v20 =	vmov s18;
	s18 =	sadd.s32 s18, s30  }
0x319: {  	v63 =	vld [tilespmem:$0x4020];
	[tilespmem:$0x4260] =	vst v6;
	v10 =	vbroadcast v16, $0x0;
	v16 =	vadd.s32 $0xFFFFFFFF, v20;
	s31 =	spop (v2sf);
	v7 =	vmov s18  }
0x31a: {  	vm5 =	veq.s32 v55, s16;
	v14 =	vld [tilespmem:$0x4030];
	(xrf0) =	vadd.scan.msk.s32 $0xffff, v13;
	v13 =	vbroadcast v16, $0x0;
	s21 =	spop (v2sf);
	v7 =	vadd.s32 $0xFFFFFFFF, v7  }
0x31b: {  	[tilespmem:$0x4270] =	vst v12;
	v18 =	vsel vm5, $0x1, v0;
	v20 =	vld [tilespmem:$0x4040];
	v10 =	vadd.s32 v48, v10;
	s18 =	sadd.s32 s18, s21;
	v6 =	vbroadcast v7, $0x0  }
0x31c: {  	(xrf0) =	vadd.scan.msk.s32 $0xffff, v18;
	v16 =	vld [tilespmem:$0x42D0];
	v7 =	vadd.s32 v49, v13;
	v13 =	vsel vm1, v10, v17;
	v10 =	vmov s18  }
0x31d: {  	vm13 =	veq.s32 v44, s16;
	v5 =	vimm.s32 $0x0;
	[tilespmem:$0x4280] =	vst v9;
	s18 =	sadd.s32 s18, s31;
	v9 =	vadd.s32 $0xFFFFFFFF, v10  }
0x31e: {  	vm7 =	veq.s32 v63, s16;
	[tilespmem:$0x4290] =	vst v11;
	v10 =	vmov s18;
	v9 =	vbroadcast v9, $0x0  }
0x31f: {  	v15 =	vld [tilespmem:$0x42E0];
	[tilespmem:$0x42A0] =	vst v8;
	vm10 =	veq.s32 v14, s16;
	v7 =	vsel vm0, v7, v62;
	v6 =	vadd.s32 v35, v6  }
0x320: {  	v18 =	vld [tilespmem:$0x4070];
	v17, _, _ =	vpop (xrf0);
	vm1 =	veq.s32 v20, s16;
	v8 =	vadd.s32 $0xFFFFFFFF, v10;
	[tilespmem:$0x42C0] =	vst v7;
	v7 =	vimm.s32 $0x0  }
0x321: {  	v14 =	vld [tilespmem:$0x42F0];
	[tilespmem:$0x42B0] =	vst v13;
	v11 =	vsel vm2, v6, v16;
	v6 =	vsel vm7, $0x1, v0;
	v13 =	vbroadcast v8, $0x0;
	v10, _, _ =	vpop (xrf0)  }
0x322: {  	s17 =	sadd.s32 s17, s19;
	s19 =	simm.s32 $0x3;
	v16 =	vld [tilespmem:$0x4060];
	v8 =	vimm.s32 $0x0;
	(xrf0) =	vadd.scan.msk.s32 $0xffff, v6;
	v12 =	vadd.s32 v19, v9;
	v6 =	vimm.s32 $0x0;
	v9, _, _ =	vpop (xrf0)  }
.LBB2_66:
0x323: {  	_ = 	snop  }
0x324: {  	vm2 =	vmmov vm13  }
0x325: {  	[tilespmem:$0x42D0] =	vst v11;
	v11 =	vsel vm12, v12, v15;
	v12 =	vadd.s32 v17, v13;
	v13 =	vimm.s32 $0x0  }
0x326: {  	v13 =	vsel vm2, $0xFFFFFFFF, v13  }
0x327: {  	vm0 =	vmmov vm10;
	[tilespmem:$0x1FF90] =	vst v13;
	v13 =	vimm.s32 $0x0  }
0x328: {  	v19 =	vsel vm10, $0x1, v0;
	v13 =	vsel vm0, $0xFFFFFFFF, v13;
	vm0 =	vmmov vm1  }
0x329: {  	(xrf0) =	vadd.scan.msk.s32 $0xffff, v19;
	[tilespmem:$0x1FF80] =	vst v13;
	v13 =	vsel vm0, $0x1, v0  }
0x32a: {  	[tilespmem:$0x42E0] =	vst v11;
	v11 =	vsel vm9, v12, v14;
	v12 =	vsel vm2, $0x1, v0;
	(xrf0) =	vadd.scan.msk.s32 $0xffff, v13  }
0x32b: {  	(xrf0) =	vadd.scan.msk.s32 $0xffff, v12;
	v12 =	vld [tilespmem:$0x1FFC0];
	_ =	sdelay $0x4  }
0x32c: {  	vm1 =	vnez.u8 v12;
	v12 =	vld [tilespmem:$0x1FFD0]  }
0x32d: {  	v20 =	vld [tilespmem:$0x4080];
	_ =	sdelay $0x2  }
0x32e: {  	vm14 =	veq.s32 v18, s16;
	vm2 =	veq.s32 v16, s16  }
0x32f: {  	v5 =	vsel vm1, s17, v5;
	vm1 =	vnez.u8 v12;
	v12 =	vsel vm2, $0x1, v0  }
0x330: {  	v22 =	vld [tilespmem:$0x4050];
	v15 =	vsel vm14, $0x1, v0;
	v19, _, _ =	vpop (xrf0);
	v8 =	vsel vm1, s17, v8;
	vm1 =	veq.s32 v20, s16;
	(xrf0) =	vadd.scan.msk.s32 $0xffff, v12  }
0x331: {  	v12 =	vsel vm1, $0x1, v0;
	(xrf0) =	vadd.scan.msk.s32 $0xffff, v15;
	v15 =	vld [tilespmem:$0x1FFE0]  }
0x332: {  	(v2sf) =	vpush v17, $0xF;
	v20, _, _ =	vpop (xrf0);
	(xrf0) =	vadd.scan.msk.s32 $0xffff, v12;
	v12 =	vld [tilespmem:$0x1FFF0]  }
0x333: {  	(v2sf) =	vpush v10, $0xF;
	v10 =	vadd.s32 $0xFFFFFFFF, v10  }
0x334: {  	v24 =	vmov s15;
	(v2sf) =	vpush v9, $0xF;
	v55 =	vbroadcast v10, $0xF;
	v17 =	vld [tilespmem:$0x40B0]  }
0x335: {  	v31 =	vimm.s32 $0x0;
	v18 =	vimm.s32 $0x0;
	v14 =	vld [tilespmem:$0x4090];
	v16 =	vimm.s32 $0x0  }
0x336: {  	v9 =	vadd.s32 v9, v55;
	v13 =	vld [tilespmem:$0x40A0];
	v16 =	vsel vm1, $0xFFFFFFFF, v16;
	vm1 =	vnez.u8 v15  }
0x337: {  	vm13 =	veq.s32 v22, s19;
	v7 =	vsel vm1, s17, v7;
	vm1 =	vnez.u8 v12  }
0x338: {  	v25 =	vld [tilespmem:$0x4030];
	v12 =	vimm.s32 $0x0;
	v6 =	vsel vm1, s17, v6;
	vm1 =	vmmov vm6  }
0x339: {  	s15 =	smov.u32 s16;
	[tilespmem:$0x42F0] =	vst v11;
	v11 =	vimm.s32 $0x0;
	(v2sf) =	vpush v19, $0xF;
	v15 =	vld [tilespmem:$0x40C0];
	v12 =	vsel vm1, $0xFFFFFFFF, v12  }
0x33a: {  	v32 =	vld [tilespmem:$0x4200];
	v11 =	vsel vm2, $0xFFFFFFFF, v11;
	vm4 =	veq.s32 v17, s15;
	vm15 =	veq.s32 v14, s16;
	[tilespmem:$0x1FF50] =	vst v12  }
0x33b: {  	v17 =	vsel vm4, $0x1, v0;
	vm3 =	veq.s32 v13, s16;
	(v2sf) =	vpush v20, $0xF;
	v21, _, _ =	vpop (xrf0);
	v47 =	vld [tilespmem:$0x1FF50]  }
0x33c: {  	[tilespmem:$0x1FFA0] =	vst v11;
	v11 =	vld [tilespmem:$0x40F0];
	v13 =	vsel vm3, $0x1, v0;
	(v2sf) =	vpush v21, $0xF;
	v23, _, _ =	vpop (xrf0);
	vm1 =	vmmov vm5  }
0x33d: {  	v14 =	vld [tilespmem:$0x40D0];
	[tilespmem:$0x1FFB0] =	vst v16;
	(v2sf) =	vpush v23, $0xF;
	v12 =	vsel vm15, $0x1, v0;
	v18 =	vsel vm1, $0xFFFFFFFF, v18  }
0x33e: {  	v16 =	vld [tilespmem:$0x40E0];
	v26, _, _ =	vpop (xrf0);
	vm1 =	vmmov vm7;
	(xrf0) =	vadd.scan.msk.s32 $0xffff, v12;
	v12 =	vimm.s32 $0x0;
	vm8 =	veq.s32 v15, s15  }
0x33f: {  	v27, _, _ =	vpop (xrf0);
	v15 =	vimm.s32 $0x0;
	v12 =	vsel vm1, $0xFFFFFFFF, v12;
	(xrf0) =	vadd.scan.msk.s32 $0xffff, v13;
	vm1 =	veq.s32 v24, v1  }
0x340: {  	[tilespmem:$0x1FF60] =	vst v18;
	v18, _, _ =	vpop (xrf0);
	(xrf0) =	vadd.scan.msk.s32 $0xffff, v17;
	v15 =	vsel vm1, $0xFFFFFFFF, v15;
	vm11 =	vnez.u8 v47  }
0x341: {  	v28 =	vld [tilespmem:$0x4000];
	vm10 =	veq.s32 v25, s19;
	s28 =	spop (v2sf);
	(v2sf) =	vpush v26, $0xF;
	[tilespmem:$0x1FFC0] =	vst v15;
	v10 =	vsel vm11, v10, v32  }
0x342: {  	vm9 =	veq.s32 v11, s15;
	s29 =	spop (v2sf);
	vm2 =	veq.s32 v14, s15;
	v15 =	vsel vm8, $0x1, v0;
	[tilespmem:$0x4200] =	vst v10;
	v10 =	vld [tilespmem:$0x1FF60]  }
0x343: {  	v38 =	vld [tilespmem:$0x4210];
	s20 =	spop (v2sf);
	vm12 =	veq.s32 v16, s15;
	v16 =	vsel vm2, $0x1, v0;
	(v2sf) =	vpush v27, $0xF  }
0x344: {  	v29 =	vld [tilespmem:$0x4010];
	v11 =	vimm.s32 $0x0;
	v14 =	vsel vm12, $0x1, v0;
	s17 =	sadd.s32 s18, s28;
	s18 =	sadd.s32 s29, s20;
	(v2sf) =	vpush v18, $0xF;
	v17, _, _ =	vpop (xrf0);
	(xrf0) =	vadd.scan.msk.s32 $0xffff, v15  }
0x345: {  	v56 =	vmov s18;
	vm1 =	veq.s32 v24, v2;
	(v2sf) =	vpush v17, $0xF;
	(xrf0) =	vadd.scan.msk.s32 $0xffff, v14;
	v15, _, _ =	vpop (xrf0)  }
0x346: {  	v30 =	vsel vm1, $0xFFFFFFFF, v31;
	vm1 =	veq.s32 v24, v3;
	(xrf0) =	vadd.scan.msk.s32 $0xffff, v16;
	(v2sf) =	vpush v15, $0xF;
	v16, _, _ =	vpop (xrf0)  }
0x347: {  	v13 =	vld [tilespmem:$0x4020];
	v14 =	vimm.s32 $0x0;
	(v2sf) =	vpush v16, $0xF;
	vm11 =	vnez.u8 v10  }
0x348: {  	s30 =	spop (v2sf);
	v57 =	vadd.s32 $0xFFFFFFFF, v56;
	[tilespmem:$0x1FF70] =	vst v12;
	v12 =	vld [tilespmem:$0x4040];
	v14 =	vsel vm1, $0xFFFFFFFF, v14;
	v9 =	vsel vm11, v9, v38  }
0x349: {  	vm6 =	veq.s32 v28, s19;
	vm5 =	veq.s32 v29, s19;
	s18 =	sadd.s32 s18, s30;
	v29 =	vbroadcast v57, $0x0;
	[tilespmem:$0x4210] =	vst v9;
	v9 =	vld [tilespmem:$0x1FF70]  }
0x34a: {  	v33 =	vld [tilespmem:$0x4220];
	v52 =	vsel vm9, $0x1, v0;
	v53 =	vsel vm6, $0x1, v0;
	v58 =	vmov s18;
	[tilespmem:$0x1FFD0] =	vst v30  }
0x34b: {  	v54 =	vsel vm5, $0x1, v0;
	v19 =	vadd.s32 v19, v29;
	v30 =	vadd.s32 $0xFFFFFFFF, v58;
	[tilespmem:$0x1FFE0] =	vst v14;
	v14, _, _ =	vpop (xrf0)  }
0x34c: {  	s31 =	spop (v2sf);
	v59 =	vbroadcast v30, $0x0;
	vm1 =	veq.s32 v24, v4;
	(v2sf) =	vpush v14, $0xF  }
0x34d: {  	vm7 =	veq.s32 v13, s19;
	s18 =	sadd.s32 s18, s31;
	v11 =	vsel vm1, $0xFFFFFFFF, v11;
	vm1 =	veq.s32 v12, s19;
	v12, _, _ =	vpop (xrf0)  }
0x34e: {  	s21 =	spop (v2sf);
	v60 =	vmov s18;
	v13, _, _ =	vpop (xrf0);
	(v2sf) =	vpush v12, $0xF;
	vm11 =	vnez.u8 v9  }
0x34f: {  	s18 =	sadd.s32 s18, s21;
	s22 =	spop (v2sf);
	v61 =	vadd.s32 $0xFFFFFFFF, v60;
	(v2sf) =	vpush v13, $0xF;
	v9 =	vsel vm11, v19, v33  }
0x350: {  	v20 =	vadd.s32 v20, v59;
	v62 =	vmov s18;
	s18 =	sadd.s32 s18, s22;
	v29 =	vbroadcast v61, $0x0;
	s23 =	spop (v2sf);
	[tilespmem:$0x4220] =	vst v9;
	v9 =	vld [tilespmem:$0x1FF80]  }
0x351: {  	v34 =	vld [tilespmem:$0x4230];
	v30 =	vadd.s32 $0xFFFFFFFF, v62;
	v63 =	vmov s18;
	[tilespmem:$0x1FFF0] =	vst v11;
	v11 =	vsel vm7, $0x1, v0;
	s18 =	sadd.s32 s18, s23  }
0x352: {  	v43 =	vld [tilespmem:$0x4240];
	v36 =	vbroadcast v30, $0x0;
	v37 =	vadd.s32 $0xFFFFFFFF, v63;
	s24 =	spop (v2sf);
	v40 =	vmov s18  }
0x353: {  	v21 =	vadd.s32 v21, v29;
	v39 =	vbroadcast v37, $0x0;
	s18 =	sadd.s32 s18, s24;
	v41 =	vadd.s32 $0xFFFFFFFF, v40;
	s25 =	spop (v2sf)  }
0x354: {  	v23 =	vadd.s32 v23, v36;
	v42 =	vmov s18;
	(xrf0) =	vadd.scan.msk.s32 $0xffff, v52;
	v28 =	vbroadcast v41, $0x0;
	s18 =	sadd.s32 s18, s25;
	v19 =	vld [tilespmem:$0x4270];
	s26 =	spop (v2sf)  }
0x355: {  	v48 =	vld [tilespmem:$0x4250];
	v30 =	vadd.s32 $0xFFFFFFFF, v42;
	(xrf0) =	vadd.scan.msk.s32 $0xffff, v53;
	v35 =	vmov s18;
	s18 =	sadd.s32 s18, s26;
	s28 =	spop (v2sf);
	vm11 =	vnez.u8 v9  }
0x356: {  	v50 =	vld [tilespmem:$0x4260];
	v45 =	vbroadcast v30, $0x0;
	(xrf0) =	vadd.scan.msk.s32 $0xffff, v54;
	v49 =	vmov s18;
	s18 =	sadd.s32 s18, s28;
	s29 =	spop (v2sf);
	v9 =	vsel vm11, v20, v34  }
0x357: {  	v60 =	vld [tilespmem:$0x42C0];
	v46 =	vadd.s32 $0xFFFFFFFF, v35;
	v51 =	vmov s18;
	s18 =	sadd.s32 s18, s29;
	[tilespmem:$0x4230] =	vst v9;
	v9 =	vsel vm0, v21, v43  }
0x358: {  	v27 =	vadd.s32 v27, v28;
	v10 =	vbroadcast v46, $0x0;
	v54 =	vmov s18;
	[tilespmem:$0x4240] =	vst v9;
	v9 =	vld [tilespmem:$0x1FF90]  }
0x359: {  	v56 =	vld [tilespmem:$0x1FFA0];
	v28 =	vadd.s32 $0xFFFFFFFF, v49;
	v19 =	vsel vm14, v27, v19;
	v29 =	vadd.s32 $0xFFFFFFFF, v54  }
0x35a: {  	v44 =	vadd.s32 v26, v39;
	v28 =	vbroadcast v28, $0x0;
	[tilespmem:$0x4270] =	vst v19;
	v19 =	vld [tilespmem:$0x1FFB0];
	v59 =	vbroadcast v29, $0x0  }
0x35b: {  	v18 =	vadd.s32 v18, v45;
	v52 =	vadd.s32 v17, v10;
	v26 =	vadd.s32 $0xFFFFFFFF, v51;
	v20 =	vld [tilespmem:$0x4280];
	s30 =	spop (v2sf)  }
0x35c: {  	v53 =	vld [tilespmem:$0x4290];
	v26 =	vbroadcast v26, $0x0;
	v57 =	vadd.s32 v15, v28;
	s18 =	sadd.s32 s18, s30;
	v62 =	vadd.s32 v14, v59  }
0x35d: {  	v55 =	vld [tilespmem:$0x42A0];
	s31 =	spop (v2sf);
	v15 =	vmov s18;
	v22 =	vsel vm8, v62, v60;
	vm0 =	vnez.u8 v9  }
0x35e: {  	v58 =	vld [tilespmem:$0x42B0];
	s21 =	spop (v2sf);
	v15 =	vadd.s32 $0xFFFFFFFF, v15;
	[tilespmem:$0x42C0] =	vst v22;
	v23 =	vsel vm0, v23, v48;
	vm0 =	vnez.u8 v56  }
0x35f: {  	p0 =	sne.s32 s19, $0x3F;
	s18 =	sadd.s32 s18, s21;
	v61 =	vbroadcast v15, $0x0;
	[tilespmem:$0x4250] =	vst v23;
	v23 =	vsel vm0, v44, v50;
	vm0 =	vnez.u8 v19;
	v19 =	vld [tilespmem:$0x42D0]  }
.Ltmp32:
0x360: {  	v16 =	vadd.s32 v16, v26;
	[tilespmem:$0x4260] =	vst v23;
	v18 =	vsel vm0, v18, v20;
	v20 =	vmov s18;
	(pc) =	sbr.rel @p0 .LBB2_66-.Ltmp32, $4  }
0x361: {  	v17, _, _ =	vpop (xrf0);
	v14 =	vld [tilespmem:$0x42F0];
	v21 =	vadd.s32 v13, v61;
	s18 =	sadd.s32 s18, s31;
	[tilespmem:$0x4280] =	vst v18;
	v18 =	vsel vm15, v52, v53;
	v20 =	vadd.s32 $0xFFFFFFFF, v20  }
0x362: {  	v10, _, _ =	vpop (xrf0);
	v15 =	vld [tilespmem:$0x42E0];
	v63 =	vmov s18;
	[tilespmem:$0x4290] =	vst v18;
	v18 =	vsel vm3, v57, v55;
	v20 =	vbroadcast v20, $0x0  }
0x363: {  	v9, _, _ =	vpop (xrf0);
	(xrf0) =	vadd.scan.msk.s32 $0xffff, v11;
	v23 =	vadd.s32 $0xFFFFFFFF, v63;
	[tilespmem:$0x42A0] =	vst v18;
	v18 =	vsel vm4, v16, v58;
	v16 =	vld [tilespmem:$0x4060]  }
0x364: {  	s16 =	smov.u32 s19;
	s19 =	sadd.s32 $0x1, s19;
	v13 =	vbroadcast v23, $0x0;
	[tilespmem:$0x42B0] =	vst v18;
	v18 =	vld [tilespmem:$0x4070];
	v11 =	vsel vm2, v21, v19;
	v12 =	vadd.s32 v12, v20  }
0x365: {  	v19 =	vsel vm10, $0x1, v0;
	(v2sf) =	vpush v17, $0xF  }
0x366: {  	vm14 =	vmmov vm1;
	(xrf0) =	vadd.scan.msk.s32 $0xffff, v19;
	(v2sf) =	vpush v10, $0xF  }
0x367: {  	vm13 =	vmmov vm13;
	v20 =	vsel vm14, $0x1, v0;
	(v2sf) =	vpush v9, $0xF  }
0x368: {  	v53 =	vld [tilespmem:$0x4080];
	v21 =	vsel vm13, $0x1, v0;
	(xrf0) =	vadd.scan.msk.s32 $0xffff, v20  }
0x369: {  	v54 =	vld [tilespmem:$0x4090];
	(xrf0) =	vadd.scan.msk.s32 $0xffff, v21;
	vm15 =	veq.s32 v16, s16;
	v55, _, _ =	vpop (xrf0)  }
0x36a: {  	v16 =	vsel vm15, $0x1, v0;
	(v2sf) =	vpush v55, $0xF  }
0x36b: {  	v56 =	vld [tilespmem:$0x40A0];
	vm4 =	veq.s32 v18, s16;
	(xrf0) =	vadd.scan.msk.s32 $0xffff, v16  }
0x36c: {  	v57 =	vld [tilespmem:$0x40B0];
	v22 =	vsel vm4, $0x1, v0;
	v58, _, _ =	vpop (xrf0)  }
0x36d: {  	v60 =	vld [tilespmem:$0x40C0];
	vm8 =	veq.s32 v53, s16;
	(xrf0) =	vadd.scan.msk.s32 $0xffff, v22;
	(v2sf) =	vpush v58, $0xF  }
0x36e: {  	v24 =	vld [tilespmem:$0x40E0];
	vm11 =	veq.s32 v54, s16;
	v59 =	vsel vm8, $0x1, v0;
	v23, _, _ =	vpop (xrf0)  }
0x36f: {  	v26 =	vld [tilespmem:$0x40D0];
	v41 =	vadd.s32 $0xFFFFFFFF, v10;
	v61 =	vsel vm11, $0x1, v0;
	(xrf0) =	vadd.scan.msk.s32 $0xffff, v59;
	(v2sf) =	vpush v23, $0xF;
	v25, _, _ =	vpop (xrf0)  }
0x370: {  	v37 =	vld [tilespmem:$0x4200];
	vm6 =	vmmov vm6;
	vm5 =	vmmov vm5;
	(xrf0) =	vadd.scan.msk.s32 $0xffff, v61;
	(v2sf) =	vpush v25, $0xF  }
0x371: {  	v39 =	vld [tilespmem:$0x4210];
	v13 =	vadd.s32 v17, v13;
	v12 =	vsel vm12, v12, v15;
	vm12 =	veq.s32 v56, s16;
	v63, _, _ =	vpop (xrf0)  }
0x372: {  	v43 =	vld [tilespmem:$0x1FFC0];
	vm0 =	veq.s32 v57, s16;
	v62 =	vsel vm12, $0x1, v0;
	(v2sf) =	vpush v63, $0xF  }
0x373: {  	v44 =	vld [tilespmem:$0x40F0];
	v42 =	vbroadcast v41, $0xF;
	vm2 =	veq.s32 v60, s16;
	v36 =	vsel vm0, $0x1, v0;
	(xrf0) =	vadd.scan.msk.s32 $0xffff, v62;
	v16, _, _ =	vpop (xrf0)  }
0x374: {  	vm1 =	veq.s32 v24, s16;
	v38 =	vsel vm2, $0x1, v0;
	(xrf0) =	vadd.scan.msk.s32 $0xffff, v36;
	(v2sf) =	vpush v16, $0xF;
	s19 =	spop (v2sf)  }
0x375: {  	v13 =	vsel vm9, v13, v14;
	vm3 =	veq.s32 v26, s16;
	v24 =	vsel vm1, $0x1, v0;
	v40, _, _ =	vpop (xrf0);
	(xrf0) =	vadd.scan.msk.s32 $0xffff, v38;
	s20 =	spop (v2sf)  }
0x376: {  	v45 =	vadd.s32 v9, v42;
	v26 =	vsel vm3, $0x1, v0;
	v15, _, _ =	vpop (xrf0);
	(xrf0) =	vadd.scan.msk.s32 $0xffff, v24;
	(v2sf) =	vpush v40, $0xF;
	s21 =	spop (v2sf)  }
0x377: {  	vm9 =	vnez.u8 v43;
	v10 =	vsel vm6, v41, v37;
	(xrf0) =	vadd.scan.msk.s32 $0xffff, v26;
	(v2sf) =	vpush v15, $0xF;
	s20 =	sadd.s32 s20, s21  }
0x378: {  	v48 =	vld [tilespmem:$0x4220];
	v9 =	vsel vm5, v45, v39;
	vm5 =	veq.s32 v44, s16;
	v47 =	vmov s20  }
0x379: {  	v54 =	vld [tilespmem:$0x1FFE0];
	v5 =	vsel vm9, s17, v5;
	vm9 =	vmmov vm10;
	v46, _, _ =	vpop (xrf0);
	s25 =	spop (v2sf);
	v20 =	vadd.s32 $0xFFFFFFFF, v47  }
0x37a: {  	vm10 =	vmmov vm7;
	(v2sf) =	vpush v46, $0xF;
	v26, _, _ =	vpop (xrf0);
	s20 =	sadd.s32 s20, s25;
	v20 =	vbroadcast v20, $0x0  }
0x37b: {  	v29 =	vld [tilespmem:$0x4230];
	v14 =	vsel vm5, $0x1, v0;
	v27, _, _ =	vpop (xrf0);
	(v2sf) =	vpush v26, $0xF;
	v28 =	vmov s20  }
0x37c: {  	v33 =	vld [tilespmem:$0x1FFD0];
	v30, _, _ =	vpop (xrf0);
	(v2sf) =	vpush v27, $0xF;
	v28 =	vadd.s32 $0xFFFFFFFF, v28;
	s26 =	spop (v2sf);
	v20 =	vadd.s32 v55, v20  }
0x37d: {  	v31, _, _ =	vpop (xrf0);
	(v2sf) =	vpush v30, $0xF;
	v28 =	vbroadcast v28, $0x0;
	v20 =	vsel vm10, v20, v48;
	s20 =	sadd.s32 s20, s26  }
0x37e: {  	s28 =	spop (v2sf);
	(v2sf) =	vpush v31, $0xF;
	vm10 =	vnez.u8 v54;
	v49 =	vmov s20  }
0x37f: {  	v50 =	vld [tilespmem:$0x4240];
	s20 =	sadd.s32 s20, s28;
	s29 =	spop (v2sf);
	v7 =	vsel vm10, s17, v7;
	v19 =	vadd.s32 v58, v28;
	v21 =	vadd.s32 $0xFFFFFFFF, v49  }
0x380: {  	v52 =	vld [tilespmem:$0x4250];
	(xrf0) =	vadd.scan.msk.s32 $0xffff, v14;
	v51 =	vmov s20;
	s20 =	sadd.s32 s20, s29;
	v19 =	vsel vm9, v19, v29;
	v21 =	vbroadcast v21, $0x0  }
0x381: {  	v32 =	vld [tilespmem:$0x4260];
	v28 =	vadd.s32 $0xFFFFFFFF, v51;
	v53 =	vmov s20;
	vm9 =	vnez.u8 v33;
	s30 =	spop (v2sf)  }
0x382: {  	v8 =	vsel vm9, s17, v8;
	v28 =	vbroadcast v28, $0x0;
	v29 =	vadd.s32 $0xFFFFFFFF, v53;
	s20 =	sadd.s32 s20, s30  }
0x383: {  	v36 =	vld [tilespmem:$0x1FFF0];
	s31 =	spop (v2sf);
	v21 =	vadd.s32 v23, v21;
	v55 =	vbroadcast v29, $0x0;
	v56 =	vmov s20  }
0x384: {  	s20 =	sadd.s32 s20, s31;
	v21 =	vsel vm14, v21, v50;
	v25 =	vadd.s32 v25, v28;
	v24 =	vadd.s32 $0xFFFFFFFF, v56  }
0x385: {  	s22 =	spop (v2sf);
	v58 =	vmov s20;
	v14 =	vsel vm13, v25, v52;
	v17 =	vadd.s32 v63, v55  }
0x386: {  	[tilespmem:$0x42D0] =	vst v11;
	v57 =	vld [tilespmem:$0x4270];
	s20 =	sadd.s32 s20, s22;
	v24 =	vbroadcast v24, $0x0;
	s23 =	spop (v2sf);
	v11 =	vadd.s32 $0xFFFFFFFF, v58;
	v17 =	vsel vm15, v17, v32;
	v28, _, _ =	vpop (xrf0)  }
0x387: {  	[tilespmem:$0x42E0] =	vst v12;
	v60 =	vmov s20;
	s20 =	sadd.s32 s20, s23;
	v11 =	vbroadcast v11, $0x0;
	(v2sf) =	vpush v28, $0xF  }
0x388: {  	[tilespmem:$0x42F0] =	vst v13;
	v59 =	vld [tilespmem:$0x4280];
	vm15 =	vnez.u8 v36;
	v12 =	vadd.s32 $0xFFFFFFFF, v60;
	v62 =	vmov s20  }
0x389: {  	[tilespmem:$0x4200] =	vst v10;
	v61 =	vld [tilespmem:$0x4290];
	v6 =	vsel vm15, s17, v6;
	v39 =	vadd.s32 v16, v24;
	v60 =	vmov s15  }
0x38a: {  	[tilespmem:$0x4210] =	vst v9;
	s24 =	spop (v2sf);
	v37 =	vbroadcast v12, $0x0;
	v38 =	vadd.s32 $0xFFFFFFFF, v62;
	v40 =	vadd.s32 v40, v11  }
0x38b: {  	[tilespmem:$0x4220] =	vst v20;
	v63 =	vld [tilespmem:$0x42A0];
	v42 =	vsel vm4, v39, v57;
	s17 =	sadd.s32 s20, s24;
	vm9 =	veq.s32 v60, v2;
	v62 =	vmov s16  }
0x38c: {  	[tilespmem:$0x4230] =	vst v19;
	vm10 =	veq.s32 v60, v3;
	s25 =	spop (v2sf);
	v41 =	vbroadcast v38, $0x0;
	v43 =	vmov s17  }
0x38d: {  	v44 =	vld [tilespmem:$0x42B0];
	[tilespmem:$0x4240] =	vst v21;
	v9 =	vsel vm8, v40, v59;
	v10 =	vadd.s32 v15, v37;
	s26 =	spop (v2sf);
	s17 =	sadd.s32 s17, s25;
	v13 =	vadd.s32 $0xFFFFFFFF, v43  }
0x38e: {  	[tilespmem:$0x4250] =	vst v14;
	v10 =	vsel vm11, v10, v61;
	v11 =	vadd.s32 v46, v41;
	v45 =	vmov s17;
	s17 =	sadd.s32 s17, s26;
	s28 =	spop (v2sf)  }
0x38f: {  	[tilespmem:$0x4260] =	vst v17;
	v46 =	vld [tilespmem:$0x42C0];
	v13 =	vbroadcast v13, $0x0;
	v47 =	vmov s17;
	v16 =	vadd.s32 $0xFFFFFFFF, v45;
	s29 =	spop (v2sf)  }
0x390: {  	v48 =	vld [tilespmem:$0x42D0];
	[tilespmem:$0x4270] =	vst v42;
	v11 =	vsel vm12, v11, v63;
	v16 =	vbroadcast v16, $0x0;
	v50 =	vadd.s32 $0xFFFFFFFF, v47;
	s17 =	sadd.s32 s17, s29  }
0x391: {  	v51 =	vld [tilespmem:$0x42E0];
	[tilespmem:$0x4280] =	vst v9;
	v52 =	vadd.s32 v26, v13;
	v53 =	vbroadcast v50, $0x0;
	v49 =	vmov s17;
	s17 =	sadd.s32 s17, s28  }
0x392: {  	v55 =	vld [tilespmem:$0x42F0];
	[tilespmem:$0x4290] =	vst v10;
	v12 =	vsel vm0, v52, v44;
	v54 =	vmov s17;
	v56 =	vadd.s32 $0xFFFFFFFF, v49  }
0x393: {  	[tilespmem:$0x42A0] =	vst v11;
	v16 =	vadd.s32 v27, v16;
	v17 =	vadd.s32 $0xFFFFFFFF, v54;
	v9 =	vbroadcast v56, $0x0  }
0x394: {  	[tilespmem:$0x42B0] =	vst v12;
	v57 =	vadd.s32 v31, v53;
	v59 =	vsel vm2, v16, v46;
	v58 =	vbroadcast v17, $0x0  }
0x395: {  	vm13 =	veq.s32 v60, v4;
	v10 =	vsel vm3, v57, v48;
	[tilespmem:$0x42C0] =	vst v59;
	v9 =	vadd.s32 v30, v9  }
0x396: {  	s30 =	sadd.s32 s18, s19;
	vm8 =	veq.s32 v60, v1;
	[tilespmem:$0x42D0] =	vst v10;
	v61 =	vadd.s32 v28, v58;
	v9 =	vsel vm1, v9, v51;
	s31 =	spop (v2sf)  }
0x397: {  	v5 =	vsel vm8, s30, v5;
	vm11 =	veq.s32 v62, v1;
	v12 =	vsel vm5, v61, v55;
	[tilespmem:$0x42E0] =	vst v9;
	s16 =	sadd.s32 s17, s31  }
0x398: {  	v8 =	vsel vm9, s30, v8;
	vm12 =	veq.s32 v62, v2;
	[tilespmem:$0x42F0] =	vst v12;
	v2 =	vsel vm11, s16, v5  }
0x399: {  	v7 =	vsel vm10, s30, v7;
	vm14 =	veq.s32 v62, v3;
	v63 =	vsel vm12, s16, v8;
	[tilespmem:$0x4300] =	vst v2  }
0x39a: {  	vm15 =	veq.s32 v62, v4;
	v3 =	vsel vm14, s16, v7;
	v2 =	vsel vm13, s30, v6;
	[tilespmem:$0x4310] =	vst v63  }
0x39b: {  	[tilespmem:$0x4320] =	vst v3;
	v2 =	vsel vm15, s16, v2  }
0x39c: {  	[tilespmem:$0x4330] =	vst v2  }
0x39d: {  	[hbm4b:s4+s2] =	stream.linear.scatter [tilespmem:s10], [sflag:$0x1], $0x100, $0x38;
	[tilespmem:$0x4380] =	vst v63  }
0x39e: {  	_ =	swait.ge [sflag:s9], $0x100  }
0x39f: {  	[sflag:s9] =	ssyncset.done $0x0  }
0x3a0: {  	[sflag:s9] =	ssyncadd.s32 $0xFFFFFF00  }
0x3a1: {  	[hbm4b:s5+s2] =	stream.linear.scatter [tilespmem:s11], [sflag:$0x1], $0x100, $0x38;
	[tilespmem:$0x4380] =	vst v63  }
0x3a2: {  	_ =	swait.ge [sflag:s9], $0x100  }
0x3a3: {  	[sflag:s9] =	ssyncset.done $0x0  }
0x3a4: {  	[sflag:s9] =	ssyncadd.s32 $0xFFFFFF00  }
0x3a5: {  	[hbm4b:s6+s2] =	stream.linear.scatter [tilespmem:s12], [sflag:$0x1], $0x100, $0x38;
	[tilespmem:$0x4380] =	vst v63  }
0x3a6: {  	s14 =	sadd.s32 $0x1, s14;
	_ =	swait.ge [sflag:s9], $0x100  }
0x3a7: {  	p0 =	sne.s32 s14, s8;
	[sflag:s9] =	ssyncset.done $0x0  }
.Ltmp33:
0x3a8: {  	[sflag:s9] =	ssyncadd.s32 $0xFFFFFF00;
	(pc) =	sbr.rel @p0 .LBB2_1-.Ltmp33, $4  }
0x3a9: {  	[hbm4b:s7+s2] =	stream.linear.scatter [tilespmem:s13], [sflag:$0x1], $0x80, $0x38;
	[tilespmem:$0x4380] =	vst v63  }
0x3aa: {  	_ =	swait.ge [sflag:s9], $0x80  }
0x3ab: {  	[sflag:s9] =	ssyncset.done $0x0  }
0x3ac: {  	[sflag:s9] =	ssyncadd.s32 $0xFFFFFF80  }
0x3ad: {  	_ =	sfence.sel $0x180000  }
0x3ae: {  	[bflag:$0x0] =	sbarrier.arrive $0xFFFF  }
0x3af: {  	p0 =	sne.s32 s0, $0x0;
	_ =	strace $0x90000047  }
0x3b0: {  	s0 =	sadd.s32 @!p0 $0x100000, s1;
	[bflag:$0x2] =	sbarrier.arrive $0xFFFF  }
0x3b1: {  	[sflag:s0] =	ssyncadd.tile.s32 @!p0 $0x1;
	_ =	shalt  }
.Lfunc_end2:
_tile_overlayer_lowered:
.L_overlay_start_2:
0x3b2: {  	(tag) =	ssettag $0x2  }
0x3b3: {  	s0 =	rddreg [dreg:$0x0];
	s2 =	stileid.u32  }
0x3b4: {  	s1 =	rddreg [dreg:$0x1];
	p0 =	sne.s32 s2, $0x0  }
0x3b5: {  	s3 =	rddreg [dreg:$0x2];
	[bflag:$0x3] =	sbarrier.arrive $0xFFFF;
	s2 =	simm.s32 @!p0 $0x1C01  }
0x3b6: {  	[timem:s3], [sflag:s2] =	dma.local @!p0 [hbm:s0], s1  }
0x3b7: {  	s0 =	simm.s32 @!p0 $0x1  }
0x3b8: {  	_ =	swait.ge @!p0 [sflag:s0], s1  }
0x3b9: {  	s1 =	ssub.s32 @!p0 $0x0, s1;
	[sflag:s0] =	ssyncset.done @!p0 $0x0  }
0x3ba: {  	[sflag:s0] =	ssyncadd.s32 @!p0 s1  }
0x3bb: {  	[bflag:$0x3] =	sbarrier.arrive $0xFFFF  }
0x3bc: {  	_ =	shalt  }

</sc_bundles>
